<compile_context>
chip_gen: v7x
topology: tpu7x:2x2x1
jax: 0.10.2.dev20260603
libtpu: 0.0.44.dev20260713+nightly
codegen_flags: <defaults>
</compile_context>

<pallas_src>
import functools

import jax
import jax.numpy as jnp
from jax import lax
from jax.experimental import pallas as pl
from jax.experimental.pallas import tpu as pltpu
from jax.experimental.pallas import tpu_sc as plsc

VOCAB = 100000
HID = 768
MAXPOS = 2048
TYPES = 2
B = 4
S = 2048
C = 4
EPS = 1e-12

N = B * S
NC = 2
NSUB = 16
NW = NC * NSUB
TPW = N // NW
CHUNK = 16
NSTEP = TPW // CHUNK
LANES = 16
HB = HID // LANES

SBLK = 2048
NSB = S // SBLK


def _sc_pool(ids_flat, word_table):
    mesh = plsc.VectorSubcoreMesh(core_axis_name="c", subcore_axis_name="s")

    @functools.partial(
        pl.kernel,
        mesh=mesh,
        compiler_params=pltpu.CompilerParams(needs_layout_passes=False),
        out_type=jax.ShapeDtypeStruct((N, HID), jnp.float32),
        scratch_types=[
            pltpu.VMEM((TPW * C,), jnp.int32),
            pltpu.VMEM((CHUNK * C,), jnp.float32),
            pltpu.VMEM((2, CHUNK * C, HID), jnp.float32),
            pltpu.VMEM((2, CHUNK, HID), jnp.float32),
            pltpu.SemaphoreType.DMA,
            pltpu.SemaphoreType.DMA,
            pltpu.SemaphoreType.DMA,
            pltpu.SemaphoreType.DMA,
        ],
    )
    def k(ids_hbm, word_hbm, out_hbm, idx_all, w_v, rows_v, out_v,
          sem0, sem1, semo0, semo1):
        wid = lax.axis_index("s") * NC + lax.axis_index("c")
        base = wid * TPW
        sems = (sem0, sem1)
        semos = (semo0, semo1)
        GN = CHUNK * C // LANES

        pltpu.sync_copy(ids_hbm.at[pl.ds(base * C, TPW * C)], idx_all)

        def start(si, b):
            pltpu.async_copy(
                word_hbm.at[idx_all.at[pl.ds(si * CHUNK * C, CHUNK * C)]],
                rows_v.at[b], sems[b])

        def wait(b):
            pltpu.make_async_copy(
                word_hbm.at[idx_all.at[pl.ds(0, CHUNK * C)]],
                rows_v.at[b], sems[b]).wait()

        def compute(si, b):
            tok0 = base + si * CHUNK
            off = si * (CHUNK * C)
            iv = [idx_all[pl.ds(off + g * LANES, LANES)] for g in range(GN)]

            @pl.when(si >= 2)
            def _():
                pltpu.make_async_copy(
                    out_v.at[b], out_hbm.at[pl.ds(tok0 - 2 * CHUNK, CHUNK)],
                    semos[b]).wait()

            mn = iv[0]
            for g in range(1, GN):
                mn = jnp.minimum(mn, iv[g])
            allpos = jnp.min(mn) >= 1

            @pl.when(allpos)
            def _fast():
                @plsc.parallel_loop(0, HID, step=LANES)
                def hblk(hoff):
                    sl = pl.ds(hoff, LANES)
                    for t in range(CHUNK):
                        r = t * C
                        v = ((rows_v[b, r, sl] + rows_v[b, r + 1, sl])
                             + (rows_v[b, r + 2, sl] + rows_v[b, r + 3, sl]))
                        out_v[b, t, sl] = v * 0.25

            @pl.when(jnp.logical_not(allpos))
            def _slow():
                for g in range(GN):
                    w_v[pl.ds(g * LANES, LANES)] = (
                        jnp.minimum(iv[g], 1).astype(jnp.float32))
                lane = lax.iota(jnp.int32, LANES)
                gidx = [lane * C + c for c in range(C)]
                gw = [plsc.load_gather(w_v, [gidx[c]]) for c in range(C)]
                den = gw[0] + gw[1] + gw[2] + gw[3]
                invd = 1.0 / jnp.maximum(den, 1.0)
                for c in range(C):
                    plsc.store_scatter(w_v, [gidx[c]], gw[c] * invd)

                def tok(t, c0):
                    r = t * C
                    a = [plsc.load_gather(
                        w_v, [jnp.full((LANES,), r + c, jnp.int32)])
                        for c in range(C)]

                    def hblk(h, c1):
                        sl = pl.ds(h * LANES, LANES)
                        v = (rows_v[b, r, sl] * a[0] + rows_v[b, r + 1, sl] * a[1]
                             + rows_v[b, r + 2, sl] * a[2]
                             + rows_v[b, r + 3, sl] * a[3])
                        out_v[b, t, sl] = v
                        return c1

                    return lax.fori_loop(0, HB, hblk, c0)

                lax.fori_loop(0, CHUNK, tok, 0)

            pltpu.async_copy(out_v.at[b], out_hbm.at[pl.ds(tok0, CHUNK)],
                             semos[b])

        start(0, 0)

        def body(i, carry):
            s0 = 2 * i
            start(s0 + 1, 1)
            wait(0)
            compute(s0, 0)

            @pl.when(s0 + 2 < NSTEP)
            def _():
                start(s0 + 2, 0)

            wait(1)
            compute(s0 + 1, 1)
            return carry

        lax.fori_loop(0, NSTEP // 2, body, 0)

        for b in (0, 1):
            pltpu.make_async_copy(
                out_v.at[b],
                out_hbm.at[pl.ds(base + (NSTEP - 2 + b) * CHUNK, CHUNK)],
                semos[b]).wait()

    return k(ids_flat, word_table)


def _tc_ln(pooled, ttf3, pos_table, type_table, ln_gamma, ln_beta):

    def body(pooled_ref, ttf_ref, pos_ref, ty_ref, gam_ref, bet_ref, out_ref):
        x = pooled_ref[...]
        ptt = ttf_ref[0, 0]
        dty = ty_ref[1] - ty_ref[0]
        ty = ty_ref[0][None, :] + ptt[:, None] * dty[None, :]
        e = x + pos_ref[...] + ty
        u = jnp.mean(e, axis=-1, keepdims=True)
        s = jnp.mean((e - u) ** 2, axis=-1, keepdims=True)
        xn = (e - u) * lax.rsqrt(s + EPS)
        out_ref[...] = gam_ref[...][None, :] * xn + bet_ref[...][None, :]

    grid = (NSB, B)
    return pl.pallas_call(
        body,
        grid=grid,
        in_specs=[
            pl.BlockSpec((SBLK, HID), lambda si, bi: (bi * NSB + si, 0)),
            pl.BlockSpec((1, 1, SBLK), lambda si, bi: (bi * NSB + si, 0, 0)),
            pl.BlockSpec((SBLK, HID), lambda si, bi: (si, 0)),
            pl.BlockSpec((TYPES, HID), lambda si, bi: (0, 0)),
            pl.BlockSpec((HID,), lambda si, bi: (0,)),
            pl.BlockSpec((HID,), lambda si, bi: (0,)),
        ],
        out_specs=pl.BlockSpec((SBLK, HID), lambda si, bi: (bi * NSB + si, 0)),
        out_shape=jax.ShapeDtypeStruct((N, HID), jnp.float32),
    )(pooled, ttf3, pos_table, type_table, ln_gamma, ln_beta)


def kernel(input_ids, token_type_ids, token_ids, word_table, pos_table,
           type_table, ln_gamma, ln_beta):
    ids_flat = token_ids.astype(jnp.int32).reshape(N * C)
    pooled = _sc_pool(ids_flat, word_table)
    ttf3 = token_type_ids.astype(jnp.float32).reshape(B * NSB, 1, SBLK)
    out = _tc_ln(pooled, ttf3, pos_table, type_table, ln_gamma, ln_beta)
    return out.reshape(B, S, HID)

# --- scband reference (transcript-rebuilt; emitter-appended) ---
"""Pipeline reference for scband-bert-mlembeddings-90099823936292 (READ-ONLY COPY).

The authoritative reference and input builder live on the scoring server;
editing this copy changes nothing except your own understanding.
"""

import jax, jax.numpy as jnp
import numpy as np

VOCAB = 100000
HID = 768
MAXPOS = 2048
TYPES = 2
B = 4
S = 2048
C = 4
EPS = 1e-12


def setup_inputs(seed: int = 0) -> dict:
    key = jax.random.key(seed)
    ks = jax.random.split(key, 8)
    input_ids = jax.random.randint(ks[0], (B, S), 0, VOCAB, dtype=jnp.int64 if jax.config.jax_enable_x64 else jnp.int32)
    token_type_ids = jax.random.randint(ks[1], (B, S), 0, TYPES)
    token_ids = jax.random.randint(ks[2], (B, S, C), 0, VOCAB)
    word_table = jax.random.normal(ks[3], (VOCAB, HID), dtype=jnp.float32) * 0.02
    pos_table = jax.random.normal(ks[4], (MAXPOS, HID), dtype=jnp.float32) * 0.02
    type_table = jax.random.normal(ks[5], (TYPES, HID), dtype=jnp.float32) * 0.02
    ln_gamma = jnp.ones((HID,), dtype=jnp.float32)
    ln_beta = jnp.zeros((HID,), dtype=jnp.float32)
    return {
        "input_ids": input_ids,
        "token_type_ids": token_type_ids,
        "token_ids": token_ids,
        "word_table": word_table,
        "pos_table": pos_table,
        "type_table": type_table,
        "ln_gamma": ln_gamma,
        "ln_beta": ln_beta,
    }


def reference(input_ids, token_type_ids, token_ids, word_table, pos_table, type_table, ln_gamma, ln_beta):
    # extract_embedding_speed (speedup=True path)
    cand_mask = token_ids >= 1  # (B, S, C)
    we = jnp.take(word_table, token_ids, axis=0)  # (B, S, C, H) gather
    we = jnp.where(jnp.isnan(we), jnp.zeros_like(we), we)
    num = jnp.sum(we * cand_mask[..., None].astype(jnp.float32), axis=2)  # (B, S, H)
    den = jnp.sum(cand_mask, axis=2)[..., None].astype(jnp.float32)  # (B, S, 1)
    words_embeddings = num / den
    words_embeddings = jnp.where(jnp.isnan(words_embeddings), jnp.zeros_like(words_embeddings), words_embeddings)
    # position + token-type embeddings
    seq_length = input_ids.shape[1]
    position_ids = jnp.arange(seq_length)
    position_embeddings = jnp.take(pos_table, position_ids, axis=0)[None, :, :]  # (1, S, H)
    token_type_embeddings = jnp.take(type_table, token_type_ids, axis=0)  # (B, S, H)
    embeddings = words_embeddings + position_embeddings + token_type_embeddings
    # BertLayerNorm
    u = jnp.mean(embeddings, axis=-1, keepdims=True)
    s = jnp.mean((embeddings - u) ** 2, axis=-1, keepdims=True)
    x = (embeddings - u) / jnp.sqrt(s + EPS)
    out = ln_gamma * x + ln_beta
    # dropout is identity in eval/deterministic reference
    return out

if __name__ == "__main__":
    import jax
    _d = setup_inputs()
    print(jax.jit(kernel)(*tuple(_d.values())))

</pallas_src>

<mosaic_0001>
#map = affine_map<(d0, d1) -> (0)>
#map1 = affine_map<(d0, d1) -> (0, 0)>
module attributes {stable_mosaic.version = 14 : i64} {
  func.func @k(%arg0: i32, %arg1: i32, %arg2: memref<32768xi32, #tpu.memory_space<hbm>>, %arg3: memref<100000x768xf32, #tpu.memory_space<hbm>>, %arg4: memref<8192x768xf32, #tpu.memory_space<hbm>>, %arg5: memref<1024xi32, #tpu.memory_space<vmem>>, %arg6: memref<64xf32, #tpu.memory_space<vmem>>, %arg7: memref<2x64x768xf32, #tpu.memory_space<vmem>>, %arg8: memref<2x16x768xf32, #tpu.memory_space<vmem>>, %arg9: memref<!tpu.dma_semaphore, #tpu.memory_space<semaphore_mem>>, %arg10: memref<!tpu.dma_semaphore, #tpu.memory_space<semaphore_mem>>, %arg11: memref<!tpu.dma_semaphore, #tpu.memory_space<semaphore_mem>>, %arg12: memref<!tpu.dma_semaphore, #tpu.memory_space<semaphore_mem>>) attributes {dimension_semantics = [#tpu.dimension_semantics<core_parallel>, #tpu.dimension_semantics<subcore_parallel>], iteration_bounds = array<i64: 2, 16>, scalar_prefetch = 0 : i64, scratch_operands = 8 : i64, tpu.core_type = #tpu.core_type<sc_vector_subcore>, window_params = [{transform_indices = #map}, {transform_indices = #map1}, {transform_indices = #map1}]} {
    %mul3A = arith.constant 2 : i32
    %mul3A_0 = arith.muli %arg1, %mul3A : i32
    %add3A = arith.addi %mul3A_0, %arg0 : i32
    %mul3A_1 = arith.constant 256 : i32
    %mul3A_2 = arith.muli %add3A, %mul3A_1 : i32
    %mul3A_3 = arith.constant 4 : i32
    %mul3A_4 = arith.muli %mul3A_2, %mul3A_3 : i32
    "tpu.region"() ({
      %run_scoped3A = tpu.sem_alloc : memref<!tpu.dma_semaphore, #tpu.memory_space<semaphore_mem>>
      %dma_start3A_48 = tpu.memref_slice %arg2[%mul3A_4] : memref<32768xi32, #tpu.memory_space<hbm>> -> memref<1024xi32, #tpu.memory_space<hbm>>
      %dma_start3A_49 = tpu.memref_slice %arg2[%mul3A_4] : memref<32768xi32, #tpu.memory_space<hbm>> -> memref<1024xi32, #tpu.memory_space<hbm>>
      tpu.enqueue_dma source(%dma_start3A_49 : memref<1024xi32, #tpu.memory_space<hbm>>) target(%arg5 : memref<1024xi32, #tpu.memory_space<vmem>>) target_semaphore(%run_scoped3A : memref<!tpu.dma_semaphore, #tpu.memory_space<semaphore_mem>>)
      %dma_wait3A_50 = tpu.memref_slice %arg2[%mul3A_4] : memref<32768xi32, #tpu.memory_space<hbm>> -> memref<1024xi32, #tpu.memory_space<hbm>>
      %dma_wait3A_51 = tpu.memref_slice %arg2[%mul3A_4] : memref<32768xi32, #tpu.memory_space<hbm>> -> memref<1024xi32, #tpu.memory_space<hbm>>
      tpu.wait_dma2 semaphore(%run_scoped3A : memref<!tpu.dma_semaphore, #tpu.memory_space<semaphore_mem>>) src(%dma_wait3A_51 : memref<1024xi32, #tpu.memory_space<hbm>>) dst(%arg5 : memref<1024xi32, #tpu.memory_space<vmem>>)
      tpu.yield
    }) : () -> ()
    %dma_start3A = arith.constant 0 : i32
    %dma_start3A_5 = arith.constant 0 : i32
    %dma_start3A_6 = arith.constant 0 : i32
    %dma_start3A_7 = tpu.memref_slice %arg7[%dma_start3A, %dma_start3A_5, %dma_start3A_6] : memref<2x64x768xf32, #tpu.memory_space<vmem>> -> memref<1x64x768xf32, #tpu.memory_space<vmem>>
    %dma_start3A_8 = tpu.memref_squeeze %dma_start3A_7 : memref<1x64x768xf32, #tpu.memory_space<vmem>> -> memref<64x768xf32, #tpu.memory_space<vmem>>
    %dma_start3A_9 = arith.constant 0 : i32
    %dma_start3A_10 = tpu.memref_slice %arg5[%dma_start3A_9] : memref<1024xi32, #tpu.memory_space<vmem>> -> memref<64xi32, #tpu.memory_space<vmem>>
    %dma_start3A_11 = arith.constant 0 : i32
    %dma_start3A_12 = arith.constant 0 : i32
    %dma_start3A_13 = tpu.memref_slice %arg3[%dma_start3A_11, %dma_start3A_12] : memref<100000x768xf32, #tpu.memory_space<hbm>> -> memref<100000x768xf32, #tpu.memory_space<hbm>>
    tpu.enqueue_indirect_dma source(%dma_start3A_13 : memref<100000x768xf32, #tpu.memory_space<hbm>>) target(%dma_start3A_8 : memref<64x768xf32, #tpu.memory_space<vmem>>) offsets(%dma_start3A_10 : memref<64xi32, #tpu.memory_space<vmem>>) semaphore(%arg9 : memref<!tpu.dma_semaphore, #tpu.memory_space<semaphore_mem>>)
    %scan3A = arith.constant 0 : i32
    %scan3A_14 = arith.constant 0 : i32
    %scan3A_15 = arith.constant 8 : i32
    %scan3A_16 = arith.addi %scan3A_14, %scan3A_15 : i32
    %scan3A_17 = arith.constant 1 : i32
    scf.for %scan3A_48 = %scan3A_14 to %scan3A_16 step %scan3A_17  : i32 {
      %mul3A_49 = arith.constant 2 : i32
      %mul3A_50 = arith.muli %mul3A_49, %scan3A_48 : i32
      %add3A_51 = arith.constant 1 : i32
      %add3A_52 = arith.addi %mul3A_50, %add3A_51 : i32
      %mul3A_53 = arith.constant 16 : i32
      %mul3A_54 = arith.muli %add3A_52, %mul3A_53 : i32
      %mul3A_55 = arith.constant 4 : i32
      %mul3A_56 = arith.muli %mul3A_54, %mul3A_55 : i32
      %dma_start3A_57 = arith.constant 1 : i32
      %dma_start3A_58 = arith.constant 0 : i32
      %dma_start3A_59 = arith.constant 0 : i32
      %dma_start3A_60 = tpu.memref_slice %arg7[%dma_start3A_57, %dma_start3A_58, %dma_start3A_59] : memref<2x64x768xf32, #tpu.memory_space<vmem>> -> memref<1x64x768xf32, #tpu.memory_space<vmem>>
      %dma_start3A_61 = tpu.memref_squeeze %dma_start3A_60 : memref<1x64x768xf32, #tpu.memory_space<vmem>> -> memref<64x768xf32, #tpu.memory_space<vmem>>
      %dma_start3A_62 = tpu.memref_slice %arg5[%mul3A_56] : memref<1024xi32, #tpu.memory_space<vmem>> -> memref<64xi32, #tpu.memory_space<vmem>>
      %dma_start3A_63 = arith.constant 0 : i32
      %dma_start3A_64 = arith.constant 0 : i32
      %dma_start3A_65 = tpu.memref_slice %arg3[%dma_start3A_63, %dma_start3A_64] : memref<100000x768xf32, #tpu.memory_space<hbm>> -> memref<100000x768xf32, #tpu.memory_space<hbm>>
      tpu.enqueue_indirect_dma source(%dma_start3A_65 : memref<100000x768xf32, #tpu.memory_space<hbm>>) target(%dma_start3A_61 : memref<64x768xf32, #tpu.memory_space<vmem>>) offsets(%dma_start3A_62 : memref<64xi32, #tpu.memory_space<vmem>>) semaphore(%arg10 : memref<!tpu.dma_semaphore, #tpu.memory_space<semaphore_mem>>)
      %dma_wait3A_66 = arith.constant 0 : i32
      %dma_wait3A_67 = arith.constant 0 : i32
      %dma_wait3A_68 = arith.constant 0 : i32
      %dma_wait3A_69 = tpu.memref_slice %arg7[%dma_wait3A_66, %dma_wait3A_67, %dma_wait3A_68] : memref<2x64x768xf32, #tpu.memory_space<vmem>> -> memref<1x64x768xf32, #tpu.memory_space<vmem>>
      %dma_wait3A_70 = tpu.memref_squeeze %dma_wait3A_69 : memref<1x64x768xf32, #tpu.memory_space<vmem>> -> memref<64x768xf32, #tpu.memory_space<vmem>>
      %dma_wait3A_71 = arith.constant 0 : i32
      %dma_wait3A_72 = tpu.memref_slice %arg5[%dma_wait3A_71] : memref<1024xi32, #tpu.memory_space<vmem>> -> memref<64xi32, #tpu.memory_space<vmem>>
      %dma_wait3A_73 = arith.constant 0 : i32
      %dma_wait3A_74 = arith.constant 0 : i32
      %dma_wait3A_75 = tpu.memref_slice %arg3[%dma_wait3A_73, %dma_wait3A_74] : memref<100000x768xf32, #tpu.memory_space<hbm>> -> memref<100000x768xf32, #tpu.memory_space<hbm>>
      tpu.wait_indirect_dma semaphore(%arg9 : memref<!tpu.dma_semaphore, #tpu.memory_space<semaphore_mem>>) src(%dma_wait3A_75 : memref<100000x768xf32, #tpu.memory_space<hbm>>) dst(%dma_wait3A_70 : memref<64x768xf32, #tpu.memory_space<vmem>>)
      %mul3A_76 = arith.constant 16 : i32
      %mul3A_77 = arith.muli %mul3A_50, %mul3A_76 : i32
      %add3A_78 = arith.addi %mul3A_2, %mul3A_77 : i32
      %mul3A_79 = arith.constant 64 : i32
      %mul3A_80 = arith.muli %mul3A_50, %mul3A_79 : i32
      %add3A_81 = arith.constant 0 : i32
      %add3A_82 = arith.addi %mul3A_80, %add3A_81 : i32
      %get3A = arith.index_cast %add3A_82 : i32 to index
      %get3A_83 = tpu.vector_load %arg5[%get3A] {strides = array<i32>} : memref<1024xi32, #tpu.memory_space<vmem>>, vector<16xi32>,
      %add3A_84 = arith.constant 16 : i32
      %add3A_85 = arith.addi %mul3A_80, %add3A_84 : i32
      %get3A_86 = arith.index_cast %add3A_85 : i32 to index
      %get3A_87 = tpu.vector_load %arg5[%get3A_86] {strides = array<i32>} : memref<1024xi32, #tpu.memory_space<vmem>>, vector<16xi32>,
      %add3A_88 = arith.constant 32 : i32
      %add3A_89 = arith.addi %mul3A_80, %add3A_88 : i32
      %get3A_90 = arith.index_cast %add3A_89 : i32 to index
      %get3A_91 = tpu.vector_load %arg5[%get3A_90] {strides = array<i32>} : memref<1024xi32, #tpu.memory_space<vmem>>, vector<16xi32>,
      %add3A_92 = arith.constant 48 : i32
      %add3A_93 = arith.addi %mul3A_80, %add3A_92 : i32
      %get3A_94 = arith.index_cast %add3A_93 : i32 to index
      %get3A_95 = tpu.vector_load %arg5[%get3A_94] {strides = array<i32>} : memref<1024xi32, #tpu.memory_space<vmem>>, vector<16xi32>,
      %ge3A = arith.constant 2 : i32
      %ge3A_96 = arith.cmpi sge, %mul3A_50, %ge3A : i32
      %convert_element_type3A = arith.extui %ge3A_96 : i1 to i32
      %cond3A = arith.constant 0 : i32
      %cond3A_97 = arith.cmpi ne, %convert_element_type3A, %cond3A : i32
      scf.if %cond3A_97 {
        %sub3A = arith.constant 32 : i32
        %sub3A_207 = arith.subi %add3A_78, %sub3A : i32
        %dma_wait3A_208 = arith.constant 0 : i32
        %dma_wait3A_209 = arith.constant 0 : i32
        %dma_wait3A_210 = arith.constant 0 : i32
        %dma_wait3A_211 = tpu.memref_slice %arg8[%dma_wait3A_208, %dma_wait3A_209, %dma_wait3A_210] : memref<2x16x768xf32, #tpu.memory_space<vmem>> -> memref<1x16x768xf32, #tpu.memory_space<vmem>>
        %dma_wait3A_212 = tpu.memref_squeeze %dma_wait3A_211 : memref<1x16x768xf32, #tpu.memory_space<vmem>> -> memref<16x768xf32, #tpu.memory_space<vmem>>
        %dma_wait3A_213 = arith.constant 0 : i32
        %dma_wait3A_214 = tpu.memref_slice %arg4[%sub3A_207, %dma_wait3A_213] : memref<8192x768xf32, #tpu.memory_space<hbm>> -> memref<16x768xf32, #tpu.memory_space<hbm>>
        %dma_wait3A_215 = arith.constant 0 : i32
        %dma_wait3A_216 = tpu.memref_slice %arg4[%sub3A_207, %dma_wait3A_215] : memref<8192x768xf32, #tpu.memory_space<hbm>> -> memref<16x768xf32, #tpu.memory_space<hbm>>
        %dma_wait3A_217 = arith.constant 0 : i32
        %dma_wait3A_218 = arith.constant 0 : i32
        %dma_wait3A_219 = tpu.memref_slice %arg8[%dma_wait3A_208, %dma_wait3A_217, %dma_wait3A_218] : memref<2x16x768xf32, #tpu.memory_space<vmem>> -> memref<1x16x768xf32, #tpu.memory_space<vmem>>
        %dma_wait3A_220 = tpu.memref_squeeze %dma_wait3A_219 : memref<1x16x768xf32, #tpu.memory_space<vmem>> -> memref<16x768xf32, #tpu.memory_space<vmem>>
        tpu.wait_dma2 semaphore(%arg11 : memref<!tpu.dma_semaphore, #tpu.memory_space<semaphore_mem>>) src(%dma_wait3A_220 : memref<16x768xf32, #tpu.memory_space<vmem>>) dst(%dma_wait3A_216 : memref<16x768xf32, #tpu.memory_space<hbm>>)
      } else {
      }
      %min3A = arith.minsi %get3A_83, %get3A_87 : vector<16xi32>
      %min3A_98 = arith.minsi %min3A, %get3A_91 : vector<16xi32>
      %min3A_99 = arith.minsi %min3A_98, %get3A_95 : vector<16xi32>
      %reduce_min3A = arith.constant true
      %reduce_min3A_100 = vector.broadcast %reduce_min3A : i1 to vector<16xi1>
      %reduce_min3A_101 = arith.constant -2147483648 : i32
      %reduce_min3A_102 = vector.broadcast %reduce_min3A_101 : i32 to vector<16xi32>
      %reduce_min3A_103 = arith.xori %min3A_99, %reduce_min3A_102 : vector<16xi32>
      %reduce_min3A_104 = tpu.scan <min>, %reduce_min3A_103 masked %reduce_min3A_100 : vector<16xi32>, vector<16xi1> -> vector<16xi32>
      %reduce_min3A_105 = arith.xori %reduce_min3A_104, %reduce_min3A_102 : vector<16xi32>
      %reduce_min3A_106 = vector.extract %reduce_min3A_105[15] : i32 from vector<16xi32>
      %ge3A_107 = arith.constant 1 : i32
      %ge3A_108 = arith.cmpi sge, %reduce_min3A_106, %ge3A_107 : i32
      %convert_element_type3A_109 = arith.extui %ge3A_108 : i1 to i32
      %cond3A_110 = arith.constant 0 : i32
      %cond3A_111 = arith.cmpi ne, %convert_element_type3A_109, %cond3A_110 : i32
      scf.if %cond3A_111 {
        %parallel_loop3A = arith.constant 0 : i32
        %parallel_loop3A_207 = arith.constant 768 : i32
        %parallel_loop3A_208 = arith.constant 16 : i32
        scf.for %parallel_loop3A_209 = %parallel_loop3A to %parallel_loop3A_207 step %parallel_loop3A_208  : i32 {
          %parallel_loop3A_210 = arith.constant 0 : i32
          %parallel_loop3A_211 = arith.constant 0 : i32
          %parallel_loop3A_212 = arith.index_cast %parallel_loop3A_210 : i32 to index
          %parallel_loop3A_213 = arith.index_cast %parallel_loop3A_211 : i32 to index
          %parallel_loop3A_214 = arith.index_cast %parallel_loop3A_209 : i32 to index
          %parallel_loop3A_215 = tpu.vector_load %arg7[%parallel_loop3A_212, %parallel_loop3A_213, %parallel_loop3A_214] {strides = array<i32>} : memref<2x64x768xf32, #tpu.memory_space<vmem>>, vector<16xf32>,
          %parallel_loop3A_216 = arith.constant 0 : i32
          %parallel_loop3A_217 = arith.constant 1 : i32
          %parallel_loop3A_218 = arith.index_cast %parallel_loop3A_216 : i32 to index
          %parallel_loop3A_219 = arith.index_cast %parallel_loop3A_217 : i32 to index
          %parallel_loop3A_220 = arith.index_cast %parallel_loop3A_209 : i32 to index
          %parallel_loop3A_221 = tpu.vector_load %arg7[%parallel_loop3A_218, %parallel_loop3A_219, %parallel_loop3A_220] {strides = array<i32>} : memref<2x64x768xf32, #tpu.memory_space<vmem>>, vector<16xf32>,
          %parallel_loop3A_222 = arith.addf %parallel_loop3A_215, %parallel_loop3A_221 : vector<16xf32>
          %parallel_loop3A_223 = arith.constant 0 : i32
          %parallel_loop3A_224 = arith.constant 2 : i32
          %parallel_loop3A_225 = arith.index_cast %parallel_loop3A_223 : i32 to index
          %parallel_loop3A_226 = arith.index_cast %parallel_loop3A_224 : i32 to index
          %parallel_loop3A_227 = arith.index_cast %parallel_loop3A_209 : i32 to index
          %parallel_loop3A_228 = tpu.vector_load %arg7[%parallel_loop3A_225, %parallel_loop3A_226, %parallel_loop3A_227] {strides = array<i32>} : memref<2x64x768xf32, #tpu.memory_space<vmem>>, vector<16xf32>,
          %parallel_loop3A_229 = arith.constant 0 : i32
          %parallel_loop3A_230 = arith.constant 3 : i32
          %parallel_loop3A_231 = arith.index_cast %parallel_loop3A_229 : i32 to index
          %parallel_loop3A_232 = arith.index_cast %parallel_loop3A_230 : i32 to index
          %parallel_loop3A_233 = arith.index_cast %parallel_loop3A_209 : i32 to index
          %parallel_loop3A_234 = tpu.vector_load %arg7[%parallel_loop3A_231, %parallel_loop3A_232, %parallel_loop3A_233] {strides = array<i32>} : memref<2x64x768xf32, #tpu.memory_space<vmem>>, vector<16xf32>,
          %parallel_loop3A_235 = arith.addf %parallel_loop3A_228, %parallel_loop3A_234 : vector<16xf32>
          %parallel_loop3A_236 = arith.addf %parallel_loop3A_222, %parallel_loop3A_235 : vector<16xf32>
          %parallel_loop3A_237 = arith.constant 2.500000e-01 : f32
          %parallel_loop3A_238 = vector.broadcast %parallel_loop3A_237 : f32 to vector<16xf32>
          %parallel_loop3A_239 = arith.mulf %parallel_loop3A_236, %parallel_loop3A_238 : vector<16xf32>
          %parallel_loop3A_240 = arith.constant 0 : i32
          %parallel_loop3A_241 = arith.constant 0 : i32
          %parallel_loop3A_242 = arith.index_cast %parallel_loop3A_240 : i32 to index
          %parallel_loop3A_243 = arith.index_cast %parallel_loop3A_241 : i32 to index
          %parallel_loop3A_244 = arith.index_cast %parallel_loop3A_209 : i32 to index
          %parallel_loop3A_245 = tpu.vector_load %arg8[%parallel_loop3A_242, %parallel_loop3A_243, %parallel_loop3A_244] {strides = array<i32>} : memref<2x16x768xf32, #tpu.memory_space<vmem>>, vector<16xf32>,
          tpu.vector_store %arg8[%parallel_loop3A_242, %parallel_loop3A_243, %parallel_loop3A_244], %parallel_loop3A_239 {strides = array<i32>} : memref<2x16x768xf32, #tpu.memory_space<vmem>>, vector<16xf32>,
          %parallel_loop3A_246 = arith.constant 0 : i32
          %parallel_loop3A_247 = arith.constant 4 : i32
          %parallel_loop3A_248 = arith.index_cast %parallel_loop3A_246 : i32 to index
          %parallel_loop3A_249 = arith.index_cast %parallel_loop3A_247 : i32 to index
          %parallel_loop3A_250 = arith.index_cast %parallel_loop3A_209 : i32 to index
          %parallel_loop3A_251 = tpu.vector_load %arg7[%parallel_loop3A_248, %parallel_loop3A_249, %parallel_loop3A_250] {strides = array<i32>} : memref<2x64x768xf32, #tpu.memory_space<vmem>>, vector<16xf32>,
          %parallel_loop3A_252 = arith.constant 0 : i32
          %parallel_loop3A_253 = arith.constant 5 : i32
          %parallel_loop3A_254 = arith.index_cast %parallel_loop3A_252 : i32 to index
          %parallel_loop3A_255 = arith.index_cast %parallel_loop3A_253 : i32 to index
          %parallel_loop3A_256 = arith.index_cast %parallel_loop3A_209 : i32 to index
          %parallel_loop3A_257 = tpu.vector_load %arg7[%parallel_loop3A_254, %parallel_loop3A_255, %parallel_loop3A_256] {strides = array<i32>} : memref<2x64x768xf32, #tpu.memory_space<vmem>>, vector<16xf32>,
          %parallel_loop3A_258 = arith.addf %parallel_loop3A_251, %parallel_loop3A_257 : vector<16xf32>
          %parallel_loop3A_259 = arith.constant 0 : i32
          %parallel_loop3A_260 = arith.constant 6 : i32
          %parallel_loop3A_261 = arith.index_cast %parallel_loop3A_259 : i32 to index
          %parallel_loop3A_262 = arith.index_cast %parallel_loop3A_260 : i32 to index
          %parallel_loop3A_263 = arith.index_cast %parallel_loop3A_209 : i32 to index
          %parallel_loop3A_264 = tpu.vector_load %arg7[%parallel_loop3A_261, %parallel_loop3A_262, %parallel_loop3A_263] {strides = array<i32>} : memref<2x64x768xf32, #tpu.memory_space<vmem>>, vector<16xf32>,
          %parallel_loop3A_265 = arith.constant 0 : i32
          %parallel_loop3A_266 = arith.constant 7 : i32
          %parallel_loop3A_267 = arith.index_cast %parallel_loop3A_265 : i32 to index
          %parallel_loop3A_268 = arith.index_cast %parallel_loop3A_266 : i32 to index
          %parallel_loop3A_269 = arith.index_cast %parallel_loop3A_209 : i32 to index
          %parallel_loop3A_270 = tpu.vector_load %arg7[%parallel_loop3A_267, %parallel_loop3A_268, %parallel_loop3A_269] {strides = array<i32>} : memref<2x64x768xf32, #tpu.memory_space<vmem>>, vector<16xf32>,
          %parallel_loop3A_271 = arith.addf %parallel_loop3A_264, %parallel_loop3A_270 : vector<16xf32>
          %parallel_loop3A_272 = arith.addf %parallel_loop3A_258, %parallel_loop3A_271 : vector<16xf32>
          %parallel_loop3A_273 = arith.constant 2.500000e-01 : f32
          %parallel_loop3A_274 = vector.broadcast %parallel_loop3A_273 : f32 to vector<16xf32>
          %parallel_loop3A_275 = arith.mulf %parallel_loop3A_272, %parallel_loop3A_274 : vector<16xf32>
          %parallel_loop3A_276 = arith.constant 0 : i32
          %parallel_loop3A_277 = arith.constant 1 : i32
          %parallel_loop3A_278 = arith.index_cast %parallel_loop3A_276 : i32 to index
          %parallel_loop3A_279 = arith.index_cast %parallel_loop3A_277 : i32 to index
          %parallel_loop3A_280 = arith.index_cast %parallel_loop3A_209 : i32 to index
          %parallel_loop3A_281 = tpu.vector_load %arg8[%parallel_loop3A_278, %parallel_loop3A_279, %parallel_loop3A_280] {strides = array<i32>} : memref<2x16x768xf32, #tpu.memory_space<vmem>>, vector<16xf32>,
          tpu.vector_store %arg8[%parallel_loop3A_278, %parallel_loop3A_279, %parallel_loop3A_280], %parallel_loop3A_275 {strides = array<i32>} : memref<2x16x768xf32, #tpu.memory_space<vmem>>, vector<16xf32>,
          %parallel_loop3A_282 = arith.constant 0 : i32
          %parallel_loop3A_283 = arith.constant 8 : i32
          %parallel_loop3A_284 = arith.index_cast %parallel_loop3A_282 : i32 to index
          %parallel_loop3A_285 = arith.index_cast %parallel_loop3A_283 : i32 to index
          %parallel_loop3A_286 = arith.index_cast %parallel_loop3A_209 : i32 to index
          %parallel_loop3A_287 = tpu.vector_load %arg7[%parallel_loop3A_284, %parallel_loop3A_285, %parallel_loop3A_286] {strides = array<i32>} : memref<2x64x768xf32, #tpu.memory_space<vmem>>, vector<16xf32>,
          %parallel_loop3A_288 = arith.constant 0 : i32
          %parallel_loop3A_289 = arith.constant 9 : i32
          %parallel_loop3A_290 = arith.index_cast %parallel_loop3A_288 : i32 to index
          %parallel_loop3A_291 = arith.index_cast %parallel_loop3A_289 : i32 to index
          %parallel_loop3A_292 = arith.index_cast %parallel_loop3A_209 : i32 to index
          %parallel_loop3A_293 = tpu.vector_load %arg7[%parallel_loop3A_290, %parallel_loop3A_291, %parallel_loop3A_292] {strides = array<i32>} : memref<2x64x768xf32, #tpu.memory_space<vmem>>, vector<16xf32>,
          %parallel_loop3A_294 = arith.addf %parallel_loop3A_287, %parallel_loop3A_293 : vector<16xf32>
          %parallel_loop3A_295 = arith.constant 0 : i32
          %parallel_loop3A_296 = arith.constant 10 : i32
          %parallel_loop3A_297 = arith.index_cast %parallel_loop3A_295 : i32 to index
          %parallel_loop3A_298 = arith.index_cast %parallel_loop3A_296 : i32 to index
          %parallel_loop3A_299 = arith.index_cast %parallel_loop3A_209 : i32 to index
          %parallel_loop3A_300 = tpu.vector_load %arg7[%parallel_loop3A_297, %parallel_loop3A_298, %parallel_loop3A_299] {strides = array<i32>} : memref<2x64x768xf32, #tpu.memory_space<vmem>>, vector<16xf32>,
          %parallel_loop3A_301 = arith.constant 0 : i32
          %parallel_loop3A_302 = arith.constant 11 : i32
          %parallel_loop3A_303 = arith.index_cast %parallel_loop3A_301 : i32 to index
          %parallel_loop3A_304 = arith.index_cast %parallel_loop3A_302 : i32 to index
          %parallel_loop3A_305 = arith.index_cast %parallel_loop3A_209 : i32 to index
          %parallel_loop3A_306 = tpu.vector_load %arg7[%parallel_loop3A_303, %parallel_loop3A_304, %parallel_loop3A_305] {strides = array<i32>} : memref<2x64x768xf32, #tpu.memory_space<vmem>>, vector<16xf32>,
          %parallel_loop3A_307 = arith.addf %parallel_loop3A_300, %parallel_loop3A_306 : vector<16xf32>
          %parallel_loop3A_308 = arith.addf %parallel_loop3A_294, %parallel_loop3A_307 : vector<16xf32>
          %parallel_loop3A_309 = arith.constant 2.500000e-01 : f32
          %parallel_loop3A_310 = vector.broadcast %parallel_loop3A_309 : f32 to vector<16xf32>
          %parallel_loop3A_311 = arith.mulf %parallel_loop3A_308, %parallel_loop3A_310 : vector<16xf32>
          %parallel_loop3A_312 = arith.constant 0 : i32
          %parallel_loop3A_313 = arith.constant 2 : i32
          %parallel_loop3A_314 = arith.index_cast %parallel_loop3A_312 : i32 to index
          %parallel_loop3A_315 = arith.index_cast %parallel_loop3A_313 : i32 to index
          %parallel_loop3A_316 = arith.index_cast %parallel_loop3A_209 : i32 to index
          %parallel_loop3A_317 = tpu.vector_load %arg8[%parallel_loop3A_314, %parallel_loop3A_315, %parallel_loop3A_316] {strides = array<i32>} : memref<2x16x768xf32, #tpu.memory_space<vmem>>, vector<16xf32>,
          tpu.vector_store %arg8[%parallel_loop3A_314, %parallel_loop3A_315, %parallel_loop3A_316], %parallel_loop3A_311 {strides = array<i32>} : memref<2x16x768xf32, #tpu.memory_space<vmem>>, vector<16xf32>,
          %parallel_loop3A_318 = arith.constant 0 : i32
          %parallel_loop3A_319 = arith.constant 12 : i32
          %parallel_loop3A_320 = arith.index_cast %parallel_loop3A_318 : i32 to index
          %parallel_loop3A_321 = arith.index_cast %parallel_loop3A_319 : i32 to index
          %parallel_loop3A_322 = arith.index_cast %parallel_loop3A_209 : i32 to index
          %parallel_loop3A_323 = tpu.vector_load %arg7[%parallel_loop3A_320, %parallel_loop3A_321, %parallel_loop3A_322] {strides = array<i32>} : memref<2x64x768xf32, #tpu.memory_space<vmem>>, vector<16xf32>,
          %parallel_loop3A_324 = arith.constant 0 : i32
          %parallel_loop3A_325 = arith.constant 13 : i32
          %parallel_loop3A_326 = arith.index_cast %parallel_loop3A_324 : i32 to index
          %parallel_loop3A_327 = arith.index_cast %parallel_loop3A_325 : i32 to index
          %parallel_loop3A_328 = arith.index_cast %parallel_loop3A_209 : i32 to index
          %parallel_loop3A_329 = tpu.vector_load %arg7[%parallel_loop3A_326, %parallel_loop3A_327, %parallel_loop3A_328] {strides = array<i32>} : memref<2x64x768xf32, #tpu.memory_space<vmem>>, vector<16xf32>,
          %parallel_loop3A_330 = arith.addf %parallel_loop3A_323, %parallel_loop3A_329 : vector<16xf32>
          %parallel_loop3A_331 = arith.constant 0 : i32
          %parallel_loop3A_332 = arith.constant 14 : i32
          %parallel_loop3A_333 = arith.index_cast %parallel_loop3A_331 : i32 to index
          %parallel_loop3A_334 = arith.index_cast %parallel_loop3A_332 : i32 to index
          %parallel_loop3A_335 = arith.index_cast %parallel_loop3A_209 : i32 to index
          %parallel_loop3A_336 = tpu.vector_load %arg7[%parallel_loop3A_333, %parallel_loop3A_334, %parallel_loop3A_335] {strides = array<i32>} : memref<2x64x768xf32, #tpu.memory_space<vmem>>, vector<16xf32>,
          %parallel_loop3A_337 = arith.constant 0 : i32
          %parallel_loop3A_338 = arith.constant 15 : i32
          %parallel_loop3A_339 = arith.index_cast %parallel_loop3A_337 : i32 to index
          %parallel_loop3A_340 = arith.index_cast %parallel_loop3A_338 : i32 to index
          %parallel_loop3A_341 = arith.index_cast %parallel_loop3A_209 : i32 to index
          %parallel_loop3A_342 = tpu.vector_load %arg7[%parallel_loop3A_339, %parallel_loop3A_340, %parallel_loop3A_341] {strides = array<i32>} : memref<2x64x768xf32, #tpu.memory_space<vmem>>, vector<16xf32>,
          %parallel_loop3A_343 = arith.addf %parallel_loop3A_336, %parallel_loop3A_342 : vector<16xf32>
          %parallel_loop3A_344 = arith.addf %parallel_loop3A_330, %parallel_loop3A_343 : vector<16xf32>
          %parallel_loop3A_345 = arith.constant 2.500000e-01 : f32
          %parallel_loop3A_346 = vector.broadcast %parallel_loop3A_345 : f32 to vector<16xf32>
          %parallel_loop3A_347 = arith.mulf %parallel_loop3A_344, %parallel_loop3A_346 : vector<16xf32>
          %parallel_loop3A_348 = arith.constant 0 : i32
          %parallel_loop3A_349 = arith.constant 3 : i32
          %parallel_loop3A_350 = arith.index_cast %parallel_loop3A_348 : i32 to index
          %parallel_loop3A_351 = arith.index_cast %parallel_loop3A_349 : i32 to index
          %parallel_loop3A_352 = arith.index_cast %parallel_loop3A_209 : i32 to index
          %parallel_loop3A_353 = tpu.vector_load %arg8[%parallel_loop3A_350, %parallel_loop3A_351, %parallel_loop3A_352] {strides = array<i32>} : memref<2x16x768xf32, #tpu.memory_space<vmem>>, vector<16xf32>,
          tpu.vector_store %arg8[%parallel_loop3A_350, %parallel_loop3A_351, %parallel_loop3A_352], %parallel_loop3A_347 {strides = array<i32>} : memref<2x16x768xf32, #tpu.memory_space<vmem>>, vector<16xf32>,
          %parallel_loop3A_354 = arith.constant 0 : i32
          %parallel_loop3A_355 = arith.constant 16 : i32
          %parallel_loop3A_356 = arith.index_cast %parallel_loop3A_354 : i32 to index
          %parallel_loop3A_357 = arith.index_cast %parallel_loop3A_355 : i32 to index
          %parallel_loop3A_358 = arith.index_cast %parallel_loop3A_209 : i32 to index
          %parallel_loop3A_359 = tpu.vector_load %arg7[%parallel_loop3A_356, %parallel_loop3A_357, %parallel_loop3A_358] {strides = array<i32>} : memref<2x64x768xf32, #tpu.memory_space<vmem>>, vector<16xf32>,
          %parallel_loop3A_360 = arith.constant 0 : i32
          %parallel_loop3A_361 = arith.constant 17 : i32
          %parallel_loop3A_362 = arith.index_cast %parallel_loop3A_360 : i32 to index
          %parallel_loop3A_363 = arith.index_cast %parallel_loop3A_361 : i32 to index
          %parallel_loop3A_364 = arith.index_cast %parallel_loop3A_209 : i32 to index
          %parallel_loop3A_365 = tpu.vector_load %arg7[%parallel_loop3A_362, %parallel_loop3A_363, %parallel_loop3A_364] {strides = array<i32>} : memref<2x64x768xf32, #tpu.memory_space<vmem>>, vector<16xf32>,
          %parallel_loop3A_366 = arith.addf %parallel_loop3A_359, %parallel_loop3A_365 : vector<16xf32>
          %parallel_loop3A_367 = arith.constant 0 : i32
          %parallel_loop3A_368 = arith.constant 18 : i32
          %parallel_loop3A_369 = arith.index_cast %parallel_loop3A_367 : i32 to index
          %parallel_loop3A_370 = arith.index_cast %parallel_loop3A_368 : i32 to index
          %parallel_loop3A_371 = arith.index_cast %parallel_loop3A_209 : i32 to index
          %parallel_loop3A_372 = tpu.vector_load %arg7[%parallel_loop3A_369, %parallel_loop3A_370, %parallel_loop3A_371] {strides = array<i32>} : memref<2x64x768xf32, #tpu.memory_space<vmem>>, vector<16xf32>,
          %parallel_loop3A_373 = arith.constant 0 : i32
          %parallel_loop3A_374 = arith.constant 19 : i32
          %parallel_loop3A_375 = arith.index_cast %parallel_loop3A_373 : i32 to index
          %parallel_loop3A_376 = arith.index_cast %parallel_loop3A_374 : i32 to index
          %parallel_loop3A_377 = arith.index_cast %parallel_loop3A_209 : i32 to index
          %parallel_loop3A_378 = tpu.vector_load %arg7[%parallel_loop3A_375, %parallel_loop3A_376, %parallel_loop3A_377] {strides = array<i32>} : memref<2x64x768xf32, #tpu.memory_space<vmem>>, vector<16xf32>,
          %parallel_loop3A_379 = arith.addf %parallel_loop3A_372, %parallel_loop3A_378 : vector<16xf32>
          %parallel_loop3A_380 = arith.addf %parallel_loop3A_366, %parallel_loop3A_379 : vector<16xf32>
          %parallel_loop3A_381 = arith.constant 2.500000e-01 : f32
          %parallel_loop3A_382 = vector.broadcast %parallel_loop3A_381 : f32 to vector<16xf32>
          %parallel_loop3A_383 = arith.mulf %parallel_loop3A_380, %parallel_loop3A_382 : vector<16xf32>
          %parallel_loop3A_384 = arith.constant 0 : i32
          %parallel_loop3A_385 = arith.constant 4 : i32
          %parallel_loop3A_386 = arith.index_cast %parallel_loop3A_384 : i32 to index
          %parallel_loop3A_387 = arith.index_cast %parallel_loop3A_385 : i32 to index
          %parallel_loop3A_388 = arith.index_cast %parallel_loop3A_209 : i32 to index
          %parallel_loop3A_389 = tpu.vector_load %arg8[%parallel_loop3A_386, %parallel_loop3A_387, %parallel_loop3A_388] {strides = array<i32>} : memref<2x16x768xf32, #tpu.memory_space<vmem>>, vector<16xf32>,
          tpu.vector_store %arg8[%parallel_loop3A_386, %parallel_loop3A_387, %parallel_loop3A_388], %parallel_loop3A_383 {strides = array<i32>} : memref<2x16x768xf32, #tpu.memory_space<vmem>>, vector<16xf32>,
          %parallel_loop3A_390 = arith.constant 0 : i32
          %parallel_loop3A_391 = arith.constant 20 : i32
          %parallel_loop3A_392 = arith.index_cast %parallel_loop3A_390 : i32 to index
          %parallel_loop3A_393 = arith.index_cast %parallel_loop3A_391 : i32 to index
          %parallel_loop3A_394 = arith.index_cast %parallel_loop3A_209 : i32 to index
          %parallel_loop3A_395 = tpu.vector_load %arg7[%parallel_loop3A_392, %parallel_loop3A_393, %parallel_loop3A_394] {strides = array<i32>} : memref<2x64x768xf32, #tpu.memory_space<vmem>>, vector<16xf32>,
          %parallel_loop3A_396 = arith.constant 0 : i32
          %parallel_loop3A_397 = arith.constant 21 : i32
          %parallel_loop3A_398 = arith.index_cast %parallel_loop3A_396 : i32 to index
          %parallel_loop3A_399 = arith.index_cast %parallel_loop3A_397 : i32 to index
          %parallel_loop3A_400 = arith.index_cast %parallel_loop3A_209 : i32 to index
          %parallel_loop3A_401 = tpu.vector_load %arg7[%parallel_loop3A_398, %parallel_loop3A_399, %parallel_loop3A_400] {strides = array<i32>} : memref<2x64x768xf32, #tpu.memory_space<vmem>>, vector<16xf32>,
          %parallel_loop3A_402 = arith.addf %parallel_loop3A_395, %parallel_loop3A_401 : vector<16xf32>
          %parallel_loop3A_403 = arith.constant 0 : i32
          %parallel_loop3A_404 = arith.constant 22 : i32
          %parallel_loop3A_405 = arith.index_cast %parallel_loop3A_403 : i32 to index
          %parallel_loop3A_406 = arith.index_cast %parallel_loop3A_404 : i32 to index
          %parallel_loop3A_407 = arith.index_cast %parallel_loop3A_209 : i32 to index
          %parallel_loop3A_408 = tpu.vector_load %arg7[%parallel_loop3A_405, %parallel_loop3A_406, %parallel_loop3A_407] {strides = array<i32>} : memref<2x64x768xf32, #tpu.memory_space<vmem>>, vector<16xf32>,
          %parallel_loop3A_409 = arith.constant 0 : i32
          %parallel_loop3A_410 = arith.constant 23 : i32
          %parallel_loop3A_411 = arith.index_cast %parallel_loop3A_409 : i32 to index
          %parallel_loop3A_412 = arith.index_cast %parallel_loop3A_410 : i32 to index
          %parallel_loop3A_413 = arith.index_cast %parallel_loop3A_209 : i32 to index
          %parallel_loop3A_414 = tpu.vector_load %arg7[%parallel_loop3A_411, %parallel_loop3A_412, %parallel_loop3A_413] {strides = array<i32>} : memref<2x64x768xf32, #tpu.memory_space<vmem>>, vector<16xf32>,
          %parallel_loop3A_415 = arith.addf %parallel_loop3A_408, %parallel_loop3A_414 : vector<16xf32>
          %parallel_loop3A_416 = arith.addf %parallel_loop3A_402, %parallel_loop3A_415 : vector<16xf32>
          %parallel_loop3A_417 = arith.constant 2.500000e-01 : f32
          %parallel_loop3A_418 = vector.broadcast %parallel_loop3A_417 : f32 to vector<16xf32>
          %parallel_loop3A_419 = arith.mulf %parallel_loop3A_416, %parallel_loop3A_418 : vector<16xf32>
          %parallel_loop3A_420 = arith.constant 0 : i32
          %parallel_loop3A_421 = arith.constant 5 : i32
          %parallel_loop3A_422 = arith.index_cast %parallel_loop3A_420 : i32 to index
          %parallel_loop3A_423 = arith.index_cast %parallel_loop3A_421 : i32 to index
          %parallel_loop3A_424 = arith.index_cast %parallel_loop3A_209 : i32 to index
          %parallel_loop3A_425 = tpu.vector_load %arg8[%parallel_loop3A_422, %parallel_loop3A_423, %parallel_loop3A_424] {strides = array<i32>} : memref<2x16x768xf32, #tpu.memory_space<vmem>>, vector<16xf32>,
          tpu.vector_store %arg8[%parallel_loop3A_422, %parallel_loop3A_423, %parallel_loop3A_424], %parallel_loop3A_419 {strides = array<i32>} : memref<2x16x768xf32, #tpu.memory_space<vmem>>, vector<16xf32>,
          %parallel_loop3A_426 = arith.constant 0 : i32
          %parallel_loop3A_427 = arith.constant 24 : i32
          %parallel_loop3A_428 = arith.index_cast %parallel_loop3A_426 : i32 to index
          %parallel_loop3A_429 = arith.index_cast %parallel_loop3A_427 : i32 to index
          %parallel_loop3A_430 = arith.index_cast %parallel_loop3A_209 : i32 to index
          %parallel_loop3A_431 = tpu.vector_load %arg7[%parallel_loop3A_428, %parallel_loop3A_429, %parallel_loop3A_430] {strides = array<i32>} : memref<2x64x768xf32, #tpu.memory_space<vmem>>, vector<16xf32>,
          %parallel_loop3A_432 = arith.constant 0 : i32
          %parallel_loop3A_433 = arith.constant 25 : i32
          %parallel_loop3A_434 = arith.index_cast %parallel_loop3A_432 : i32 to index
          %parallel_loop3A_435 = arith.index_cast %parallel_loop3A_433 : i32 to index
          %parallel_loop3A_436 = arith.index_cast %parallel_loop3A_209 : i32 to index
          %parallel_loop3A_437 = tpu.vector_load %arg7[%parallel_loop3A_434, %parallel_loop3A_435, %parallel_loop3A_436] {strides = array<i32>} : memref<2x64x768xf32, #tpu.memory_space<vmem>>, vector<16xf32>,
          %parallel_loop3A_438 = arith.addf %parallel_loop3A_431, %parallel_loop3A_437 : vector<16xf32>
          %parallel_loop3A_439 = arith.constant 0 : i32
          %parallel_loop3A_440 = arith.constant 26 : i32
          %parallel_loop3A_441 = arith.index_cast %parallel_loop3A_439 : i32 to index
          %parallel_loop3A_442 = arith.index_cast %parallel_loop3A_440 : i32 to index
          %parallel_loop3A_443 = arith.index_cast %parallel_loop3A_209 : i32 to index
          %parallel_loop3A_444 = tpu.vector_load %arg7[%parallel_loop3A_441, %parallel_loop3A_442, %parallel_loop3A_443] {strides = array<i32>} : memref<2x64x768xf32, #tpu.memory_space<vmem>>, vector<16xf32>,
          %parallel_loop3A_445 = arith.constant 0 : i32
          %parallel_loop3A_446 = arith.constant 27 : i32
          %parallel_loop3A_447 = arith.index_cast %parallel_loop3A_445 : i32 to index
          %parallel_loop3A_448 = arith.index_cast %parallel_loop3A_446 : i32 to index
          %parallel_loop3A_449 = arith.index_cast %parallel_loop3A_209 : i32 to index
          %parallel_loop3A_450 = tpu.vector_load %arg7[%parallel_loop3A_447, %parallel_loop3A_448, %parallel_loop3A_449] {strides = array<i32>} : memref<2x64x768xf32, #tpu.memory_space<vmem>>, vector<16xf32>,
          %parallel_loop3A_451 = arith.addf %parallel_loop3A_444, %parallel_loop3A_450 : vector<16xf32>
          %parallel_loop3A_452 = arith.addf %parallel_loop3A_438, %parallel_loop3A_451 : vector<16xf32>
          %parallel_loop3A_453 = arith.constant 2.500000e-01 : f32
          %parallel_loop3A_454 = vector.broadcast %parallel_loop3A_453 : f32 to vector<16xf32>
          %parallel_loop3A_455 = arith.mulf %parallel_loop3A_452, %parallel_loop3A_454 : vector<16xf32>
          %parallel_loop3A_456 = arith.constant 0 : i32
          %parallel_loop3A_457 = arith.constant 6 : i32
          %parallel_loop3A_458 = arith.index_cast %parallel_loop3A_456 : i32 to index
          %parallel_loop3A_459 = arith.index_cast %parallel_loop3A_457 : i32 to index
          %parallel_loop3A_460 = arith.index_cast %parallel_loop3A_209 : i32 to index
          %parallel_loop3A_461 = tpu.vector_load %arg8[%parallel_loop3A_458, %parallel_loop3A_459, %parallel_loop3A_460] {strides = array<i32>} : memref<2x16x768xf32, #tpu.memory_space<vmem>>, vector<16xf32>,
          tpu.vector_store %arg8[%parallel_loop3A_458, %parallel_loop3A_459, %parallel_loop3A_460], %parallel_loop3A_455 {strides = array<i32>} : memref<2x16x768xf32, #tpu.memory_space<vmem>>, vector<16xf32>,
          %parallel_loop3A_462 = arith.constant 0 : i32
          %parallel_loop3A_463 = arith.constant 28 : i32
          %parallel_loop3A_464 = arith.index_cast %parallel_loop3A_462 : i32 to index
          %parallel_loop3A_465 = arith.index_cast %parallel_loop3A_463 : i32 to index
          %parallel_loop3A_466 = arith.index_cast %parallel_loop3A_209 : i32 to index
          %parallel_loop3A_467 = tpu.vector_load %arg7[%parallel_loop3A_464, %parallel_loop3A_465, %parallel_loop3A_466] {strides = array<i32>} : memref<2x64x768xf32, #tpu.memory_space<vmem>>, vector<16xf32>,
          %parallel_loop3A_468 = arith.constant 0 : i32
          %parallel_loop3A_469 = arith.constant 29 : i32
          %parallel_loop3A_470 = arith.index_cast %parallel_loop3A_468 : i32 to index
          %parallel_loop3A_471 = arith.index_cast %parallel_loop3A_469 : i32 to index
          %parallel_loop3A_472 = arith.index_cast %parallel_loop3A_209 : i32 to index
          %parallel_loop3A_473 = tpu.vector_load %arg7[%parallel_loop3A_470, %parallel_loop3A_471, %parallel_loop3A_472] {strides = array<i32>} : memref<2x64x768xf32, #tpu.memory_space<vmem>>, vector<16xf32>,
          %parallel_loop3A_474 = arith.addf %parallel_loop3A_467, %parallel_loop3A_473 : vector<16xf32>
          %parallel_loop3A_475 = arith.constant 0 : i32
          %parallel_loop3A_476 = arith.constant 30 : i32
          %parallel_loop3A_477 = arith.index_cast %parallel_loop3A_475 : i32 to index
          %parallel_loop3A_478 = arith.index_cast %parallel_loop3A_476 : i32 to index
          %parallel_loop3A_479 = arith.index_cast %parallel_loop3A_209 : i32 to index
          %parallel_loop3A_480 = tpu.vector_load %arg7[%parallel_loop3A_477, %parallel_loop3A_478, %parallel_loop3A_479] {strides = array<i32>} : memref<2x64x768xf32, #tpu.memory_space<vmem>>, vector<16xf32>,
          %parallel_loop3A_481 = arith.constant 0 : i32
          %parallel_loop3A_482 = arith.constant 31 : i32
          %parallel_loop3A_483 = arith.index_cast %parallel_loop3A_481 : i32 to index
          %parallel_loop3A_484 = arith.index_cast %parallel_loop3A_482 : i32 to index
          %parallel_loop3A_485 = arith.index_cast %parallel_loop3A_209 : i32 to index
          %parallel_loop3A_486 = tpu.vector_load %arg7[%parallel_loop3A_483, %parallel_loop3A_484, %parallel_loop3A_485] {strides = array<i32>} : memref<2x64x768xf32, #tpu.memory_space<vmem>>, vector<16xf32>,
          %parallel_loop3A_487 = arith.addf %parallel_loop3A_480, %parallel_loop3A_486 : vector<16xf32>
          %parallel_loop3A_488 = arith.addf %parallel_loop3A_474, %parallel_loop3A_487 : vector<16xf32>
          %parallel_loop3A_489 = arith.constant 2.500000e-01 : f32
          %parallel_loop3A_490 = vector.broadcast %parallel_loop3A_489 : f32 to vector<16xf32>
          %parallel_loop3A_491 = arith.mulf %parallel_loop3A_488, %parallel_loop3A_490 : vector<16xf32>
          %parallel_loop3A_492 = arith.constant 0 : i32
          %parallel_loop3A_493 = arith.constant 7 : i32
          %parallel_loop3A_494 = arith.index_cast %parallel_loop3A_492 : i32 to index
          %parallel_loop3A_495 = arith.index_cast %parallel_loop3A_493 : i32 to index
          %parallel_loop3A_496 = arith.index_cast %parallel_loop3A_209 : i32 to index
          %parallel_loop3A_497 = tpu.vector_load %arg8[%parallel_loop3A_494, %parallel_loop3A_495, %parallel_loop3A_496] {strides = array<i32>} : memref<2x16x768xf32, #tpu.memory_space<vmem>>, vector<16xf32>,
          tpu.vector_store %arg8[%parallel_loop3A_494, %parallel_loop3A_495, %parallel_loop3A_496], %parallel_loop3A_491 {strides = array<i32>} : memref<2x16x768xf32, #tpu.memory_space<vmem>>, vector<16xf32>,
          %parallel_loop3A_498 = arith.constant 0 : i32
          %parallel_loop3A_499 = arith.constant 32 : i32
          %parallel_loop3A_500 = arith.index_cast %parallel_loop3A_498 : i32 to index
          %parallel_loop3A_501 = arith.index_cast %parallel_loop3A_499 : i32 to index
          %parallel_loop3A_502 = arith.index_cast %parallel_loop3A_209 : i32 to index
          %parallel_loop3A_503 = tpu.vector_load %arg7[%parallel_loop3A_500, %parallel_loop3A_501, %parallel_loop3A_502] {strides = array<i32>} : memref<2x64x768xf32, #tpu.memory_space<vmem>>, vector<16xf32>,
          %parallel_loop3A_504 = arith.constant 0 : i32
          %parallel_loop3A_505 = arith.constant 33 : i32
          %parallel_loop3A_506 = arith.index_cast %parallel_loop3A_504 : i32 to index
          %parallel_loop3A_507 = arith.index_cast %parallel_loop3A_505 : i32 to index
          %parallel_loop3A_508 = arith.index_cast %parallel_loop3A_209 : i32 to index
          %parallel_loop3A_509 = tpu.vector_load %arg7[%parallel_loop3A_506, %parallel_loop3A_507, %parallel_loop3A_508] {strides = array<i32>} : memref<2x64x768xf32, #tpu.memory_space<vmem>>, vector<16xf32>,
          %parallel_loop3A_510 = arith.addf %parallel_loop3A_503, %parallel_loop3A_509 : vector<16xf32>
          %parallel_loop3A_511 = arith.constant 0 : i32
          %parallel_loop3A_512 = arith.constant 34 : i32
          %parallel_loop3A_513 = arith.index_cast %parallel_loop3A_511 : i32 to index
          %parallel_loop3A_514 = arith.index_cast %parallel_loop3A_512 : i32 to index
          %parallel_loop3A_515 = arith.index_cast %parallel_loop3A_209 : i32 to index
          %parallel_loop3A_516 = tpu.vector_load %arg7[%parallel_loop3A_513, %parallel_loop3A_514, %parallel_loop3A_515] {strides = array<i32>} : memref<2x64x768xf32, #tpu.memory_space<vmem>>, vector<16xf32>,
          %parallel_loop3A_517 = arith.constant 0 : i32
          %parallel_loop3A_518 = arith.constant 35 : i32
          %parallel_loop3A_519 = arith.index_cast %parallel_loop3A_517 : i32 to index
          %parallel_loop3A_520 = arith.index_cast %parallel_loop3A_518 : i32 to index
          %parallel_loop3A_521 = arith.index_cast %parallel_loop3A_209 : i32 to index
          %parallel_loop3A_522 = tpu.vector_load %arg7[%parallel_loop3A_519, %parallel_loop3A_520, %parallel_loop3A_521] {strides = array<i32>} : memref<2x64x768xf32, #tpu.memory_space<vmem>>, vector<16xf32>,
          %parallel_loop3A_523 = arith.addf %parallel_loop3A_516, %parallel_loop3A_522 : vector<16xf32>
          %parallel_loop3A_524 = arith.addf %parallel_loop3A_510, %parallel_loop3A_523 : vector<16xf32>
          %parallel_loop3A_525 = arith.constant 2.500000e-01 : f32
          %parallel_loop3A_526 = vector.broadcast %parallel_loop3A_525 : f32 to vector<16xf32>
          %parallel_loop3A_527 = arith.mulf %parallel_loop3A_524, %parallel_loop3A_526 : vector<16xf32>
          %parallel_loop3A_528 = arith.constant 0 : i32
          %parallel_loop3A_529 = arith.constant 8 : i32
          %parallel_loop3A_530 = arith.index_cast %parallel_loop3A_528 : i32 to index
          %parallel_loop3A_531 = arith.index_cast %parallel_loop3A_529 : i32 to index
          %parallel_loop3A_532 = arith.index_cast %parallel_loop3A_209 : i32 to index
          %parallel_loop3A_533 = tpu.vector_load %arg8[%parallel_loop3A_530, %parallel_loop3A_531, %parallel_loop3A_532] {strides = array<i32>} : memref<2x16x768xf32, #tpu.memory_space<vmem>>, vector<16xf32>,
          tpu.vector_store %arg8[%parallel_loop3A_530, %parallel_loop3A_531, %parallel_loop3A_532], %parallel_loop3A_527 {strides = array<i32>} : memref<2x16x768xf32, #tpu.memory_space<vmem>>, vector<16xf32>,
          %parallel_loop3A_534 = arith.constant 0 : i32
          %parallel_loop3A_535 = arith.constant 36 : i32
          %parallel_loop3A_536 = arith.index_cast %parallel_loop3A_534 : i32 to index
          %parallel_loop3A_537 = arith.index_cast %parallel_loop3A_535 : i32 to index
          %parallel_loop3A_538 = arith.index_cast %parallel_loop3A_209 : i32 to index
          %parallel_loop3A_539 = tpu.vector_load %arg7[%parallel_loop3A_536, %parallel_loop3A_537, %parallel_loop3A_538] {strides = array<i32>} : memref<2x64x768xf32, #tpu.memory_space<vmem>>, vector<16xf32>,
          %parallel_loop3A_540 = arith.constant 0 : i32
          %parallel_loop3A_541 = arith.constant 37 : i32
          %parallel_loop3A_542 = arith.index_cast %parallel_loop3A_540 : i32 to index
          %parallel_loop3A_543 = arith.index_cast %parallel_loop3A_541 : i32 to index
          %parallel_loop3A_544 = arith.index_cast %parallel_loop3A_209 : i32 to index
          %parallel_loop3A_545 = tpu.vector_load %arg7[%parallel_loop3A_542, %parallel_loop3A_543, %parallel_loop3A_544] {strides = array<i32>} : memref<2x64x768xf32, #tpu.memory_space<vmem>>, vector<16xf32>,
          %parallel_loop3A_546 = arith.addf %parallel_loop3A_539, %parallel_loop3A_545 : vector<16xf32>
          %parallel_loop3A_547 = arith.constant 0 : i32
          %parallel_loop3A_548 = arith.constant 38 : i32
          %parallel_loop3A_549 = arith.index_cast %parallel_loop3A_547 : i32 to index
          %parallel_loop3A_550 = arith.index_cast %parallel_loop3A_548 : i32 to index
          %parallel_loop3A_551 = arith.index_cast %parallel_loop3A_209 : i32 to index
          %parallel_loop3A_552 = tpu.vector_load %arg7[%parallel_loop3A_549, %parallel_loop3A_550, %parallel_loop3A_551] {strides = array<i32>} : memref<2x64x768xf32, #tpu.memory_space<vmem>>, vector<16xf32>,
          %parallel_loop3A_553 = arith.constant 0 : i32
          %parallel_loop3A_554 = arith.constant 39 : i32
          %parallel_loop3A_555 = arith.index_cast %parallel_loop3A_553 : i32 to index
          %parallel_loop3A_556 = arith.index_cast %parallel_loop3A_554 : i32 to index
          %parallel_loop3A_557 = arith.index_cast %parallel_loop3A_209 : i32 to index
          %parallel_loop3A_558 = tpu.vector_load %arg7[%parallel_loop3A_555, %parallel_loop3A_556, %parallel_loop3A_557] {strides = array<i32>} : memref<2x64x768xf32, #tpu.memory_space<vmem>>, vector<16xf32>,
          %parallel_loop3A_559 = arith.addf %parallel_loop3A_552, %parallel_loop3A_558 : vector<16xf32>
          %parallel_loop3A_560 = arith.addf %parallel_loop3A_546, %parallel_loop3A_559 : vector<16xf32>
          %parallel_loop3A_561 = arith.constant 2.500000e-01 : f32
          %parallel_loop3A_562 = vector.broadcast %parallel_loop3A_561 : f32 to vector<16xf32>
          %parallel_loop3A_563 = arith.mulf %parallel_loop3A_560, %parallel_loop3A_562 : vector<16xf32>
          %parallel_loop3A_564 = arith.constant 0 : i32
          %parallel_loop3A_565 = arith.constant 9 : i32
          %parallel_loop3A_566 = arith.index_cast %parallel_loop3A_564 : i32 to index
          %parallel_loop3A_567 = arith.index_cast %parallel_loop3A_565 : i32 to index
          %parallel_loop3A_568 = arith.index_cast %parallel_loop3A_209 : i32 to index
          %parallel_loop3A_569 = tpu.vector_load %arg8[%parallel_loop3A_566, %parallel_loop3A_567, %parallel_loop3A_568] {strides = array<i32>} : memref<2x16x768xf32, #tpu.memory_space<vmem>>, vector<16xf32>,
          tpu.vector_store %arg8[%parallel_loop3A_566, %parallel_loop3A_567, %parallel_loop3A_568], %parallel_loop3A_563 {strides = array<i32>} : memref<2x16x768xf32, #tpu.memory_space<vmem>>, vector<16xf32>,
          %parallel_loop3A_570 = arith.constant 0 : i32
          %parallel_loop3A_571 = arith.constant 40 : i32
          %parallel_loop3A_572 = arith.index_cast %parallel_loop3A_570 : i32 to index
          %parallel_loop3A_573 = arith.index_cast %parallel_loop3A_571 : i32 to index
          %parallel_loop3A_574 = arith.index_cast %parallel_loop3A_209 : i32 to index
          %parallel_loop3A_575 = tpu.vector_load %arg7[%parallel_loop3A_572, %parallel_loop3A_573, %parallel_loop3A_574] {strides = array<i32>} : memref<2x64x768xf32, #tpu.memory_space<vmem>>, vector<16xf32>,
          %parallel_loop3A_576 = arith.constant 0 : i32
          %parallel_loop3A_577 = arith.constant 41 : i32
          %parallel_loop3A_578 = arith.index_cast %parallel_loop3A_576 : i32 to index
          %parallel_loop3A_579 = arith.index_cast %parallel_loop3A_577 : i32 to index
          %parallel_loop3A_580 = arith.index_cast %parallel_loop3A_209 : i32 to index
          %parallel_loop3A_581 = tpu.vector_load %arg7[%parallel_loop3A_578, %parallel_loop3A_579, %parallel_loop3A_580] {strides = array<i32>} : memref<2x64x768xf32, #tpu.memory_space<vmem>>, vector<16xf32>,
          %parallel_loop3A_582 = arith.addf %parallel_loop3A_575, %parallel_loop3A_581 : vector<16xf32>
          %parallel_loop3A_583 = arith.constant 0 : i32
          %parallel_loop3A_584 = arith.constant 42 : i32
          %parallel_loop3A_585 = arith.index_cast %parallel_loop3A_583 : i32 to index
          %parallel_loop3A_586 = arith.index_cast %parallel_loop3A_584 : i32 to index
          %parallel_loop3A_587 = arith.index_cast %parallel_loop3A_209 : i32 to index
          %parallel_loop3A_588 = tpu.vector_load %arg7[%parallel_loop3A_585, %parallel_loop3A_586, %parallel_loop3A_587] {strides = array<i32>} : memref<2x64x768xf32, #tpu.memory_space<vmem>>, vector<16xf32>,
          %parallel_loop3A_589 = arith.constant 0 : i32
          %parallel_loop3A_590 = arith.constant 43 : i32
          %parallel_loop3A_591 = arith.index_cast %parallel_loop3A_589 : i32 to index
          %parallel_loop3A_592 = arith.index_cast %parallel_loop3A_590 : i32 to index
          %parallel_loop3A_593 = arith.index_cast %parallel_loop3A_209 : i32 to index
          %parallel_loop3A_594 = tpu.vector_load %arg7[%parallel_loop3A_591, %parallel_loop3A_592, %parallel_loop3A_593] {strides = array<i32>} : memref<2x64x768xf32, #tpu.memory_space<vmem>>, vector<16xf32>,
          %parallel_loop3A_595 = arith.addf %parallel_loop3A_588, %parallel_loop3A_594 : vector<16xf32>
          %parallel_loop3A_596 = arith.addf %parallel_loop3A_582, %parallel_loop3A_595 : vector<16xf32>
          %parallel_loop3A_597 = arith.constant 2.500000e-01 : f32
          %parallel_loop3A_598 = vector.broadcast %parallel_loop3A_597 : f32 to vector<16xf32>
          %parallel_loop3A_599 = arith.mulf %parallel_loop3A_596, %parallel_loop3A_598 : vector<16xf32>
          %parallel_loop3A_600 = arith.constant 0 : i32
          %parallel_loop3A_601 = arith.constant 10 : i32
          %parallel_loop3A_602 = arith.index_cast %parallel_loop3A_600 : i32 to index
          %parallel_loop3A_603 = arith.index_cast %parallel_loop3A_601 : i32 to index
          %parallel_loop3A_604 = arith.index_cast %parallel_loop3A_209 : i32 to index
          %parallel_loop3A_605 = tpu.vector_load %arg8[%parallel_loop3A_602, %parallel_loop3A_603, %parallel_loop3A_604] {strides = array<i32>} : memref<2x16x768xf32, #tpu.memory_space<vmem>>, vector<16xf32>,
          tpu.vector_store %arg8[%parallel_loop3A_602, %parallel_loop3A_603, %parallel_loop3A_604], %parallel_loop3A_599 {strides = array<i32>} : memref<2x16x768xf32, #tpu.memory_space<vmem>>, vector<16xf32>,
          %parallel_loop3A_606 = arith.constant 0 : i32
          %parallel_loop3A_607 = arith.constant 44 : i32
          %parallel_loop3A_608 = arith.index_cast %parallel_loop3A_606 : i32 to index
          %parallel_loop3A_609 = arith.index_cast %parallel_loop3A_607 : i32 to index
          %parallel_loop3A_610 = arith.index_cast %parallel_loop3A_209 : i32 to index
          %parallel_loop3A_611 = tpu.vector_load %arg7[%parallel_loop3A_608, %parallel_loop3A_609, %parallel_loop3A_610] {strides = array<i32>} : memref<2x64x768xf32, #tpu.memory_space<vmem>>, vector<16xf32>,
          %parallel_loop3A_612 = arith.constant 0 : i32
          %parallel_loop3A_613 = arith.constant 45 : i32
          %parallel_loop3A_614 = arith.index_cast %parallel_loop3A_612 : i32 to index
          %parallel_loop3A_615 = arith.index_cast %parallel_loop3A_613 : i32 to index
          %parallel_loop3A_616 = arith.index_cast %parallel_loop3A_209 : i32 to index
          %parallel_loop3A_617 = tpu.vector_load %arg7[%parallel_loop3A_614, %parallel_loop3A_615, %parallel_loop3A_616] {strides = array<i32>} : memref<2x64x768xf32, #tpu.memory_space<vmem>>, vector<16xf32>,
          %parallel_loop3A_618 = arith.addf %parallel_loop3A_611, %parallel_loop3A_617 : vector<16xf32>
          %parallel_loop3A_619 = arith.constant 0 : i32
          %parallel_loop3A_620 = arith.constant 46 : i32
          %parallel_loop3A_621 = arith.index_cast %parallel_loop3A_619 : i32 to index
          %parallel_loop3A_622 = arith.index_cast %parallel_loop3A_620 : i32 to index
          %parallel_loop3A_623 = arith.index_cast %parallel_loop3A_209 : i32 to index
          %parallel_loop3A_624 = tpu.vector_load %arg7[%parallel_loop3A_621, %parallel_loop3A_622, %parallel_loop3A_623] {strides = array<i32>} : memref<2x64x768xf32, #tpu.memory_space<vmem>>, vector<16xf32>,
          %parallel_loop3A_625 = arith.constant 0 : i32
          %parallel_loop3A_626 = arith.constant 47 : i32
          %parallel_loop3A_627 = arith.index_cast %parallel_loop3A_625 : i32 to index
          %parallel_loop3A_628 = arith.index_cast %parallel_loop3A_626 : i32 to index
          %parallel_loop3A_629 = arith.index_cast %parallel_loop3A_209 : i32 to index
          %parallel_loop3A_630 = tpu.vector_load %arg7[%parallel_loop3A_627, %parallel_loop3A_628, %parallel_loop3A_629] {strides = array<i32>} : memref<2x64x768xf32, #tpu.memory_space<vmem>>, vector<16xf32>,
          %parallel_loop3A_631 = arith.addf %parallel_loop3A_624, %parallel_loop3A_630 : vector<16xf32>
          %parallel_loop3A_632 = arith.addf %parallel_loop3A_618, %parallel_loop3A_631 : vector<16xf32>
          %parallel_loop3A_633 = arith.constant 2.500000e-01 : f32
          %parallel_loop3A_634 = vector.broadcast %parallel_loop3A_633 : f32 to vector<16xf32>
          %parallel_loop3A_635 = arith.mulf %parallel_loop3A_632, %parallel_loop3A_634 : vector<16xf32>
          %parallel_loop3A_636 = arith.constant 0 : i32
          %parallel_loop3A_637 = arith.constant 11 : i32
          %parallel_loop3A_638 = arith.index_cast %parallel_loop3A_636 : i32 to index
          %parallel_loop3A_639 = arith.index_cast %parallel_loop3A_637 : i32 to index
          %parallel_loop3A_640 = arith.index_cast %parallel_loop3A_209 : i32 to index
          %parallel_loop3A_641 = tpu.vector_load %arg8[%parallel_loop3A_638, %parallel_loop3A_639, %parallel_loop3A_640] {strides = array<i32>} : memref<2x16x768xf32, #tpu.memory_space<vmem>>, vector<16xf32>,
          tpu.vector_store %arg8[%parallel_loop3A_638, %parallel_loop3A_639, %parallel_loop3A_640], %parallel_loop3A_635 {strides = array<i32>} : memref<2x16x768xf32, #tpu.memory_space<vmem>>, vector<16xf32>,
          %parallel_loop3A_642 = arith.constant 0 : i32
          %parallel_loop3A_643 = arith.constant 48 : i32
          %parallel_loop3A_644 = arith.index_cast %parallel_loop3A_642 : i32 to index
          %parallel_loop3A_645 = arith.index_cast %parallel_loop3A_643 : i32 to index
          %parallel_loop3A_646 = arith.index_cast %parallel_loop3A_209 : i32 to index
          %parallel_loop3A_647 = tpu.vector_load %arg7[%parallel_loop3A_644, %parallel_loop3A_645, %parallel_loop3A_646] {strides = array<i32>} : memref<2x64x768xf32, #tpu.memory_space<vmem>>, vector<16xf32>,
          %parallel_loop3A_648 = arith.constant 0 : i32
          %parallel_loop3A_649 = arith.constant 49 : i32
          %parallel_loop3A_650 = arith.index_cast %parallel_loop3A_648 : i32 to index
          %parallel_loop3A_651 = arith.index_cast %parallel_loop3A_649 : i32 to index
          %parallel_loop3A_652 = arith.index_cast %parallel_loop3A_209 : i32 to index
          %parallel_loop3A_653 = tpu.vector_load %arg7[%parallel_loop3A_650, %parallel_loop3A_651, %parallel_loop3A_652] {strides = array<i32>} : memref<2x64x768xf32, #tpu.memory_space<vmem>>, vector<16xf32>,
          %parallel_loop3A_654 = arith.addf %parallel_loop3A_647, %parallel_loop3A_653 : vector<16xf32>
          %parallel_loop3A_655 = arith.constant 0 : i32
          %parallel_loop3A_656 = arith.constant 50 : i32
          %parallel_loop3A_657 = arith.index_cast %parallel_loop3A_655 : i32 to index
          %parallel_loop3A_658 = arith.index_cast %parallel_loop3A_656 : i32 to index
          %parallel_loop3A_659 = arith.index_cast %parallel_loop3A_209 : i32 to index
          %parallel_loop3A_660 = tpu.vector_load %arg7[%parallel_loop3A_657, %parallel_loop3A_658, %parallel_loop3A_659] {strides = array<i32>} : memref<2x64x768xf32, #tpu.memory_space<vmem>>, vector<16xf32>,
          %parallel_loop3A_661 = arith.constant 0 : i32
          %parallel_loop3A_662 = arith.constant 51 : i32
          %parallel_loop3A_663 = arith.index_cast %parallel_loop3A_661 : i32 to index
          %parallel_loop3A_664 = arith.index_cast %parallel_loop3A_662 : i32 to index
          %parallel_loop3A_665 = arith.index_cast %parallel_loop3A_209 : i32 to index
          %parallel_loop3A_666 = tpu.vector_load %arg7[%parallel_loop3A_663, %parallel_loop3A_664, %parallel_loop3A_665] {strides = array<i32>} : memref<2x64x768xf32, #tpu.memory_space<vmem>>, vector<16xf32>,
          %parallel_loop3A_667 = arith.addf %parallel_loop3A_660, %parallel_loop3A_666 : vector<16xf32>
          %parallel_loop3A_668 = arith.addf %parallel_loop3A_654, %parallel_loop3A_667 : vector<16xf32>
          %parallel_loop3A_669 = arith.constant 2.500000e-01 : f32
          %parallel_loop3A_670 = vector.broadcast %parallel_loop3A_669 : f32 to vector<16xf32>
          %parallel_loop3A_671 = arith.mulf %parallel_loop3A_668, %parallel_loop3A_670 : vector<16xf32>
          %parallel_loop3A_672 = arith.constant 0 : i32
          %parallel_loop3A_673 = arith.constant 12 : i32
          %parallel_loop3A_674 = arith.index_cast %parallel_loop3A_672 : i32 to index
          %parallel_loop3A_675 = arith.index_cast %parallel_loop3A_673 : i32 to index
          %parallel_loop3A_676 = arith.index_cast %parallel_loop3A_209 : i32 to index
          %parallel_loop3A_677 = tpu.vector_load %arg8[%parallel_loop3A_674, %parallel_loop3A_675, %parallel_loop3A_676] {strides = array<i32>} : memref<2x16x768xf32, #tpu.memory_space<vmem>>, vector<16xf32>,
          tpu.vector_store %arg8[%parallel_loop3A_674, %parallel_loop3A_675, %parallel_loop3A_676], %parallel_loop3A_671 {strides = array<i32>} : memref<2x16x768xf32, #tpu.memory_space<vmem>>, vector<16xf32>,
          %parallel_loop3A_678 = arith.constant 0 : i32
          %parallel_loop3A_679 = arith.constant 52 : i32
          %parallel_loop3A_680 = arith.index_cast %parallel_loop3A_678 : i32 to index
          %parallel_loop3A_681 = arith.index_cast %parallel_loop3A_679 : i32 to index
          %parallel_loop3A_682 = arith.index_cast %parallel_loop3A_209 : i32 to index
          %parallel_loop3A_683 = tpu.vector_load %arg7[%parallel_loop3A_680, %parallel_loop3A_681, %parallel_loop3A_682] {strides = array<i32>} : memref<2x64x768xf32, #tpu.memory_space<vmem>>, vector<16xf32>,
          %parallel_loop3A_684 = arith.constant 0 : i32
          %parallel_loop3A_685 = arith.constant 53 : i32
          %parallel_loop3A_686 = arith.index_cast %parallel_loop3A_684 : i32 to index
          %parallel_loop3A_687 = arith.index_cast %parallel_loop3A_685 : i32 to index
          %parallel_loop3A_688 = arith.index_cast %parallel_loop3A_209 : i32 to index
          %parallel_loop3A_689 = tpu.vector_load %arg7[%parallel_loop3A_686, %parallel_loop3A_687, %parallel_loop3A_688] {strides = array<i32>} : memref<2x64x768xf32, #tpu.memory_space<vmem>>, vector<16xf32>,
          %parallel_loop3A_690 = arith.addf %parallel_loop3A_683, %parallel_loop3A_689 : vector<16xf32>
          %parallel_loop3A_691 = arith.constant 0 : i32
          %parallel_loop3A_692 = arith.constant 54 : i32
          %parallel_loop3A_693 = arith.index_cast %parallel_loop3A_691 : i32 to index
          %parallel_loop3A_694 = arith.index_cast %parallel_loop3A_692 : i32 to index
          %parallel_loop3A_695 = arith.index_cast %parallel_loop3A_209 : i32 to index
          %parallel_loop3A_696 = tpu.vector_load %arg7[%parallel_loop3A_693, %parallel_loop3A_694, %parallel_loop3A_695] {strides = array<i32>} : memref<2x64x768xf32, #tpu.memory_space<vmem>>, vector<16xf32>,
          %parallel_loop3A_697 = arith.constant 0 : i32
          %parallel_loop3A_698 = arith.constant 55 : i32
          %parallel_loop3A_699 = arith.index_cast %parallel_loop3A_697 : i32 to index
          %parallel_loop3A_700 = arith.index_cast %parallel_loop3A_698 : i32 to index
          %parallel_loop3A_701 = arith.index_cast %parallel_loop3A_209 : i32 to index
          %parallel_loop3A_702 = tpu.vector_load %arg7[%parallel_loop3A_699, %parallel_loop3A_700, %parallel_loop3A_701] {strides = array<i32>} : memref<2x64x768xf32, #tpu.memory_space<vmem>>, vector<16xf32>,
          %parallel_loop3A_703 = arith.addf %parallel_loop3A_696, %parallel_loop3A_702 : vector<16xf32>
          %parallel_loop3A_704 = arith.addf %parallel_loop3A_690, %parallel_loop3A_703 : vector<16xf32>
          %parallel_loop3A_705 = arith.constant 2.500000e-01 : f32
          %parallel_loop3A_706 = vector.broadcast %parallel_loop3A_705 : f32 to vector<16xf32>
          %parallel_loop3A_707 = arith.mulf %parallel_loop3A_704, %parallel_loop3A_706 : vector<16xf32>
          %parallel_loop3A_708 = arith.constant 0 : i32
          %parallel_loop3A_709 = arith.constant 13 : i32
          %parallel_loop3A_710 = arith.index_cast %parallel_loop3A_708 : i32 to index
          %parallel_loop3A_711 = arith.index_cast %parallel_loop3A_709 : i32 to index
          %parallel_loop3A_712 = arith.index_cast %parallel_loop3A_209 : i32 to index
          %parallel_loop3A_713 = tpu.vector_load %arg8[%parallel_loop3A_710, %parallel_loop3A_711, %parallel_loop3A_712] {strides = array<i32>} : memref<2x16x768xf32, #tpu.memory_space<vmem>>, vector<16xf32>,
          tpu.vector_store %arg8[%parallel_loop3A_710, %parallel_loop3A_711, %parallel_loop3A_712], %parallel_loop3A_707 {strides = array<i32>} : memref<2x16x768xf32, #tpu.memory_space<vmem>>, vector<16xf32>,
          %parallel_loop3A_714 = arith.constant 0 : i32
          %parallel_loop3A_715 = arith.constant 56 : i32
          %parallel_loop3A_716 = arith.index_cast %parallel_loop3A_714 : i32 to index
          %parallel_loop3A_717 = arith.index_cast %parallel_loop3A_715 : i32 to index
          %parallel_loop3A_718 = arith.index_cast %parallel_loop3A_209 : i32 to index
          %parallel_loop3A_719 = tpu.vector_load %arg7[%parallel_loop3A_716, %parallel_loop3A_717, %parallel_loop3A_718] {strides = array<i32>} : memref<2x64x768xf32, #tpu.memory_space<vmem>>, vector<16xf32>,
          %parallel_loop3A_720 = arith.constant 0 : i32
          %parallel_loop3A_721 = arith.constant 57 : i32
          %parallel_loop3A_722 = arith.index_cast %parallel_loop3A_720 : i32 to index
          %parallel_loop3A_723 = arith.index_cast %parallel_loop3A_721 : i32 to index
          %parallel_loop3A_724 = arith.index_cast %parallel_loop3A_209 : i32 to index
          %parallel_loop3A_725 = tpu.vector_load %arg7[%parallel_loop3A_722, %parallel_loop3A_723, %parallel_loop3A_724] {strides = array<i32>} : memref<2x64x768xf32, #tpu.memory_space<vmem>>, vector<16xf32>,
          %parallel_loop3A_726 = arith.addf %parallel_loop3A_719, %parallel_loop3A_725 : vector<16xf32>
          %parallel_loop3A_727 = arith.constant 0 : i32
          %parallel_loop3A_728 = arith.constant 58 : i32
          %parallel_loop3A_729 = arith.index_cast %parallel_loop3A_727 : i32 to index
          %parallel_loop3A_730 = arith.index_cast %parallel_loop3A_728 : i32 to index
          %parallel_loop3A_731 = arith.index_cast %parallel_loop3A_209 : i32 to index
          %parallel_loop3A_732 = tpu.vector_load %arg7[%parallel_loop3A_729, %parallel_loop3A_730, %parallel_loop3A_731] {strides = array<i32>} : memref<2x64x768xf32, #tpu.memory_space<vmem>>, vector<16xf32>,
          %parallel_loop3A_733 = arith.constant 0 : i32
          %parallel_loop3A_734 = arith.constant 59 : i32
          %parallel_loop3A_735 = arith.index_cast %parallel_loop3A_733 : i32 to index
          %parallel_loop3A_736 = arith.index_cast %parallel_loop3A_734 : i32 to index
          %parallel_loop3A_737 = arith.index_cast %parallel_loop3A_209 : i32 to index
          %parallel_loop3A_738 = tpu.vector_load %arg7[%parallel_loop3A_735, %parallel_loop3A_736, %parallel_loop3A_737] {strides = array<i32>} : memref<2x64x768xf32, #tpu.memory_space<vmem>>, vector<16xf32>,
          %parallel_loop3A_739 = arith.addf %parallel_loop3A_732, %parallel_loop3A_738 : vector<16xf32>
          %parallel_loop3A_740 = arith.addf %parallel_loop3A_726, %parallel_loop3A_739 : vector<16xf32>
          %parallel_loop3A_741 = arith.constant 2.500000e-01 : f32
          %parallel_loop3A_742 = vector.broadcast %parallel_loop3A_741 : f32 to vector<16xf32>
          %parallel_loop3A_743 = arith.mulf %parallel_loop3A_740, %parallel_loop3A_742 : vector<16xf32>
          %parallel_loop3A_744 = arith.constant 0 : i32
          %parallel_loop3A_745 = arith.constant 14 : i32
          %parallel_loop3A_746 = arith.index_cast %parallel_loop3A_744 : i32 to index
          %parallel_loop3A_747 = arith.index_cast %parallel_loop3A_745 : i32 to index
          %parallel_loop3A_748 = arith.index_cast %parallel_loop3A_209 : i32 to index
          %parallel_loop3A_749 = tpu.vector_load %arg8[%parallel_loop3A_746, %parallel_loop3A_747, %parallel_loop3A_748] {strides = array<i32>} : memref<2x16x768xf32, #tpu.memory_space<vmem>>, vector<16xf32>,
          tpu.vector_store %arg8[%parallel_loop3A_746, %parallel_loop3A_747, %parallel_loop3A_748], %parallel_loop3A_743 {strides = array<i32>} : memref<2x16x768xf32, #tpu.memory_space<vmem>>, vector<16xf32>,
          %parallel_loop3A_750 = arith.constant 0 : i32
          %parallel_loop3A_751 = arith.constant 60 : i32
          %parallel_loop3A_752 = arith.index_cast %parallel_loop3A_750 : i32 to index
          %parallel_loop3A_753 = arith.index_cast %parallel_loop3A_751 : i32 to index
          %parallel_loop3A_754 = arith.index_cast %parallel_loop3A_209 : i32 to index
          %parallel_loop3A_755 = tpu.vector_load %arg7[%parallel_loop3A_752, %parallel_loop3A_753, %parallel_loop3A_754] {strides = array<i32>} : memref<2x64x768xf32, #tpu.memory_space<vmem>>, vector<16xf32>,
          %parallel_loop3A_756 = arith.constant 0 : i32
          %parallel_loop3A_757 = arith.constant 61 : i32
          %parallel_loop3A_758 = arith.index_cast %parallel_loop3A_756 : i32 to index
          %parallel_loop3A_759 = arith.index_cast %parallel_loop3A_757 : i32 to index
          %parallel_loop3A_760 = arith.index_cast %parallel_loop3A_209 : i32 to index
          %parallel_loop3A_761 = tpu.vector_load %arg7[%parallel_loop3A_758, %parallel_loop3A_759, %parallel_loop3A_760] {strides = array<i32>} : memref<2x64x768xf32, #tpu.memory_space<vmem>>, vector<16xf32>,
          %parallel_loop3A_762 = arith.addf %parallel_loop3A_755, %parallel_loop3A_761 : vector<16xf32>
          %parallel_loop3A_763 = arith.constant 0 : i32
          %parallel_loop3A_764 = arith.constant 62 : i32
          %parallel_loop3A_765 = arith.index_cast %parallel_loop3A_763 : i32 to index
          %parallel_loop3A_766 = arith.index_cast %parallel_loop3A_764 : i32 to index
          %parallel_loop3A_767 = arith.index_cast %parallel_loop3A_209 : i32 to index
          %parallel_loop3A_768 = tpu.vector_load %arg7[%parallel_loop3A_765, %parallel_loop3A_766, %parallel_loop3A_767] {strides = array<i32>} : memref<2x64x768xf32, #tpu.memory_space<vmem>>, vector<16xf32>,
          %parallel_loop3A_769 = arith.constant 0 : i32
          %parallel_loop3A_770 = arith.constant 63 : i32
          %parallel_loop3A_771 = arith.index_cast %parallel_loop3A_769 : i32 to index
          %parallel_loop3A_772 = arith.index_cast %parallel_loop3A_770 : i32 to index
          %parallel_loop3A_773 = arith.index_cast %parallel_loop3A_209 : i32 to index
          %parallel_loop3A_774 = tpu.vector_load %arg7[%parallel_loop3A_771, %parallel_loop3A_772, %parallel_loop3A_773] {strides = array<i32>} : memref<2x64x768xf32, #tpu.memory_space<vmem>>, vector<16xf32>,
          %parallel_loop3A_775 = arith.addf %parallel_loop3A_768, %parallel_loop3A_774 : vector<16xf32>
          %parallel_loop3A_776 = arith.addf %parallel_loop3A_762, %parallel_loop3A_775 : vector<16xf32>
          %parallel_loop3A_777 = arith.constant 2.500000e-01 : f32
          %parallel_loop3A_778 = vector.broadcast %parallel_loop3A_777 : f32 to vector<16xf32>
          %parallel_loop3A_779 = arith.mulf %parallel_loop3A_776, %parallel_loop3A_778 : vector<16xf32>
          %parallel_loop3A_780 = arith.constant 0 : i32
          %parallel_loop3A_781 = arith.constant 15 : i32
          %parallel_loop3A_782 = arith.index_cast %parallel_loop3A_780 : i32 to index
          %parallel_loop3A_783 = arith.index_cast %parallel_loop3A_781 : i32 to index
          %parallel_loop3A_784 = arith.index_cast %parallel_loop3A_209 : i32 to index
          %parallel_loop3A_785 = tpu.vector_load %arg8[%parallel_loop3A_782, %parallel_loop3A_783, %parallel_loop3A_784] {strides = array<i32>} : memref<2x16x768xf32, #tpu.memory_space<vmem>>, vector<16xf32>,
          tpu.vector_store %arg8[%parallel_loop3A_782, %parallel_loop3A_783, %parallel_loop3A_784], %parallel_loop3A_779 {strides = array<i32>} : memref<2x16x768xf32, #tpu.memory_space<vmem>>, vector<16xf32>,
        } {sc.loop_unroll_factor = 1 : i64, sc.parallel_access}
      } else {
      }
      %not3A = arith.constant true
      %not3A_112 = arith.xori %ge3A_108, %not3A : i1
      %convert_element_type3A_113 = arith.extui %not3A_112 : i1 to i32
      %cond3A_114 = arith.constant 0 : i32
      %cond3A_115 = arith.cmpi ne, %convert_element_type3A_113, %cond3A_114 : i32
      scf.if %cond3A_115 {
        %min3A_207 = arith.constant 1 : i32
        %min3A_208 = vector.broadcast %min3A_207 : i32 to vector<16xi32>
        %min3A_209 = arith.minsi %get3A_83, %min3A_208 : vector<16xi32>
        %convert_element_type3A_210 = arith.sitofp %min3A_209 : vector<16xi32> to vector<16xf32>
        %swap3A = arith.constant 0 : index
        %swap3A_211 = tpu.vector_load %arg6[%swap3A] {strides = array<i32>} : memref<64xf32, #tpu.memory_space<vmem>>, vector<16xf32>,
        tpu.vector_store %arg6[%swap3A], %convert_element_type3A_210 {strides = array<i32>} : memref<64xf32, #tpu.memory_space<vmem>>, vector<16xf32>,
        %min3A_212 = arith.constant 1 : i32
        %min3A_213 = vector.broadcast %min3A_212 : i32 to vector<16xi32>
        %min3A_214 = arith.minsi %get3A_87, %min3A_213 : vector<16xi32>
        %convert_element_type3A_215 = arith.sitofp %min3A_214 : vector<16xi32> to vector<16xf32>
        %swap3A_216 = arith.constant 16 : index
        %swap3A_217 = tpu.vector_load %arg6[%swap3A_216] {strides = array<i32>} : memref<64xf32, #tpu.memory_space<vmem>>, vector<16xf32>,
        tpu.vector_store %arg6[%swap3A_216], %convert_element_type3A_215 {strides = array<i32>} : memref<64xf32, #tpu.memory_space<vmem>>, vector<16xf32>,
        %min3A_218 = arith.constant 1 : i32
        %min3A_219 = vector.broadcast %min3A_218 : i32 to vector<16xi32>
        %min3A_220 = arith.minsi %get3A_91, %min3A_219 : vector<16xi32>
        %convert_element_type3A_221 = arith.sitofp %min3A_220 : vector<16xi32> to vector<16xf32>
        %swap3A_222 = arith.constant 32 : index
        %swap3A_223 = tpu.vector_load %arg6[%swap3A_222] {strides = array<i32>} : memref<64xf32, #tpu.memory_space<vmem>>, vector<16xf32>,
        tpu.vector_store %arg6[%swap3A_222], %convert_element_type3A_221 {strides = array<i32>} : memref<64xf32, #tpu.memory_space<vmem>>, vector<16xf32>,
        %min3A_224 = arith.constant 1 : i32
        %min3A_225 = vector.broadcast %min3A_224 : i32 to vector<16xi32>
        %min3A_226 = arith.minsi %get3A_95, %min3A_225 : vector<16xi32>
        %convert_element_type3A_227 = arith.sitofp %min3A_226 : vector<16xi32> to vector<16xf32>
        %swap3A_228 = arith.constant 48 : index
        %swap3A_229 = tpu.vector_load %arg6[%swap3A_228] {strides = array<i32>} : memref<64xf32, #tpu.memory_space<vmem>>, vector<16xf32>,
        tpu.vector_store %arg6[%swap3A_228], %convert_element_type3A_227 {strides = array<i32>} : memref<64xf32, #tpu.memory_space<vmem>>, vector<16xf32>,
        %iota3A = tpu.iota {dimensions = array<i32: 0>} : vector<16xi32>
        %mul3A_230 = arith.constant 4 : i32
        %mul3A_231 = vector.broadcast %mul3A_230 : i32 to vector<16xi32>
        %mul3A_232 = arith.muli %iota3A, %mul3A_231 : vector<16xi32>
        %add3A_233 = arith.constant 0 : i32
        %add3A_234 = vector.broadcast %add3A_233 : i32 to vector<16xi32>
        %add3A_235 = arith.addi %mul3A_232, %add3A_234 : vector<16xi32>
        %mul3A_236 = arith.constant 4 : i32
        %mul3A_237 = vector.broadcast %mul3A_236 : i32 to vector<16xi32>
        %mul3A_238 = arith.muli %iota3A, %mul3A_237 : vector<16xi32>
        %add3A_239 = arith.constant 1 : i32
        %add3A_240 = vector.broadcast %add3A_239 : i32 to vector<16xi32>
        %add3A_241 = arith.addi %mul3A_238, %add3A_240 : vector<16xi32>
        %mul3A_242 = arith.constant 4 : i32
        %mul3A_243 = vector.broadcast %mul3A_242 : i32 to vector<16xi32>
        %mul3A_244 = arith.muli %iota3A, %mul3A_243 : vector<16xi32>
        %add3A_245 = arith.constant 2 : i32
        %add3A_246 = vector.broadcast %add3A_245 : i32 to vector<16xi32>
        %add3A_247 = arith.addi %mul3A_244, %add3A_246 : vector<16xi32>
        %mul3A_248 = arith.constant 4 : i32
        %mul3A_249 = vector.broadcast %mul3A_248 : i32 to vector<16xi32>
        %mul3A_250 = arith.muli %iota3A, %mul3A_249 : vector<16xi32>
        %add3A_251 = arith.constant 3 : i32
        %add3A_252 = vector.broadcast %add3A_251 : i32 to vector<16xi32>
        %add3A_253 = arith.addi %mul3A_250, %add3A_252 : vector<16xi32>
        %gather3A = tpu.vector_load_idx %arg6[%add3A_235] : memref<64xf32, #tpu.memory_space<vmem>>[vector<16xi32>], vector<16xf32>,
        %gather3A_254 = tpu.vector_load_idx %arg6[%add3A_241] : memref<64xf32, #tpu.memory_space<vmem>>[vector<16xi32>], vector<16xf32>,
        %gather3A_255 = tpu.vector_load_idx %arg6[%add3A_247] : memref<64xf32, #tpu.memory_space<vmem>>[vector<16xi32>], vector<16xf32>,
        %gather3A_256 = tpu.vector_load_idx %arg6[%add3A_253] : memref<64xf32, #tpu.memory_space<vmem>>[vector<16xi32>], vector<16xf32>,
        %add3A_257 = arith.addf %gather3A, %gather3A_254 : vector<16xf32>
        %add3A_258 = arith.addf %add3A_257, %gather3A_255 : vector<16xf32>
        %add3A_259 = arith.addf %add3A_258, %gather3A_256 : vector<16xf32>
        %max3A = arith.constant 1.000000e+00 : f32
        %max3A_260 = vector.broadcast %max3A : f32 to vector<16xf32>
        %max3A_261 = arith.maximumf %add3A_259, %max3A_260 : vector<16xf32>
        %div3A = arith.constant 1.000000e+00 : f32
        %div3A_262 = vector.broadcast %div3A : f32 to vector<16xf32>
        %div3A_263 = arith.divf %div3A_262, %max3A_261 : vector<16xf32>
        %mul3A_264 = arith.mulf %gather3A, %div3A_263 : vector<16xf32>
        tpu.vector_store_idx %arg6[%add3A_235], %mul3A_264 : memref<64xf32, #tpu.memory_space<vmem>>[vector<16xi32>], vector<16xf32>,
        %mul3A_265 = arith.mulf %gather3A_254, %div3A_263 : vector<16xf32>
        tpu.vector_store_idx %arg6[%add3A_241], %mul3A_265 : memref<64xf32, #tpu.memory_space<vmem>>[vector<16xi32>], vector<16xf32>,
        %mul3A_266 = arith.mulf %gather3A_255, %div3A_263 : vector<16xf32>
        tpu.vector_store_idx %arg6[%add3A_247], %mul3A_266 : memref<64xf32, #tpu.memory_space<vmem>>[vector<16xi32>], vector<16xf32>,
        %mul3A_267 = arith.mulf %gather3A_256, %div3A_263 : vector<16xf32>
        tpu.vector_store_idx %arg6[%add3A_253], %mul3A_267 : memref<64xf32, #tpu.memory_space<vmem>>[vector<16xi32>], vector<16xf32>,
        %scan3A_268 = arith.constant 0 : i32
        %scan3A_269 = arith.constant 0 : i32
        %scan3A_270 = arith.constant 16 : i32
        %scan3A_271 = arith.addi %scan3A_269, %scan3A_270 : i32
        %scan3A_272 = arith.constant 1 : i32
        scf.for %scan3A_274 = %scan3A_269 to %scan3A_271 step %scan3A_272  : i32 {
          %mul3A_275 = arith.constant 4 : i32
          %mul3A_276 = arith.muli %scan3A_274, %mul3A_275 : i32
          %add3A_277 = arith.constant 0 : i32
          %add3A_278 = arith.addi %mul3A_276, %add3A_277 : i32
          %broadcast_in_dim3A = vector.broadcast %add3A_278 : i32 to vector<16xi32>
          %gather3A_279 = tpu.vector_load_idx %arg6[%broadcast_in_dim3A] : memref<64xf32, #tpu.memory_space<vmem>>[vector<16xi32>], vector<16xf32>,
          %add3A_280 = arith.constant 1 : i32
          %add3A_281 = arith.addi %mul3A_276, %add3A_280 : i32
          %broadcast_in_dim3A_282 = vector.broadcast %add3A_281 : i32 to vector<16xi32>
          %gather3A_283 = tpu.vector_load_idx %arg6[%broadcast_in_dim3A_282] : memref<64xf32, #tpu.memory_space<vmem>>[vector<16xi32>], vector<16xf32>,
          %add3A_284 = arith.constant 2 : i32
          %add3A_285 = arith.addi %mul3A_276, %add3A_284 : i32
          %broadcast_in_dim3A_286 = vector.broadcast %add3A_285 : i32 to vector<16xi32>
          %gather3A_287 = tpu.vector_load_idx %arg6[%broadcast_in_dim3A_286] : memref<64xf32, #tpu.memory_space<vmem>>[vector<16xi32>], vector<16xf32>,
          %add3A_288 = arith.constant 3 : i32
          %add3A_289 = arith.addi %mul3A_276, %add3A_288 : i32
          %broadcast_in_dim3A_290 = vector.broadcast %add3A_289 : i32 to vector<16xi32>
          %gather3A_291 = tpu.vector_load_idx %arg6[%broadcast_in_dim3A_290] : memref<64xf32, #tpu.memory_space<vmem>>[vector<16xi32>], vector<16xf32>,
          %scan3A_292 = arith.constant 0 : i32
          %scan3A_293 = arith.constant 48 : i32
          %scan3A_294 = arith.addi %scan3A_292, %scan3A_293 : i32
          %scan3A_295 = arith.constant 1 : i32
          scf.for %scan3A_297 = %scan3A_292 to %scan3A_294 step %scan3A_295  : i32 {
            %mul3A_298 = arith.constant 16 : i32
            %mul3A_299 = arith.muli %scan3A_297, %mul3A_298 : i32
            %get3A_300 = arith.constant 0 : i32
            %get3A_301 = arith.index_cast %get3A_300 : i32 to index
            %get3A_302 = arith.index_cast %mul3A_276 : i32 to index
            %get3A_303 = arith.index_cast %mul3A_299 : i32 to index
            %get3A_304 = tpu.vector_load %arg7[%get3A_301, %get3A_302, %get3A_303] {strides = array<i32>} : memref<2x64x768xf32, #tpu.memory_space<vmem>>, vector<16xf32>,
            %mul3A_305 = arith.mulf %get3A_304, %gather3A_279 : vector<16xf32>
            %add3A_306 = arith.constant 1 : i32
            %add3A_307 = arith.addi %mul3A_276, %add3A_306 : i32
            %get3A_308 = arith.constant 0 : i32
            %get3A_309 = arith.index_cast %get3A_308 : i32 to index
            %get3A_310 = arith.index_cast %add3A_307 : i32 to index
            %get3A_311 = arith.index_cast %mul3A_299 : i32 to index
            %get3A_312 = tpu.vector_load %arg7[%get3A_309, %get3A_310, %get3A_311] {strides = array<i32>} : memref<2x64x768xf32, #tpu.memory_space<vmem>>, vector<16xf32>,
            %mul3A_313 = arith.mulf %get3A_312, %gather3A_283 : vector<16xf32>
            %add3A_314 = arith.addf %mul3A_305, %mul3A_313 : vector<16xf32>
            %add3A_315 = arith.constant 2 : i32
            %add3A_316 = arith.addi %mul3A_276, %add3A_315 : i32
            %get3A_317 = arith.constant 0 : i32
            %get3A_318 = arith.index_cast %get3A_317 : i32 to index
            %get3A_319 = arith.index_cast %add3A_316 : i32 to index
            %get3A_320 = arith.index_cast %mul3A_299 : i32 to index
            %get3A_321 = tpu.vector_load %arg7[%get3A_318, %get3A_319, %get3A_320] {strides = array<i32>} : memref<2x64x768xf32, #tpu.memory_space<vmem>>, vector<16xf32>,
            %mul3A_322 = arith.mulf %get3A_321, %gather3A_287 : vector<16xf32>
            %add3A_323 = arith.addf %add3A_314, %mul3A_322 : vector<16xf32>
            %add3A_324 = arith.constant 3 : i32
            %add3A_325 = arith.addi %mul3A_276, %add3A_324 : i32
            %get3A_326 = arith.constant 0 : i32
            %get3A_327 = arith.index_cast %get3A_326 : i32 to index
            %get3A_328 = arith.index_cast %add3A_325 : i32 to index
            %get3A_329 = arith.index_cast %mul3A_299 : i32 to index
            %get3A_330 = tpu.vector_load %arg7[%get3A_327, %get3A_328, %get3A_329] {strides = array<i32>} : memref<2x64x768xf32, #tpu.memory_space<vmem>>, vector<16xf32>,
            %mul3A_331 = arith.mulf %get3A_330, %gather3A_291 : vector<16xf32>
            %add3A_332 = arith.addf %add3A_323, %mul3A_331 : vector<16xf32>
            %swap3A_333 = arith.constant 0 : i32
            %swap3A_334 = arith.index_cast %swap3A_333 : i32 to index
            %swap3A_335 = arith.index_cast %scan3A_274 : i32 to index
            %swap3A_336 = arith.index_cast %mul3A_299 : i32 to index
            %swap3A_337 = tpu.vector_load %arg8[%swap3A_334, %swap3A_335, %swap3A_336] {strides = array<i32>} : memref<2x16x768xf32, #tpu.memory_space<vmem>>, vector<16xf32>,
            tpu.vector_store %arg8[%swap3A_334, %swap3A_335, %swap3A_336], %add3A_332 {strides = array<i32>} : memref<2x16x768xf32, #tpu.memory_space<vmem>>, vector<16xf32>,
          }
          %scan3A_296 = arith.constant 48 : i32
        }
        %scan3A_273 = arith.constant 16 : i32
      } else {
      }
      %dma_start3A_116 = arith.constant 0 : i32
      %dma_start3A_117 = arith.constant 0 : i32
      %dma_start3A_118 = arith.constant 0 : i32
      %dma_start3A_119 = tpu.memref_slice %arg8[%dma_start3A_116, %dma_start3A_117, %dma_start3A_118] : memref<2x16x768xf32, #tpu.memory_space<vmem>> -> memref<1x16x768xf32, #tpu.memory_space<vmem>>
      %dma_start3A_120 = tpu.memref_squeeze %dma_start3A_119 : memref<1x16x768xf32, #tpu.memory_space<vmem>> -> memref<16x768xf32, #tpu.memory_space<vmem>>
      %dma_start3A_121 = arith.constant 0 : i32
      %dma_start3A_122 = tpu.memref_slice %arg4[%add3A_78, %dma_start3A_121] : memref<8192x768xf32, #tpu.memory_space<hbm>> -> memref<16x768xf32, #tpu.memory_space<hbm>>
      %dma_start3A_123 = arith.constant 0 : i32
      %dma_start3A_124 = tpu.memref_slice %arg4[%add3A_78, %dma_start3A_123] : memref<8192x768xf32, #tpu.memory_space<hbm>> -> memref<16x768xf32, #tpu.memory_space<hbm>>
      %dma_start3A_125 = arith.constant 0 : i32
      %dma_start3A_126 = arith.constant 0 : i32
      %dma_start3A_127 = tpu.memref_slice %arg8[%dma_start3A_116, %dma_start3A_125, %dma_start3A_126] : memref<2x16x768xf32, #tpu.memory_space<vmem>> -> memref<1x16x768xf32, #tpu.memory_space<vmem>>
      %dma_start3A_128 = tpu.memref_squeeze %dma_start3A_127 : memref<1x16x768xf32, #tpu.memory_space<vmem>> -> memref<16x768xf32, #tpu.memory_space<vmem>>
      tpu.enqueue_dma source(%dma_start3A_128 : memref<16x768xf32, #tpu.memory_space<vmem>>) target(%dma_start3A_124 : memref<16x768xf32, #tpu.memory_space<hbm>>) target_semaphore(%arg11 : memref<!tpu.dma_semaphore, #tpu.memory_space<semaphore_mem>>)
      %add3A_129 = arith.constant 2 : i32
      %add3A_130 = arith.addi %mul3A_50, %add3A_129 : i32
      %lt3A = arith.constant 16 : i32
      %lt3A_131 = arith.cmpi slt, %add3A_130, %lt3A : i32
      %convert_element_type3A_132 = arith.extui %lt3A_131 : i1 to i32
      %cond3A_133 = arith.constant 0 : i32
      %cond3A_134 = arith.cmpi ne, %convert_element_type3A_132, %cond3A_133 : i32
      scf.if %cond3A_134 {
        %add3A_207 = arith.constant 2 : i32
        %add3A_208 = arith.addi %mul3A_50, %add3A_207 : i32
        %mul3A_209 = arith.constant 16 : i32
        %mul3A_210 = arith.muli %add3A_208, %mul3A_209 : i32
        %mul3A_211 = arith.constant 4 : i32
        %mul3A_212 = arith.muli %mul3A_210, %mul3A_211 : i32
        %dma_start3A_213 = arith.constant 0 : i32
        %dma_start3A_214 = arith.constant 0 : i32
        %dma_start3A_215 = arith.constant 0 : i32
        %dma_start3A_216 = tpu.memref_slice %arg7[%dma_start3A_213, %dma_start3A_214, %dma_start3A_215] : memref<2x64x768xf32, #tpu.memory_space<vmem>> -> memref<1x64x768xf32, #tpu.memory_space<vmem>>
        %dma_start3A_217 = tpu.memref_squeeze %dma_start3A_216 : memref<1x64x768xf32, #tpu.memory_space<vmem>> -> memref<64x768xf32, #tpu.memory_space<vmem>>
        %dma_start3A_218 = tpu.memref_slice %arg5[%mul3A_212] : memref<1024xi32, #tpu.memory_space<vmem>> -> memref<64xi32, #tpu.memory_space<vmem>>
        %dma_start3A_219 = arith.constant 0 : i32
        %dma_start3A_220 = arith.constant 0 : i32
        %dma_start3A_221 = tpu.memref_slice %arg3[%dma_start3A_219, %dma_start3A_220] : memref<100000x768xf32, #tpu.memory_space<hbm>> -> memref<100000x768xf32, #tpu.memory_space<hbm>>
        tpu.enqueue_indirect_dma source(%dma_start3A_221 : memref<100000x768xf32, #tpu.memory_space<hbm>>) target(%dma_start3A_217 : memref<64x768xf32, #tpu.memory_space<vmem>>) offsets(%dma_start3A_218 : memref<64xi32, #tpu.memory_space<vmem>>) semaphore(%arg9 : memref<!tpu.dma_semaphore, #tpu.memory_space<semaphore_mem>>)
      } else {
      }
      %dma_wait3A_135 = arith.constant 1 : i32
      %dma_wait3A_136 = arith.constant 0 : i32
      %dma_wait3A_137 = arith.constant 0 : i32
      %dma_wait3A_138 = tpu.memref_slice %arg7[%dma_wait3A_135, %dma_wait3A_136, %dma_wait3A_137] : memref<2x64x768xf32, #tpu.memory_space<vmem>> -> memref<1x64x768xf32, #tpu.memory_space<vmem>>
      %dma_wait3A_139 = tpu.memref_squeeze %dma_wait3A_138 : memref<1x64x768xf32, #tpu.memory_space<vmem>> -> memref<64x768xf32, #tpu.memory_space<vmem>>
      %dma_wait3A_140 = arith.constant 0 : i32
      %dma_wait3A_141 = tpu.memref_slice %arg5[%dma_wait3A_140] : memref<1024xi32, #tpu.memory_space<vmem>> -> memref<64xi32, #tpu.memory_space<vmem>>
      %dma_wait3A_142 = arith.constant 0 : i32
      %dma_wait3A_143 = arith.constant 0 : i32
      %dma_wait3A_144 = tpu.memref_slice %arg3[%dma_wait3A_142, %dma_wait3A_143] : memref<100000x768xf32, #tpu.memory_space<hbm>> -> memref<100000x768xf32, #tpu.memory_space<hbm>>
      tpu.wait_indirect_dma semaphore(%arg10 : memref<!tpu.dma_semaphore, #tpu.memory_space<semaphore_mem>>) src(%dma_wait3A_144 : memref<100000x768xf32, #tpu.memory_space<hbm>>) dst(%dma_wait3A_139 : memref<64x768xf32, #tpu.memory_space<vmem>>)
      %add3A_145 = arith.constant 1 : i32
      %add3A_146 = arith.addi %mul3A_50, %add3A_145 : i32
      %mul3A_147 = arith.constant 16 : i32
      %mul3A_148 = arith.muli %add3A_146, %mul3A_147 : i32
      %add3A_149 = arith.addi %mul3A_2, %mul3A_148 : i32
      %mul3A_150 = arith.constant 64 : i32
      %mul3A_151 = arith.muli %add3A_146, %mul3A_150 : i32
      %add3A_152 = arith.constant 0 : i32
      %add3A_153 = arith.addi %mul3A_151, %add3A_152 : i32
      %get3A_154 = arith.index_cast %add3A_153 : i32 to index
      %get3A_155 = tpu.vector_load %arg5[%get3A_154] {strides = array<i32>} : memref<1024xi32, #tpu.memory_space<vmem>>, vector<16xi32>,
      %add3A_156 = arith.constant 16 : i32
      %add3A_157 = arith.addi %mul3A_151, %add3A_156 : i32
      %get3A_158 = arith.index_cast %add3A_157 : i32 to index
      %get3A_159 = tpu.vector_load %arg5[%get3A_158] {strides = array<i32>} : memref<1024xi32, #tpu.memory_space<vmem>>, vector<16xi32>,
      %add3A_160 = arith.constant 32 : i32
      %add3A_161 = arith.addi %mul3A_151, %add3A_160 : i32
      %get3A_162 = arith.index_cast %add3A_161 : i32 to index
      %get3A_163 = tpu.vector_load %arg5[%get3A_162] {strides = array<i32>} : memref<1024xi32, #tpu.memory_space<vmem>>, vector<16xi32>,
      %add3A_164 = arith.constant 48 : i32
      %add3A_165 = arith.addi %mul3A_151, %add3A_164 : i32
      %get3A_166 = arith.index_cast %add3A_165 : i32 to index
      %get3A_167 = tpu.vector_load %arg5[%get3A_166] {strides = array<i32>} : memref<1024xi32, #tpu.memory_space<vmem>>, vector<16xi32>,
      %ge3A_168 = arith.constant 2 : i32
      %ge3A_169 = arith.cmpi sge, %add3A_146, %ge3A_168 : i32
      %convert_element_type3A_170 = arith.extui %ge3A_169 : i1 to i32
      %cond3A_171 = arith.constant 0 : i32
      %cond3A_172 = arith.cmpi ne, %convert_element_type3A_170, %cond3A_171 : i32
      scf.if %cond3A_172 {
        %sub3A = arith.constant 32 : i32
        %sub3A_207 = arith.subi %add3A_149, %sub3A : i32
        %dma_wait3A_208 = arith.constant 1 : i32
        %dma_wait3A_209 = arith.constant 0 : i32
        %dma_wait3A_210 = arith.constant 0 : i32
        %dma_wait3A_211 = tpu.memref_slice %arg8[%dma_wait3A_208, %dma_wait3A_209, %dma_wait3A_210] : memref<2x16x768xf32, #tpu.memory_space<vmem>> -> memref<1x16x768xf32, #tpu.memory_space<vmem>>
        %dma_wait3A_212 = tpu.memref_squeeze %dma_wait3A_211 : memref<1x16x768xf32, #tpu.memory_space<vmem>> -> memref<16x768xf32, #tpu.memory_space<vmem>>
        %dma_wait3A_213 = arith.constant 0 : i32
        %dma_wait3A_214 = tpu.memref_slice %arg4[%sub3A_207, %dma_wait3A_213] : memref<8192x768xf32, #tpu.memory_space<hbm>> -> memref<16x768xf32, #tpu.memory_space<hbm>>
        %dma_wait3A_215 = arith.constant 0 : i32
        %dma_wait3A_216 = tpu.memref_slice %arg4[%sub3A_207, %dma_wait3A_215] : memref<8192x768xf32, #tpu.memory_space<hbm>> -> memref<16x768xf32, #tpu.memory_space<hbm>>
        %dma_wait3A_217 = arith.constant 0 : i32
        %dma_wait3A_218 = arith.constant 0 : i32
        %dma_wait3A_219 = tpu.memref_slice %arg8[%dma_wait3A_208, %dma_wait3A_217, %dma_wait3A_218] : memref<2x16x768xf32, #tpu.memory_space<vmem>> -> memref<1x16x768xf32, #tpu.memory_space<vmem>>
        %dma_wait3A_220 = tpu.memref_squeeze %dma_wait3A_219 : memref<1x16x768xf32, #tpu.memory_space<vmem>> -> memref<16x768xf32, #tpu.memory_space<vmem>>
        tpu.wait_dma2 semaphore(%arg12 : memref<!tpu.dma_semaphore, #tpu.memory_space<semaphore_mem>>) src(%dma_wait3A_220 : memref<16x768xf32, #tpu.memory_space<vmem>>) dst(%dma_wait3A_216 : memref<16x768xf32, #tpu.memory_space<hbm>>)
      } else {
      }
      %min3A_173 = arith.minsi %get3A_155, %get3A_159 : vector<16xi32>
      %min3A_174 = arith.minsi %min3A_173, %get3A_163 : vector<16xi32>
      %min3A_175 = arith.minsi %min3A_174, %get3A_167 : vector<16xi32>
      %reduce_min3A_176 = arith.constant true
      %reduce_min3A_177 = vector.broadcast %reduce_min3A_176 : i1 to vector<16xi1>
      %reduce_min3A_178 = arith.constant -2147483648 : i32
      %reduce_min3A_179 = vector.broadcast %reduce_min3A_178 : i32 to vector<16xi32>
      %reduce_min3A_180 = arith.xori %min3A_175, %reduce_min3A_179 : vector<16xi32>
      %reduce_min3A_181 = tpu.scan <min>, %reduce_min3A_180 masked %reduce_min3A_177 : vector<16xi32>, vector<16xi1> -> vector<16xi32>
      %reduce_min3A_182 = arith.xori %reduce_min3A_181, %reduce_min3A_179 : vector<16xi32>
      %reduce_min3A_183 = vector.extract %reduce_min3A_182[15] : i32 from vector<16xi32>
      %ge3A_184 = arith.constant 1 : i32
      %ge3A_185 = arith.cmpi sge, %reduce_min3A_183, %ge3A_184 : i32
      %convert_element_type3A_186 = arith.extui %ge3A_185 : i1 to i32
      %cond3A_187 = arith.constant 0 : i32
      %cond3A_188 = arith.cmpi ne, %convert_element_type3A_186, %cond3A_187 : i32
      scf.if %cond3A_188 {
        %parallel_loop3A = arith.constant 0 : i32
        %parallel_loop3A_207 = arith.constant 768 : i32
        %parallel_loop3A_208 = arith.constant 16 : i32
        scf.for %parallel_loop3A_209 = %parallel_loop3A to %parallel_loop3A_207 step %parallel_loop3A_208  : i32 {
          %parallel_loop3A_210 = arith.constant 1 : i32
          %parallel_loop3A_211 = arith.constant 0 : i32
          %parallel_loop3A_212 = arith.index_cast %parallel_loop3A_210 : i32 to index
          %parallel_loop3A_213 = arith.index_cast %parallel_loop3A_211 : i32 to index
          %parallel_loop3A_214 = arith.index_cast %parallel_loop3A_209 : i32 to index
          %parallel_loop3A_215 = tpu.vector_load %arg7[%parallel_loop3A_212, %parallel_loop3A_213, %parallel_loop3A_214] {strides = array<i32>} : memref<2x64x768xf32, #tpu.memory_space<vmem>>, vector<16xf32>,
          %parallel_loop3A_216 = arith.constant 1 : i32
          %parallel_loop3A_217 = arith.constant 1 : i32
          %parallel_loop3A_218 = arith.index_cast %parallel_loop3A_216 : i32 to index
          %parallel_loop3A_219 = arith.index_cast %parallel_loop3A_217 : i32 to index
          %parallel_loop3A_220 = arith.index_cast %parallel_loop3A_209 : i32 to index
          %parallel_loop3A_221 = tpu.vector_load %arg7[%parallel_loop3A_218, %parallel_loop3A_219, %parallel_loop3A_220] {strides = array<i32>} : memref<2x64x768xf32, #tpu.memory_space<vmem>>, vector<16xf32>,
          %parallel_loop3A_222 = arith.addf %parallel_loop3A_215, %parallel_loop3A_221 : vector<16xf32>
          %parallel_loop3A_223 = arith.constant 1 : i32
          %parallel_loop3A_224 = arith.constant 2 : i32
          %parallel_loop3A_225 = arith.index_cast %parallel_loop3A_223 : i32 to index
          %parallel_loop3A_226 = arith.index_cast %parallel_loop3A_224 : i32 to index
          %parallel_loop3A_227 = arith.index_cast %parallel_loop3A_209 : i32 to index
          %parallel_loop3A_228 = tpu.vector_load %arg7[%parallel_loop3A_225, %parallel_loop3A_226, %parallel_loop3A_227] {strides = array<i32>} : memref<2x64x768xf32, #tpu.memory_space<vmem>>, vector<16xf32>,
          %parallel_loop3A_229 = arith.constant 1 : i32
          %parallel_loop3A_230 = arith.constant 3 : i32
          %parallel_loop3A_231 = arith.index_cast %parallel_loop3A_229 : i32 to index
          %parallel_loop3A_232 = arith.index_cast %parallel_loop3A_230 : i32 to index
          %parallel_loop3A_233 = arith.index_cast %parallel_loop3A_209 : i32 to index
          %parallel_loop3A_234 = tpu.vector_load %arg7[%parallel_loop3A_231, %parallel_loop3A_232, %parallel_loop3A_233] {strides = array<i32>} : memref<2x64x768xf32, #tpu.memory_space<vmem>>, vector<16xf32>,
          %parallel_loop3A_235 = arith.addf %parallel_loop3A_228, %parallel_loop3A_234 : vector<16xf32>
          %parallel_loop3A_236 = arith.addf %parallel_loop3A_222, %parallel_loop3A_235 : vector<16xf32>
          %parallel_loop3A_237 = arith.constant 2.500000e-01 : f32
          %parallel_loop3A_238 = vector.broadcast %parallel_loop3A_237 : f32 to vector<16xf32>
          %parallel_loop3A_239 = arith.mulf %parallel_loop3A_236, %parallel_loop3A_238 : vector<16xf32>
          %parallel_loop3A_240 = arith.constant 1 : i32
          %parallel_loop3A_241 = arith.constant 0 : i32
          %parallel_loop3A_242 = arith.index_cast %parallel_loop3A_240 : i32 to index
          %parallel_loop3A_243 = arith.index_cast %parallel_loop3A_241 : i32 to index
          %parallel_loop3A_244 = arith.index_cast %parallel_loop3A_209 : i32 to index
          %parallel_loop3A_245 = tpu.vector_load %arg8[%parallel_loop3A_242, %parallel_loop3A_243, %parallel_loop3A_244] {strides = array<i32>} : memref<2x16x768xf32, #tpu.memory_space<vmem>>, vector<16xf32>,
          tpu.vector_store %arg8[%parallel_loop3A_242, %parallel_loop3A_243, %parallel_loop3A_244], %parallel_loop3A_239 {strides = array<i32>} : memref<2x16x768xf32, #tpu.memory_space<vmem>>, vector<16xf32>,
          %parallel_loop3A_246 = arith.constant 1 : i32
          %parallel_loop3A_247 = arith.constant 4 : i32
          %parallel_loop3A_248 = arith.index_cast %parallel_loop3A_246 : i32 to index
          %parallel_loop3A_249 = arith.index_cast %parallel_loop3A_247 : i32 to index
          %parallel_loop3A_250 = arith.index_cast %parallel_loop3A_209 : i32 to index
          %parallel_loop3A_251 = tpu.vector_load %arg7[%parallel_loop3A_248, %parallel_loop3A_249, %parallel_loop3A_250] {strides = array<i32>} : memref<2x64x768xf32, #tpu.memory_space<vmem>>, vector<16xf32>,
          %parallel_loop3A_252 = arith.constant 1 : i32
          %parallel_loop3A_253 = arith.constant 5 : i32
          %parallel_loop3A_254 = arith.index_cast %parallel_loop3A_252 : i32 to index
          %parallel_loop3A_255 = arith.index_cast %parallel_loop3A_253 : i32 to index
          %parallel_loop3A_256 = arith.index_cast %parallel_loop3A_209 : i32 to index
          %parallel_loop3A_257 = tpu.vector_load %arg7[%parallel_loop3A_254, %parallel_loop3A_255, %parallel_loop3A_256] {strides = array<i32>} : memref<2x64x768xf32, #tpu.memory_space<vmem>>, vector<16xf32>,
          %parallel_loop3A_258 = arith.addf %parallel_loop3A_251, %parallel_loop3A_257 : vector<16xf32>
          %parallel_loop3A_259 = arith.constant 1 : i32
          %parallel_loop3A_260 = arith.constant 6 : i32
          %parallel_loop3A_261 = arith.index_cast %parallel_loop3A_259 : i32 to index
          %parallel_loop3A_262 = arith.index_cast %parallel_loop3A_260 : i32 to index
          %parallel_loop3A_263 = arith.index_cast %parallel_loop3A_209 : i32 to index
          %parallel_loop3A_264 = tpu.vector_load %arg7[%parallel_loop3A_261, %parallel_loop3A_262, %parallel_loop3A_263] {strides = array<i32>} : memref<2x64x768xf32, #tpu.memory_space<vmem>>, vector<16xf32>,
          %parallel_loop3A_265 = arith.constant 1 : i32
          %parallel_loop3A_266 = arith.constant 7 : i32
          %parallel_loop3A_267 = arith.index_cast %parallel_loop3A_265 : i32 to index
          %parallel_loop3A_268 = arith.index_cast %parallel_loop3A_266 : i32 to index
          %parallel_loop3A_269 = arith.index_cast %parallel_loop3A_209 : i32 to index
          %parallel_loop3A_270 = tpu.vector_load %arg7[%parallel_loop3A_267, %parallel_loop3A_268, %parallel_loop3A_269] {strides = array<i32>} : memref<2x64x768xf32, #tpu.memory_space<vmem>>, vector<16xf32>,
          %parallel_loop3A_271 = arith.addf %parallel_loop3A_264, %parallel_loop3A_270 : vector<16xf32>
          %parallel_loop3A_272 = arith.addf %parallel_loop3A_258, %parallel_loop3A_271 : vector<16xf32>
          %parallel_loop3A_273 = arith.constant 2.500000e-01 : f32
          %parallel_loop3A_274 = vector.broadcast %parallel_loop3A_273 : f32 to vector<16xf32>
          %parallel_loop3A_275 = arith.mulf %parallel_loop3A_272, %parallel_loop3A_274 : vector<16xf32>
          %parallel_loop3A_276 = arith.constant 1 : i32
          %parallel_loop3A_277 = arith.constant 1 : i32
          %parallel_loop3A_278 = arith.index_cast %parallel_loop3A_276 : i32 to index
          %parallel_loop3A_279 = arith.index_cast %parallel_loop3A_277 : i32 to index
          %parallel_loop3A_280 = arith.index_cast %parallel_loop3A_209 : i32 to index
          %parallel_loop3A_281 = tpu.vector_load %arg8[%parallel_loop3A_278, %parallel_loop3A_279, %parallel_loop3A_280] {strides = array<i32>} : memref<2x16x768xf32, #tpu.memory_space<vmem>>, vector<16xf32>,
          tpu.vector_store %arg8[%parallel_loop3A_278, %parallel_loop3A_279, %parallel_loop3A_280], %parallel_loop3A_275 {strides = array<i32>} : memref<2x16x768xf32, #tpu.memory_space<vmem>>, vector<16xf32>,
          %parallel_loop3A_282 = arith.constant 1 : i32
          %parallel_loop3A_283 = arith.constant 8 : i32
          %parallel_loop3A_284 = arith.index_cast %parallel_loop3A_282 : i32 to index
          %parallel_loop3A_285 = arith.index_cast %parallel_loop3A_283 : i32 to index
          %parallel_loop3A_286 = arith.index_cast %parallel_loop3A_209 : i32 to index
          %parallel_loop3A_287 = tpu.vector_load %arg7[%parallel_loop3A_284, %parallel_loop3A_285, %parallel_loop3A_286] {strides = array<i32>} : memref<2x64x768xf32, #tpu.memory_space<vmem>>, vector<16xf32>,
          %parallel_loop3A_288 = arith.constant 1 : i32
          %parallel_loop3A_289 = arith.constant 9 : i32
          %parallel_loop3A_290 = arith.index_cast %parallel_loop3A_288 : i32 to index
          %parallel_loop3A_291 = arith.index_cast %parallel_loop3A_289 : i32 to index
          %parallel_loop3A_292 = arith.index_cast %parallel_loop3A_209 : i32 to index
          %parallel_loop3A_293 = tpu.vector_load %arg7[%parallel_loop3A_290, %parallel_loop3A_291, %parallel_loop3A_292] {strides = array<i32>} : memref<2x64x768xf32, #tpu.memory_space<vmem>>, vector<16xf32>,
          %parallel_loop3A_294 = arith.addf %parallel_loop3A_287, %parallel_loop3A_293 : vector<16xf32>
          %parallel_loop3A_295 = arith.constant 1 : i32
          %parallel_loop3A_296 = arith.constant 10 : i32
          %parallel_loop3A_297 = arith.index_cast %parallel_loop3A_295 : i32 to index
          %parallel_loop3A_298 = arith.index_cast %parallel_loop3A_296 : i32 to index
          %parallel_loop3A_299 = arith.index_cast %parallel_loop3A_209 : i32 to index
          %parallel_loop3A_300 = tpu.vector_load %arg7[%parallel_loop3A_297, %parallel_loop3A_298, %parallel_loop3A_299] {strides = array<i32>} : memref<2x64x768xf32, #tpu.memory_space<vmem>>, vector<16xf32>,
          %parallel_loop3A_301 = arith.constant 1 : i32
          %parallel_loop3A_302 = arith.constant 11 : i32
          %parallel_loop3A_303 = arith.index_cast %parallel_loop3A_301 : i32 to index
          %parallel_loop3A_304 = arith.index_cast %parallel_loop3A_302 : i32 to index
          %parallel_loop3A_305 = arith.index_cast %parallel_loop3A_209 : i32 to index
          %parallel_loop3A_306 = tpu.vector_load %arg7[%parallel_loop3A_303, %parallel_loop3A_304, %parallel_loop3A_305] {strides = array<i32>} : memref<2x64x768xf32, #tpu.memory_space<vmem>>, vector<16xf32>,
          %parallel_loop3A_307 = arith.addf %parallel_loop3A_300, %parallel_loop3A_306 : vector<16xf32>
          %parallel_loop3A_308 = arith.addf %parallel_loop3A_294, %parallel_loop3A_307 : vector<16xf32>
          %parallel_loop3A_309 = arith.constant 2.500000e-01 : f32
          %parallel_loop3A_310 = vector.broadcast %parallel_loop3A_309 : f32 to vector<16xf32>
          %parallel_loop3A_311 = arith.mulf %parallel_loop3A_308, %parallel_loop3A_310 : vector<16xf32>
          %parallel_loop3A_312 = arith.constant 1 : i32
          %parallel_loop3A_313 = arith.constant 2 : i32
          %parallel_loop3A_314 = arith.index_cast %parallel_loop3A_312 : i32 to index
          %parallel_loop3A_315 = arith.index_cast %parallel_loop3A_313 : i32 to index
          %parallel_loop3A_316 = arith.index_cast %parallel_loop3A_209 : i32 to index
          %parallel_loop3A_317 = tpu.vector_load %arg8[%parallel_loop3A_314, %parallel_loop3A_315, %parallel_loop3A_316] {strides = array<i32>} : memref<2x16x768xf32, #tpu.memory_space<vmem>>, vector<16xf32>,
          tpu.vector_store %arg8[%parallel_loop3A_314, %parallel_loop3A_315, %parallel_loop3A_316], %parallel_loop3A_311 {strides = array<i32>} : memref<2x16x768xf32, #tpu.memory_space<vmem>>, vector<16xf32>,
          %parallel_loop3A_318 = arith.constant 1 : i32
          %parallel_loop3A_319 = arith.constant 12 : i32
          %parallel_loop3A_320 = arith.index_cast %parallel_loop3A_318 : i32 to index
          %parallel_loop3A_321 = arith.index_cast %parallel_loop3A_319 : i32 to index
          %parallel_loop3A_322 = arith.index_cast %parallel_loop3A_209 : i32 to index
          %parallel_loop3A_323 = tpu.vector_load %arg7[%parallel_loop3A_320, %parallel_loop3A_321, %parallel_loop3A_322] {strides = array<i32>} : memref<2x64x768xf32, #tpu.memory_space<vmem>>, vector<16xf32>,
          %parallel_loop3A_324 = arith.constant 1 : i32
          %parallel_loop3A_325 = arith.constant 13 : i32
          %parallel_loop3A_326 = arith.index_cast %parallel_loop3A_324 : i32 to index
          %parallel_loop3A_327 = arith.index_cast %parallel_loop3A_325 : i32 to index
          %parallel_loop3A_328 = arith.index_cast %parallel_loop3A_209 : i32 to index
          %parallel_loop3A_329 = tpu.vector_load %arg7[%parallel_loop3A_326, %parallel_loop3A_327, %parallel_loop3A_328] {strides = array<i32>} : memref<2x64x768xf32, #tpu.memory_space<vmem>>, vector<16xf32>,
          %parallel_loop3A_330 = arith.addf %parallel_loop3A_323, %parallel_loop3A_329 : vector<16xf32>
          %parallel_loop3A_331 = arith.constant 1 : i32
          %parallel_loop3A_332 = arith.constant 14 : i32
          %parallel_loop3A_333 = arith.index_cast %parallel_loop3A_331 : i32 to index
          %parallel_loop3A_334 = arith.index_cast %parallel_loop3A_332 : i32 to index
          %parallel_loop3A_335 = arith.index_cast %parallel_loop3A_209 : i32 to index
          %parallel_loop3A_336 = tpu.vector_load %arg7[%parallel_loop3A_333, %parallel_loop3A_334, %parallel_loop3A_335] {strides = array<i32>} : memref<2x64x768xf32, #tpu.memory_space<vmem>>, vector<16xf32>,
          %parallel_loop3A_337 = arith.constant 1 : i32
          %parallel_loop3A_338 = arith.constant 15 : i32
          %parallel_loop3A_339 = arith.index_cast %parallel_loop3A_337 : i32 to index
          %parallel_loop3A_340 = arith.index_cast %parallel_loop3A_338 : i32 to index
          %parallel_loop3A_341 = arith.index_cast %parallel_loop3A_209 : i32 to index
          %parallel_loop3A_342 = tpu.vector_load %arg7[%parallel_loop3A_339, %parallel_loop3A_340, %parallel_loop3A_341] {strides = array<i32>} : memref<2x64x768xf32, #tpu.memory_space<vmem>>, vector<16xf32>,
          %parallel_loop3A_343 = arith.addf %parallel_loop3A_336, %parallel_loop3A_342 : vector<16xf32>
          %parallel_loop3A_344 = arith.addf %parallel_loop3A_330, %parallel_loop3A_343 : vector<16xf32>
          %parallel_loop3A_345 = arith.constant 2.500000e-01 : f32
          %parallel_loop3A_346 = vector.broadcast %parallel_loop3A_345 : f32 to vector<16xf32>
          %parallel_loop3A_347 = arith.mulf %parallel_loop3A_344, %parallel_loop3A_346 : vector<16xf32>
          %parallel_loop3A_348 = arith.constant 1 : i32
          %parallel_loop3A_349 = arith.constant 3 : i32
          %parallel_loop3A_350 = arith.index_cast %parallel_loop3A_348 : i32 to index
          %parallel_loop3A_351 = arith.index_cast %parallel_loop3A_349 : i32 to index
          %parallel_loop3A_352 = arith.index_cast %parallel_loop3A_209 : i32 to index
          %parallel_loop3A_353 = tpu.vector_load %arg8[%parallel_loop3A_350, %parallel_loop3A_351, %parallel_loop3A_352] {strides = array<i32>} : memref<2x16x768xf32, #tpu.memory_space<vmem>>, vector<16xf32>,
          tpu.vector_store %arg8[%parallel_loop3A_350, %parallel_loop3A_351, %parallel_loop3A_352], %parallel_loop3A_347 {strides = array<i32>} : memref<2x16x768xf32, #tpu.memory_space<vmem>>, vector<16xf32>,
          %parallel_loop3A_354 = arith.constant 1 : i32
          %parallel_loop3A_355 = arith.constant 16 : i32
          %parallel_loop3A_356 = arith.index_cast %parallel_loop3A_354 : i32 to index
          %parallel_loop3A_357 = arith.index_cast %parallel_loop3A_355 : i32 to index
          %parallel_loop3A_358 = arith.index_cast %parallel_loop3A_209 : i32 to index
          %parallel_loop3A_359 = tpu.vector_load %arg7[%parallel_loop3A_356, %parallel_loop3A_357, %parallel_loop3A_358] {strides = array<i32>} : memref<2x64x768xf32, #tpu.memory_space<vmem>>, vector<16xf32>,
          %parallel_loop3A_360 = arith.constant 1 : i32
          %parallel_loop3A_361 = arith.constant 17 : i32
          %parallel_loop3A_362 = arith.index_cast %parallel_loop3A_360 : i32 to index
          %parallel_loop3A_363 = arith.index_cast %parallel_loop3A_361 : i32 to index
          %parallel_loop3A_364 = arith.index_cast %parallel_loop3A_209 : i32 to index
          %parallel_loop3A_365 = tpu.vector_load %arg7[%parallel_loop3A_362, %parallel_loop3A_363, %parallel_loop3A_364] {strides = array<i32>} : memref<2x64x768xf32, #tpu.memory_space<vmem>>, vector<16xf32>,
          %parallel_loop3A_366 = arith.addf %parallel_loop3A_359, %parallel_loop3A_365 : vector<16xf32>
          %parallel_loop3A_367 = arith.constant 1 : i32
          %parallel_loop3A_368 = arith.constant 18 : i32
          %parallel_loop3A_369 = arith.index_cast %parallel_loop3A_367 : i32 to index
          %parallel_loop3A_370 = arith.index_cast %parallel_loop3A_368 : i32 to index
          %parallel_loop3A_371 = arith.index_cast %parallel_loop3A_209 : i32 to index
          %parallel_loop3A_372 = tpu.vector_load %arg7[%parallel_loop3A_369, %parallel_loop3A_370, %parallel_loop3A_371] {strides = array<i32>} : memref<2x64x768xf32, #tpu.memory_space<vmem>>, vector<16xf32>,
          %parallel_loop3A_373 = arith.constant 1 : i32
          %parallel_loop3A_374 = arith.constant 19 : i32
          %parallel_loop3A_375 = arith.index_cast %parallel_loop3A_373 : i32 to index
          %parallel_loop3A_376 = arith.index_cast %parallel_loop3A_374 : i32 to index
          %parallel_loop3A_377 = arith.index_cast %parallel_loop3A_209 : i32 to index
          %parallel_loop3A_378 = tpu.vector_load %arg7[%parallel_loop3A_375, %parallel_loop3A_376, %parallel_loop3A_377] {strides = array<i32>} : memref<2x64x768xf32, #tpu.memory_space<vmem>>, vector<16xf32>,
          %parallel_loop3A_379 = arith.addf %parallel_loop3A_372, %parallel_loop3A_378 : vector<16xf32>
          %parallel_loop3A_380 = arith.addf %parallel_loop3A_366, %parallel_loop3A_379 : vector<16xf32>
          %parallel_loop3A_381 = arith.constant 2.500000e-01 : f32
          %parallel_loop3A_382 = vector.broadcast %parallel_loop3A_381 : f32 to vector<16xf32>
          %parallel_loop3A_383 = arith.mulf %parallel_loop3A_380, %parallel_loop3A_382 : vector<16xf32>
          %parallel_loop3A_384 = arith.constant 1 : i32
          %parallel_loop3A_385 = arith.constant 4 : i32
          %parallel_loop3A_386 = arith.index_cast %parallel_loop3A_384 : i32 to index
          %parallel_loop3A_387 = arith.index_cast %parallel_loop3A_385 : i32 to index
          %parallel_loop3A_388 = arith.index_cast %parallel_loop3A_209 : i32 to index
          %parallel_loop3A_389 = tpu.vector_load %arg8[%parallel_loop3A_386, %parallel_loop3A_387, %parallel_loop3A_388] {strides = array<i32>} : memref<2x16x768xf32, #tpu.memory_space<vmem>>, vector<16xf32>,
          tpu.vector_store %arg8[%parallel_loop3A_386, %parallel_loop3A_387, %parallel_loop3A_388], %parallel_loop3A_383 {strides = array<i32>} : memref<2x16x768xf32, #tpu.memory_space<vmem>>, vector<16xf32>,
          %parallel_loop3A_390 = arith.constant 1 : i32
          %parallel_loop3A_391 = arith.constant 20 : i32
          %parallel_loop3A_392 = arith.index_cast %parallel_loop3A_390 : i32 to index
          %parallel_loop3A_393 = arith.index_cast %parallel_loop3A_391 : i32 to index
          %parallel_loop3A_394 = arith.index_cast %parallel_loop3A_209 : i32 to index
          %parallel_loop3A_395 = tpu.vector_load %arg7[%parallel_loop3A_392, %parallel_loop3A_393, %parallel_loop3A_394] {strides = array<i32>} : memref<2x64x768xf32, #tpu.memory_space<vmem>>, vector<16xf32>,
          %parallel_loop3A_396 = arith.constant 1 : i32
          %parallel_loop3A_397 = arith.constant 21 : i32
          %parallel_loop3A_398 = arith.index_cast %parallel_loop3A_396 : i32 to index
          %parallel_loop3A_399 = arith.index_cast %parallel_loop3A_397 : i32 to index
          %parallel_loop3A_400 = arith.index_cast %parallel_loop3A_209 : i32 to index
          %parallel_loop3A_401 = tpu.vector_load %arg7[%parallel_loop3A_398, %parallel_loop3A_399, %parallel_loop3A_400] {strides = array<i32>} : memref<2x64x768xf32, #tpu.memory_space<vmem>>, vector<16xf32>,
          %parallel_loop3A_402 = arith.addf %parallel_loop3A_395, %parallel_loop3A_401 : vector<16xf32>
          %parallel_loop3A_403 = arith.constant 1 : i32
          %parallel_loop3A_404 = arith.constant 22 : i32
          %parallel_loop3A_405 = arith.index_cast %parallel_loop3A_403 : i32 to index
          %parallel_loop3A_406 = arith.index_cast %parallel_loop3A_404 : i32 to index
          %parallel_loop3A_407 = arith.index_cast %parallel_loop3A_209 : i32 to index
          %parallel_loop3A_408 = tpu.vector_load %arg7[%parallel_loop3A_405, %parallel_loop3A_406, %parallel_loop3A_407] {strides = array<i32>} : memref<2x64x768xf32, #tpu.memory_space<vmem>>, vector<16xf32>,
          %parallel_loop3A_409 = arith.constant 1 : i32
          %parallel_loop3A_410 = arith.constant 23 : i32
          %parallel_loop3A_411 = arith.index_cast %parallel_loop3A_409 : i32 to index
          %parallel_loop3A_412 = arith.index_cast %parallel_loop3A_410 : i32 to index
          %parallel_loop3A_413 = arith.index_cast %parallel_loop3A_209 : i32 to index
          %parallel_loop3A_414 = tpu.vector_load %arg7[%parallel_loop3A_411, %parallel_loop3A_412, %parallel_loop3A_413] {strides = array<i32>} : memref<2x64x768xf32, #tpu.memory_space<vmem>>, vector<16xf32>,
          %parallel_loop3A_415 = arith.addf %parallel_loop3A_408, %parallel_loop3A_414 : vector<16xf32>
          %parallel_loop3A_416 = arith.addf %parallel_loop3A_402, %parallel_loop3A_415 : vector<16xf32>
          %parallel_loop3A_417 = arith.constant 2.500000e-01 : f32
          %parallel_loop3A_418 = vector.broadcast %parallel_loop3A_417 : f32 to vector<16xf32>
          %parallel_loop3A_419 = arith.mulf %parallel_loop3A_416, %parallel_loop3A_418 : vector<16xf32>
          %parallel_loop3A_420 = arith.constant 1 : i32
          %parallel_loop3A_421 = arith.constant 5 : i32
          %parallel_loop3A_422 = arith.index_cast %parallel_loop3A_420 : i32 to index
          %parallel_loop3A_423 = arith.index_cast %parallel_loop3A_421 : i32 to index
          %parallel_loop3A_424 = arith.index_cast %parallel_loop3A_209 : i32 to index
          %parallel_loop3A_425 = tpu.vector_load %arg8[%parallel_loop3A_422, %parallel_loop3A_423, %parallel_loop3A_424] {strides = array<i32>} : memref<2x16x768xf32, #tpu.memory_space<vmem>>, vector<16xf32>,
          tpu.vector_store %arg8[%parallel_loop3A_422, %parallel_loop3A_423, %parallel_loop3A_424], %parallel_loop3A_419 {strides = array<i32>} : memref<2x16x768xf32, #tpu.memory_space<vmem>>, vector<16xf32>,
          %parallel_loop3A_426 = arith.constant 1 : i32
          %parallel_loop3A_427 = arith.constant 24 : i32
          %parallel_loop3A_428 = arith.index_cast %parallel_loop3A_426 : i32 to index
          %parallel_loop3A_429 = arith.index_cast %parallel_loop3A_427 : i32 to index
          %parallel_loop3A_430 = arith.index_cast %parallel_loop3A_209 : i32 to index
          %parallel_loop3A_431 = tpu.vector_load %arg7[%parallel_loop3A_428, %parallel_loop3A_429, %parallel_loop3A_430] {strides = array<i32>} : memref<2x64x768xf32, #tpu.memory_space<vmem>>, vector<16xf32>,
          %parallel_loop3A_432 = arith.constant 1 : i32
          %parallel_loop3A_433 = arith.constant 25 : i32
          %parallel_loop3A_434 = arith.index_cast %parallel_loop3A_432 : i32 to index
          %parallel_loop3A_435 = arith.index_cast %parallel_loop3A_433 : i32 to index
          %parallel_loop3A_436 = arith.index_cast %parallel_loop3A_209 : i32 to index
          %parallel_loop3A_437 = tpu.vector_load %arg7[%parallel_loop3A_434, %parallel_loop3A_435, %parallel_loop3A_436] {strides = array<i32>} : memref<2x64x768xf32, #tpu.memory_space<vmem>>, vector<16xf32>,
          %parallel_loop3A_438 = arith.addf %parallel_loop3A_431, %parallel_loop3A_437 : vector<16xf32>
          %parallel_loop3A_439 = arith.constant 1 : i32
          %parallel_loop3A_440 = arith.constant 26 : i32
          %parallel_loop3A_441 = arith.index_cast %parallel_loop3A_439 : i32 to index
          %parallel_loop3A_442 = arith.index_cast %parallel_loop3A_440 : i32 to index
          %parallel_loop3A_443 = arith.index_cast %parallel_loop3A_209 : i32 to index
          %parallel_loop3A_444 = tpu.vector_load %arg7[%parallel_loop3A_441, %parallel_loop3A_442, %parallel_loop3A_443] {strides = array<i32>} : memref<2x64x768xf32, #tpu.memory_space<vmem>>, vector<16xf32>,
          %parallel_loop3A_445 = arith.constant 1 : i32
          %parallel_loop3A_446 = arith.constant 27 : i32
          %parallel_loop3A_447 = arith.index_cast %parallel_loop3A_445 : i32 to index
          %parallel_loop3A_448 = arith.index_cast %parallel_loop3A_446 : i32 to index
          %parallel_loop3A_449 = arith.index_cast %parallel_loop3A_209 : i32 to index
          %parallel_loop3A_450 = tpu.vector_load %arg7[%parallel_loop3A_447, %parallel_loop3A_448, %parallel_loop3A_449] {strides = array<i32>} : memref<2x64x768xf32, #tpu.memory_space<vmem>>, vector<16xf32>,
          %parallel_loop3A_451 = arith.addf %parallel_loop3A_444, %parallel_loop3A_450 : vector<16xf32>
          %parallel_loop3A_452 = arith.addf %parallel_loop3A_438, %parallel_loop3A_451 : vector<16xf32>
          %parallel_loop3A_453 = arith.constant 2.500000e-01 : f32
          %parallel_loop3A_454 = vector.broadcast %parallel_loop3A_453 : f32 to vector<16xf32>
          %parallel_loop3A_455 = arith.mulf %parallel_loop3A_452, %parallel_loop3A_454 : vector<16xf32>
          %parallel_loop3A_456 = arith.constant 1 : i32
          %parallel_loop3A_457 = arith.constant 6 : i32
          %parallel_loop3A_458 = arith.index_cast %parallel_loop3A_456 : i32 to index
          %parallel_loop3A_459 = arith.index_cast %parallel_loop3A_457 : i32 to index
          %parallel_loop3A_460 = arith.index_cast %parallel_loop3A_209 : i32 to index
          %parallel_loop3A_461 = tpu.vector_load %arg8[%parallel_loop3A_458, %parallel_loop3A_459, %parallel_loop3A_460] {strides = array<i32>} : memref<2x16x768xf32, #tpu.memory_space<vmem>>, vector<16xf32>,
          tpu.vector_store %arg8[%parallel_loop3A_458, %parallel_loop3A_459, %parallel_loop3A_460], %parallel_loop3A_455 {strides = array<i32>} : memref<2x16x768xf32, #tpu.memory_space<vmem>>, vector<16xf32>,
          %parallel_loop3A_462 = arith.constant 1 : i32
          %parallel_loop3A_463 = arith.constant 28 : i32
          %parallel_loop3A_464 = arith.index_cast %parallel_loop3A_462 : i32 to index
          %parallel_loop3A_465 = arith.index_cast %parallel_loop3A_463 : i32 to index
          %parallel_loop3A_466 = arith.index_cast %parallel_loop3A_209 : i32 to index
          %parallel_loop3A_467 = tpu.vector_load %arg7[%parallel_loop3A_464, %parallel_loop3A_465, %parallel_loop3A_466] {strides = array<i32>} : memref<2x64x768xf32, #tpu.memory_space<vmem>>, vector<16xf32>,
          %parallel_loop3A_468 = arith.constant 1 : i32
          %parallel_loop3A_469 = arith.constant 29 : i32
          %parallel_loop3A_470 = arith.index_cast %parallel_loop3A_468 : i32 to index
          %parallel_loop3A_471 = arith.index_cast %parallel_loop3A_469 : i32 to index
          %parallel_loop3A_472 = arith.index_cast %parallel_loop3A_209 : i32 to index
          %parallel_loop3A_473 = tpu.vector_load %arg7[%parallel_loop3A_470, %parallel_loop3A_471, %parallel_loop3A_472] {strides = array<i32>} : memref<2x64x768xf32, #tpu.memory_space<vmem>>, vector<16xf32>,
          %parallel_loop3A_474 = arith.addf %parallel_loop3A_467, %parallel_loop3A_473 : vector<16xf32>
          %parallel_loop3A_475 = arith.constant 1 : i32
          %parallel_loop3A_476 = arith.constant 30 : i32
          %parallel_loop3A_477 = arith.index_cast %parallel_loop3A_475 : i32 to index
          %parallel_loop3A_478 = arith.index_cast %parallel_loop3A_476 : i32 to index
          %parallel_loop3A_479 = arith.index_cast %parallel_loop3A_209 : i32 to index
          %parallel_loop3A_480 = tpu.vector_load %arg7[%parallel_loop3A_477, %parallel_loop3A_478, %parallel_loop3A_479] {strides = array<i32>} : memref<2x64x768xf32, #tpu.memory_space<vmem>>, vector<16xf32>,
          %parallel_loop3A_481 = arith.constant 1 : i32
          %parallel_loop3A_482 = arith.constant 31 : i32
          %parallel_loop3A_483 = arith.index_cast %parallel_loop3A_481 : i32 to index
          %parallel_loop3A_484 = arith.index_cast %parallel_loop3A_482 : i32 to index
          %parallel_loop3A_485 = arith.index_cast %parallel_loop3A_209 : i32 to index
          %parallel_loop3A_486 = tpu.vector_load %arg7[%parallel_loop3A_483, %parallel_loop3A_484, %parallel_loop3A_485] {strides = array<i32>} : memref<2x64x768xf32, #tpu.memory_space<vmem>>, vector<16xf32>,
          %parallel_loop3A_487 = arith.addf %parallel_loop3A_480, %parallel_loop3A_486 : vector<16xf32>
          %parallel_loop3A_488 = arith.addf %parallel_loop3A_474, %parallel_loop3A_487 : vector<16xf32>
          %parallel_loop3A_489 = arith.constant 2.500000e-01 : f32
          %parallel_loop3A_490 = vector.broadcast %parallel_loop3A_489 : f32 to vector<16xf32>
          %parallel_loop3A_491 = arith.mulf %parallel_loop3A_488, %parallel_loop3A_490 : vector<16xf32>
          %parallel_loop3A_492 = arith.constant 1 : i32
          %parallel_loop3A_493 = arith.constant 7 : i32
          %parallel_loop3A_494 = arith.index_cast %parallel_loop3A_492 : i32 to index
          %parallel_loop3A_495 = arith.index_cast %parallel_loop3A_493 : i32 to index
          %parallel_loop3A_496 = arith.index_cast %parallel_loop3A_209 : i32 to index
          %parallel_loop3A_497 = tpu.vector_load %arg8[%parallel_loop3A_494, %parallel_loop3A_495, %parallel_loop3A_496] {strides = array<i32>} : memref<2x16x768xf32, #tpu.memory_space<vmem>>, vector<16xf32>,
          tpu.vector_store %arg8[%parallel_loop3A_494, %parallel_loop3A_495, %parallel_loop3A_496], %parallel_loop3A_491 {strides = array<i32>} : memref<2x16x768xf32, #tpu.memory_space<vmem>>, vector<16xf32>,
          %parallel_loop3A_498 = arith.constant 1 : i32
          %parallel_loop3A_499 = arith.constant 32 : i32
          %parallel_loop3A_500 = arith.index_cast %parallel_loop3A_498 : i32 to index
          %parallel_loop3A_501 = arith.index_cast %parallel_loop3A_499 : i32 to index
          %parallel_loop3A_502 = arith.index_cast %parallel_loop3A_209 : i32 to index
          %parallel_loop3A_503 = tpu.vector_load %arg7[%parallel_loop3A_500, %parallel_loop3A_501, %parallel_loop3A_502] {strides = array<i32>} : memref<2x64x768xf32, #tpu.memory_space<vmem>>, vector<16xf32>,
          %parallel_loop3A_504 = arith.constant 1 : i32
          %parallel_loop3A_505 = arith.constant 33 : i32
          %parallel_loop3A_506 = arith.index_cast %parallel_loop3A_504 : i32 to index
          %parallel_loop3A_507 = arith.index_cast %parallel_loop3A_505 : i32 to index
          %parallel_loop3A_508 = arith.index_cast %parallel_loop3A_209 : i32 to index
          %parallel_loop3A_509 = tpu.vector_load %arg7[%parallel_loop3A_506, %parallel_loop3A_507, %parallel_loop3A_508] {strides = array<i32>} : memref<2x64x768xf32, #tpu.memory_space<vmem>>, vector<16xf32>,
          %parallel_loop3A_510 = arith.addf %parallel_loop3A_503, %parallel_loop3A_509 : vector<16xf32>
          %parallel_loop3A_511 = arith.constant 1 : i32
          %parallel_loop3A_512 = arith.constant 34 : i32
          %parallel_loop3A_513 = arith.index_cast %parallel_loop3A_511 : i32 to index
          %parallel_loop3A_514 = arith.index_cast %parallel_loop3A_512 : i32 to index
          %parallel_loop3A_515 = arith.index_cast %parallel_loop3A_209 : i32 to index
          %parallel_loop3A_516 = tpu.vector_load %arg7[%parallel_loop3A_513, %parallel_loop3A_514, %parallel_loop3A_515] {strides = array<i32>} : memref<2x64x768xf32, #tpu.memory_space<vmem>>, vector<16xf32>,
          %parallel_loop3A_517 = arith.constant 1 : i32
          %parallel_loop3A_518 = arith.constant 35 : i32
          %parallel_loop3A_519 = arith.index_cast %parallel_loop3A_517 : i32 to index
          %parallel_loop3A_520 = arith.index_cast %parallel_loop3A_518 : i32 to index
          %parallel_loop3A_521 = arith.index_cast %parallel_loop3A_209 : i32 to index
          %parallel_loop3A_522 = tpu.vector_load %arg7[%parallel_loop3A_519, %parallel_loop3A_520, %parallel_loop3A_521] {strides = array<i32>} : memref<2x64x768xf32, #tpu.memory_space<vmem>>, vector<16xf32>,
          %parallel_loop3A_523 = arith.addf %parallel_loop3A_516, %parallel_loop3A_522 : vector<16xf32>
          %parallel_loop3A_524 = arith.addf %parallel_loop3A_510, %parallel_loop3A_523 : vector<16xf32>
          %parallel_loop3A_525 = arith.constant 2.500000e-01 : f32
          %parallel_loop3A_526 = vector.broadcast %parallel_loop3A_525 : f32 to vector<16xf32>
          %parallel_loop3A_527 = arith.mulf %parallel_loop3A_524, %parallel_loop3A_526 : vector<16xf32>
          %parallel_loop3A_528 = arith.constant 1 : i32
          %parallel_loop3A_529 = arith.constant 8 : i32
          %parallel_loop3A_530 = arith.index_cast %parallel_loop3A_528 : i32 to index
          %parallel_loop3A_531 = arith.index_cast %parallel_loop3A_529 : i32 to index
          %parallel_loop3A_532 = arith.index_cast %parallel_loop3A_209 : i32 to index
          %parallel_loop3A_533 = tpu.vector_load %arg8[%parallel_loop3A_530, %parallel_loop3A_531, %parallel_loop3A_532] {strides = array<i32>} : memref<2x16x768xf32, #tpu.memory_space<vmem>>, vector<16xf32>,
          tpu.vector_store %arg8[%parallel_loop3A_530, %parallel_loop3A_531, %parallel_loop3A_532], %parallel_loop3A_527 {strides = array<i32>} : memref<2x16x768xf32, #tpu.memory_space<vmem>>, vector<16xf32>,
          %parallel_loop3A_534 = arith.constant 1 : i32
          %parallel_loop3A_535 = arith.constant 36 : i32
          %parallel_loop3A_536 = arith.index_cast %parallel_loop3A_534 : i32 to index
          %parallel_loop3A_537 = arith.index_cast %parallel_loop3A_535 : i32 to index
          %parallel_loop3A_538 = arith.index_cast %parallel_loop3A_209 : i32 to index
          %parallel_loop3A_539 = tpu.vector_load %arg7[%parallel_loop3A_536, %parallel_loop3A_537, %parallel_loop3A_538] {strides = array<i32>} : memref<2x64x768xf32, #tpu.memory_space<vmem>>, vector<16xf32>,
          %parallel_loop3A_540 = arith.constant 1 : i32
          %parallel_loop3A_541 = arith.constant 37 : i32
          %parallel_loop3A_542 = arith.index_cast %parallel_loop3A_540 : i32 to index
          %parallel_loop3A_543 = arith.index_cast %parallel_loop3A_541 : i32 to index
          %parallel_loop3A_544 = arith.index_cast %parallel_loop3A_209 : i32 to index
          %parallel_loop3A_545 = tpu.vector_load %arg7[%parallel_loop3A_542, %parallel_loop3A_543, %parallel_loop3A_544] {strides = array<i32>} : memref<2x64x768xf32, #tpu.memory_space<vmem>>, vector<16xf32>,
          %parallel_loop3A_546 = arith.addf %parallel_loop3A_539, %parallel_loop3A_545 : vector<16xf32>
          %parallel_loop3A_547 = arith.constant 1 : i32
          %parallel_loop3A_548 = arith.constant 38 : i32
          %parallel_loop3A_549 = arith.index_cast %parallel_loop3A_547 : i32 to index
          %parallel_loop3A_550 = arith.index_cast %parallel_loop3A_548 : i32 to index
          %parallel_loop3A_551 = arith.index_cast %parallel_loop3A_209 : i32 to index
          %parallel_loop3A_552 = tpu.vector_load %arg7[%parallel_loop3A_549, %parallel_loop3A_550, %parallel_loop3A_551] {strides = array<i32>} : memref<2x64x768xf32, #tpu.memory_space<vmem>>, vector<16xf32>,
          %parallel_loop3A_553 = arith.constant 1 : i32
          %parallel_loop3A_554 = arith.constant 39 : i32
          %parallel_loop3A_555 = arith.index_cast %parallel_loop3A_553 : i32 to index
          %parallel_loop3A_556 = arith.index_cast %parallel_loop3A_554 : i32 to index
          %parallel_loop3A_557 = arith.index_cast %parallel_loop3A_209 : i32 to index
          %parallel_loop3A_558 = tpu.vector_load %arg7[%parallel_loop3A_555, %parallel_loop3A_556, %parallel_loop3A_557] {strides = array<i32>} : memref<2x64x768xf32, #tpu.memory_space<vmem>>, vector<16xf32>,
          %parallel_loop3A_559 = arith.addf %parallel_loop3A_552, %parallel_loop3A_558 : vector<16xf32>
          %parallel_loop3A_560 = arith.addf %parallel_loop3A_546, %parallel_loop3A_559 : vector<16xf32>
          %parallel_loop3A_561 = arith.constant 2.500000e-01 : f32
          %parallel_loop3A_562 = vector.broadcast %parallel_loop3A_561 : f32 to vector<16xf32>
          %parallel_loop3A_563 = arith.mulf %parallel_loop3A_560, %parallel_loop3A_562 : vector<16xf32>
          %parallel_loop3A_564 = arith.constant 1 : i32
          %parallel_loop3A_565 = arith.constant 9 : i32
          %parallel_loop3A_566 = arith.index_cast %parallel_loop3A_564 : i32 to index
          %parallel_loop3A_567 = arith.index_cast %parallel_loop3A_565 : i32 to index
          %parallel_loop3A_568 = arith.index_cast %parallel_loop3A_209 : i32 to index
          %parallel_loop3A_569 = tpu.vector_load %arg8[%parallel_loop3A_566, %parallel_loop3A_567, %parallel_loop3A_568] {strides = array<i32>} : memref<2x16x768xf32, #tpu.memory_space<vmem>>, vector<16xf32>,
          tpu.vector_store %arg8[%parallel_loop3A_566, %parallel_loop3A_567, %parallel_loop3A_568], %parallel_loop3A_563 {strides = array<i32>} : memref<2x16x768xf32, #tpu.memory_space<vmem>>, vector<16xf32>,
          %parallel_loop3A_570 = arith.constant 1 : i32
          %parallel_loop3A_571 = arith.constant 40 : i32
          %parallel_loop3A_572 = arith.index_cast %parallel_loop3A_570 : i32 to index
          %parallel_loop3A_573 = arith.index_cast %parallel_loop3A_571 : i32 to index
          %parallel_loop3A_574 = arith.index_cast %parallel_loop3A_209 : i32 to index
          %parallel_loop3A_575 = tpu.vector_load %arg7[%parallel_loop3A_572, %parallel_loop3A_573, %parallel_loop3A_574] {strides = array<i32>} : memref<2x64x768xf32, #tpu.memory_space<vmem>>, vector<16xf32>,
          %parallel_loop3A_576 = arith.constant 1 : i32
          %parallel_loop3A_577 = arith.constant 41 : i32
          %parallel_loop3A_578 = arith.index_cast %parallel_loop3A_576 : i32 to index
          %parallel_loop3A_579 = arith.index_cast %parallel_loop3A_577 : i32 to index
          %parallel_loop3A_580 = arith.index_cast %parallel_loop3A_209 : i32 to index
          %parallel_loop3A_581 = tpu.vector_load %arg7[%parallel_loop3A_578, %parallel_loop3A_579, %parallel_loop3A_580] {strides = array<i32>} : memref<2x64x768xf32, #tpu.memory_space<vmem>>, vector<16xf32>,
          %parallel_loop3A_582 = arith.addf %parallel_loop3A_575, %parallel_loop3A_581 : vector<16xf32>
          %parallel_loop3A_583 = arith.constant 1 : i32
          %parallel_loop3A_584 = arith.constant 42 : i32
          %parallel_loop3A_585 = arith.index_cast %parallel_loop3A_583 : i32 to index
          %parallel_loop3A_586 = arith.index_cast %parallel_loop3A_584 : i32 to index
          %parallel_loop3A_587 = arith.index_cast %parallel_loop3A_209 : i32 to index
          %parallel_loop3A_588 = tpu.vector_load %arg7[%parallel_loop3A_585, %parallel_loop3A_586, %parallel_loop3A_587] {strides = array<i32>} : memref<2x64x768xf32, #tpu.memory_space<vmem>>, vector<16xf32>,
          %parallel_loop3A_589 = arith.constant 1 : i32
          %parallel_loop3A_590 = arith.constant 43 : i32
          %parallel_loop3A_591 = arith.index_cast %parallel_loop3A_589 : i32 to index
          %parallel_loop3A_592 = arith.index_cast %parallel_loop3A_590 : i32 to index
          %parallel_loop3A_593 = arith.index_cast %parallel_loop3A_209 : i32 to index
          %parallel_loop3A_594 = tpu.vector_load %arg7[%parallel_loop3A_591, %parallel_loop3A_592, %parallel_loop3A_593] {strides = array<i32>} : memref<2x64x768xf32, #tpu.memory_space<vmem>>, vector<16xf32>,
          %parallel_loop3A_595 = arith.addf %parallel_loop3A_588, %parallel_loop3A_594 : vector<16xf32>
          %parallel_loop3A_596 = arith.addf %parallel_loop3A_582, %parallel_loop3A_595 : vector<16xf32>
          %parallel_loop3A_597 = arith.constant 2.500000e-01 : f32
          %parallel_loop3A_598 = vector.broadcast %parallel_loop3A_597 : f32 to vector<16xf32>
          %parallel_loop3A_599 = arith.mulf %parallel_loop3A_596, %parallel_loop3A_598 : vector<16xf32>
          %parallel_loop3A_600 = arith.constant 1 : i32
          %parallel_loop3A_601 = arith.constant 10 : i32
          %parallel_loop3A_602 = arith.index_cast %parallel_loop3A_600 : i32 to index
          %parallel_loop3A_603 = arith.index_cast %parallel_loop3A_601 : i32 to index
          %parallel_loop3A_604 = arith.index_cast %parallel_loop3A_209 : i32 to index
          %parallel_loop3A_605 = tpu.vector_load %arg8[%parallel_loop3A_602, %parallel_loop3A_603, %parallel_loop3A_604] {strides = array<i32>} : memref<2x16x768xf32, #tpu.memory_space<vmem>>, vector<16xf32>,
          tpu.vector_store %arg8[%parallel_loop3A_602, %parallel_loop3A_603, %parallel_loop3A_604], %parallel_loop3A_599 {strides = array<i32>} : memref<2x16x768xf32, #tpu.memory_space<vmem>>, vector<16xf32>,
          %parallel_loop3A_606 = arith.constant 1 : i32
          %parallel_loop3A_607 = arith.constant 44 : i32
          %parallel_loop3A_608 = arith.index_cast %parallel_loop3A_606 : i32 to index
          %parallel_loop3A_609 = arith.index_cast %parallel_loop3A_607 : i32 to index
          %parallel_loop3A_610 = arith.index_cast %parallel_loop3A_209 : i32 to index
          %parallel_loop3A_611 = tpu.vector_load %arg7[%parallel_loop3A_608, %parallel_loop3A_609, %parallel_loop3A_610] {strides = array<i32>} : memref<2x64x768xf32, #tpu.memory_space<vmem>>, vector<16xf32>,
          %parallel_loop3A_612 = arith.constant 1 : i32
          %parallel_loop3A_613 = arith.constant 45 : i32
          %parallel_loop3A_614 = arith.index_cast %parallel_loop3A_612 : i32 to index
          %parallel_loop3A_615 = arith.index_cast %parallel_loop3A_613 : i32 to index
          %parallel_loop3A_616 = arith.index_cast %parallel_loop3A_209 : i32 to index
          %parallel_loop3A_617 = tpu.vector_load %arg7[%parallel_loop3A_614, %parallel_loop3A_615, %parallel_loop3A_616] {strides = array<i32>} : memref<2x64x768xf32, #tpu.memory_space<vmem>>, vector<16xf32>,
          %parallel_loop3A_618 = arith.addf %parallel_loop3A_611, %parallel_loop3A_617 : vector<16xf32>
          %parallel_loop3A_619 = arith.constant 1 : i32
          %parallel_loop3A_620 = arith.constant 46 : i32
          %parallel_loop3A_621 = arith.index_cast %parallel_loop3A_619 : i32 to index
          %parallel_loop3A_622 = arith.index_cast %parallel_loop3A_620 : i32 to index
          %parallel_loop3A_623 = arith.index_cast %parallel_loop3A_209 : i32 to index
          %parallel_loop3A_624 = tpu.vector_load %arg7[%parallel_loop3A_621, %parallel_loop3A_622, %parallel_loop3A_623] {strides = array<i32>} : memref<2x64x768xf32, #tpu.memory_space<vmem>>, vector<16xf32>,
          %parallel_loop3A_625 = arith.constant 1 : i32
          %parallel_loop3A_626 = arith.constant 47 : i32
          %parallel_loop3A_627 = arith.index_cast %parallel_loop3A_625 : i32 to index
          %parallel_loop3A_628 = arith.index_cast %parallel_loop3A_626 : i32 to index
          %parallel_loop3A_629 = arith.index_cast %parallel_loop3A_209 : i32 to index
          %parallel_loop3A_630 = tpu.vector_load %arg7[%parallel_loop3A_627, %parallel_loop3A_628, %parallel_loop3A_629] {strides = array<i32>} : memref<2x64x768xf32, #tpu.memory_space<vmem>>, vector<16xf32>,
          %parallel_loop3A_631 = arith.addf %parallel_loop3A_624, %parallel_loop3A_630 : vector<16xf32>
          %parallel_loop3A_632 = arith.addf %parallel_loop3A_618, %parallel_loop3A_631 : vector<16xf32>
          %parallel_loop3A_633 = arith.constant 2.500000e-01 : f32
          %parallel_loop3A_634 = vector.broadcast %parallel_loop3A_633 : f32 to vector<16xf32>
          %parallel_loop3A_635 = arith.mulf %parallel_loop3A_632, %parallel_loop3A_634 : vector<16xf32>
          %parallel_loop3A_636 = arith.constant 1 : i32
          %parallel_loop3A_637 = arith.constant 11 : i32
          %parallel_loop3A_638 = arith.index_cast %parallel_loop3A_636 : i32 to index
          %parallel_loop3A_639 = arith.index_cast %parallel_loop3A_637 : i32 to index
          %parallel_loop3A_640 = arith.index_cast %parallel_loop3A_209 : i32 to index
          %parallel_loop3A_641 = tpu.vector_load %arg8[%parallel_loop3A_638, %parallel_loop3A_639, %parallel_loop3A_640] {strides = array<i32>} : memref<2x16x768xf32, #tpu.memory_space<vmem>>, vector<16xf32>,
          tpu.vector_store %arg8[%parallel_loop3A_638, %parallel_loop3A_639, %parallel_loop3A_640], %parallel_loop3A_635 {strides = array<i32>} : memref<2x16x768xf32, #tpu.memory_space<vmem>>, vector<16xf32>,
          %parallel_loop3A_642 = arith.constant 1 : i32
          %parallel_loop3A_643 = arith.constant 48 : i32
          %parallel_loop3A_644 = arith.index_cast %parallel_loop3A_642 : i32 to index
          %parallel_loop3A_645 = arith.index_cast %parallel_loop3A_643 : i32 to index
          %parallel_loop3A_646 = arith.index_cast %parallel_loop3A_209 : i32 to index
          %parallel_loop3A_647 = tpu.vector_load %arg7[%parallel_loop3A_644, %parallel_loop3A_645, %parallel_loop3A_646] {strides = array<i32>} : memref<2x64x768xf32, #tpu.memory_space<vmem>>, vector<16xf32>,
          %parallel_loop3A_648 = arith.constant 1 : i32
          %parallel_loop3A_649 = arith.constant 49 : i32
          %parallel_loop3A_650 = arith.index_cast %parallel_loop3A_648 : i32 to index
          %parallel_loop3A_651 = arith.index_cast %parallel_loop3A_649 : i32 to index
          %parallel_loop3A_652 = arith.index_cast %parallel_loop3A_209 : i32 to index
          %parallel_loop3A_653 = tpu.vector_load %arg7[%parallel_loop3A_650, %parallel_loop3A_651, %parallel_loop3A_652] {strides = array<i32>} : memref<2x64x768xf32, #tpu.memory_space<vmem>>, vector<16xf32>,
          %parallel_loop3A_654 = arith.addf %parallel_loop3A_647, %parallel_loop3A_653 : vector<16xf32>
          %parallel_loop3A_655 = arith.constant 1 : i32
          %parallel_loop3A_656 = arith.constant 50 : i32
          %parallel_loop3A_657 = arith.index_cast %parallel_loop3A_655 : i32 to index
          %parallel_loop3A_658 = arith.index_cast %parallel_loop3A_656 : i32 to index
          %parallel_loop3A_659 = arith.index_cast %parallel_loop3A_209 : i32 to index
          %parallel_loop3A_660 = tpu.vector_load %arg7[%parallel_loop3A_657, %parallel_loop3A_658, %parallel_loop3A_659] {strides = array<i32>} : memref<2x64x768xf32, #tpu.memory_space<vmem>>, vector<16xf32>,
          %parallel_loop3A_661 = arith.constant 1 : i32
          %parallel_loop3A_662 = arith.constant 51 : i32
          %parallel_loop3A_663 = arith.index_cast %parallel_loop3A_661 : i32 to index
          %parallel_loop3A_664 = arith.index_cast %parallel_loop3A_662 : i32 to index
          %parallel_loop3A_665 = arith.index_cast %parallel_loop3A_209 : i32 to index
          %parallel_loop3A_666 = tpu.vector_load %arg7[%parallel_loop3A_663, %parallel_loop3A_664, %parallel_loop3A_665] {strides = array<i32>} : memref<2x64x768xf32, #tpu.memory_space<vmem>>, vector<16xf32>,
          %parallel_loop3A_667 = arith.addf %parallel_loop3A_660, %parallel_loop3A_666 : vector<16xf32>
          %parallel_loop3A_668 = arith.addf %parallel_loop3A_654, %parallel_loop3A_667 : vector<16xf32>
          %parallel_loop3A_669 = arith.constant 2.500000e-01 : f32
          %parallel_loop3A_670 = vector.broadcast %parallel_loop3A_669 : f32 to vector<16xf32>
          %parallel_loop3A_671 = arith.mulf %parallel_loop3A_668, %parallel_loop3A_670 : vector<16xf32>
          %parallel_loop3A_672 = arith.constant 1 : i32
          %parallel_loop3A_673 = arith.constant 12 : i32
          %parallel_loop3A_674 = arith.index_cast %parallel_loop3A_672 : i32 to index
          %parallel_loop3A_675 = arith.index_cast %parallel_loop3A_673 : i32 to index
          %parallel_loop3A_676 = arith.index_cast %parallel_loop3A_209 : i32 to index
          %parallel_loop3A_677 = tpu.vector_load %arg8[%parallel_loop3A_674, %parallel_loop3A_675, %parallel_loop3A_676] {strides = array<i32>} : memref<2x16x768xf32, #tpu.memory_space<vmem>>, vector<16xf32>,
          tpu.vector_store %arg8[%parallel_loop3A_674, %parallel_loop3A_675, %parallel_loop3A_676], %parallel_loop3A_671 {strides = array<i32>} : memref<2x16x768xf32, #tpu.memory_space<vmem>>, vector<16xf32>,
          %parallel_loop3A_678 = arith.constant 1 : i32
          %parallel_loop3A_679 = arith.constant 52 : i32
          %parallel_loop3A_680 = arith.index_cast %parallel_loop3A_678 : i32 to index
          %parallel_loop3A_681 = arith.index_cast %parallel_loop3A_679 : i32 to index
          %parallel_loop3A_682 = arith.index_cast %parallel_loop3A_209 : i32 to index
          %parallel_loop3A_683 = tpu.vector_load %arg7[%parallel_loop3A_680, %parallel_loop3A_681, %parallel_loop3A_682] {strides = array<i32>} : memref<2x64x768xf32, #tpu.memory_space<vmem>>, vector<16xf32>,
          %parallel_loop3A_684 = arith.constant 1 : i32
          %parallel_loop3A_685 = arith.constant 53 : i32
          %parallel_loop3A_686 = arith.index_cast %parallel_loop3A_684 : i32 to index
          %parallel_loop3A_687 = arith.index_cast %parallel_loop3A_685 : i32 to index
          %parallel_loop3A_688 = arith.index_cast %parallel_loop3A_209 : i32 to index
          %parallel_loop3A_689 = tpu.vector_load %arg7[%parallel_loop3A_686, %parallel_loop3A_687, %parallel_loop3A_688] {strides = array<i32>} : memref<2x64x768xf32, #tpu.memory_space<vmem>>, vector<16xf32>,
          %parallel_loop3A_690 = arith.addf %parallel_loop3A_683, %parallel_loop3A_689 : vector<16xf32>
          %parallel_loop3A_691 = arith.constant 1 : i32
          %parallel_loop3A_692 = arith.constant 54 : i32
          %parallel_loop3A_693 = arith.index_cast %parallel_loop3A_691 : i32 to index
          %parallel_loop3A_694 = arith.index_cast %parallel_loop3A_692 : i32 to index
          %parallel_loop3A_695 = arith.index_cast %parallel_loop3A_209 : i32 to index
          %parallel_loop3A_696 = tpu.vector_load %arg7[%parallel_loop3A_693, %parallel_loop3A_694, %parallel_loop3A_695] {strides = array<i32>} : memref<2x64x768xf32, #tpu.memory_space<vmem>>, vector<16xf32>,
          %parallel_loop3A_697 = arith.constant 1 : i32
          %parallel_loop3A_698 = arith.constant 55 : i32
          %parallel_loop3A_699 = arith.index_cast %parallel_loop3A_697 : i32 to index
          %parallel_loop3A_700 = arith.index_cast %parallel_loop3A_698 : i32 to index
          %parallel_loop3A_701 = arith.index_cast %parallel_loop3A_209 : i32 to index
          %parallel_loop3A_702 = tpu.vector_load %arg7[%parallel_loop3A_699, %parallel_loop3A_700, %parallel_loop3A_701] {strides = array<i32>} : memref<2x64x768xf32, #tpu.memory_space<vmem>>, vector<16xf32>,
          %parallel_loop3A_703 = arith.addf %parallel_loop3A_696, %parallel_loop3A_702 : vector<16xf32>
          %parallel_loop3A_704 = arith.addf %parallel_loop3A_690, %parallel_loop3A_703 : vector<16xf32>
          %parallel_loop3A_705 = arith.constant 2.500000e-01 : f32
          %parallel_loop3A_706 = vector.broadcast %parallel_loop3A_705 : f32 to vector<16xf32>
          %parallel_loop3A_707 = arith.mulf %parallel_loop3A_704, %parallel_loop3A_706 : vector<16xf32>
          %parallel_loop3A_708 = arith.constant 1 : i32
          %parallel_loop3A_709 = arith.constant 13 : i32
          %parallel_loop3A_710 = arith.index_cast %parallel_loop3A_708 : i32 to index
          %parallel_loop3A_711 = arith.index_cast %parallel_loop3A_709 : i32 to index
          %parallel_loop3A_712 = arith.index_cast %parallel_loop3A_209 : i32 to index
          %parallel_loop3A_713 = tpu.vector_load %arg8[%parallel_loop3A_710, %parallel_loop3A_711, %parallel_loop3A_712] {strides = array<i32>} : memref<2x16x768xf32, #tpu.memory_space<vmem>>, vector<16xf32>,
          tpu.vector_store %arg8[%parallel_loop3A_710, %parallel_loop3A_711, %parallel_loop3A_712], %parallel_loop3A_707 {strides = array<i32>} : memref<2x16x768xf32, #tpu.memory_space<vmem>>, vector<16xf32>,
          %parallel_loop3A_714 = arith.constant 1 : i32
          %parallel_loop3A_715 = arith.constant 56 : i32
          %parallel_loop3A_716 = arith.index_cast %parallel_loop3A_714 : i32 to index
          %parallel_loop3A_717 = arith.index_cast %parallel_loop3A_715 : i32 to index
          %parallel_loop3A_718 = arith.index_cast %parallel_loop3A_209 : i32 to index
          %parallel_loop3A_719 = tpu.vector_load %arg7[%parallel_loop3A_716, %parallel_loop3A_717, %parallel_loop3A_718] {strides = array<i32>} : memref<2x64x768xf32, #tpu.memory_space<vmem>>, vector<16xf32>,
          %parallel_loop3A_720 = arith.constant 1 : i32
          %parallel_loop3A_721 = arith.constant 57 : i32
          %parallel_loop3A_722 = arith.index_cast %parallel_loop3A_720 : i32 to index
          %parallel_loop3A_723 = arith.index_cast %parallel_loop3A_721 : i32 to index
          %parallel_loop3A_724 = arith.index_cast %parallel_loop3A_209 : i32 to index
          %parallel_loop3A_725 = tpu.vector_load %arg7[%parallel_loop3A_722, %parallel_loop3A_723, %parallel_loop3A_724] {strides = array<i32>} : memref<2x64x768xf32, #tpu.memory_space<vmem>>, vector<16xf32>,
          %parallel_loop3A_726 = arith.addf %parallel_loop3A_719, %parallel_loop3A_725 : vector<16xf32>
          %parallel_loop3A_727 = arith.constant 1 : i32
          %parallel_loop3A_728 = arith.constant 58 : i32
          %parallel_loop3A_729 = arith.index_cast %parallel_loop3A_727 : i32 to index
          %parallel_loop3A_730 = arith.index_cast %parallel_loop3A_728 : i32 to index
          %parallel_loop3A_731 = arith.index_cast %parallel_loop3A_209 : i32 to index
          %parallel_loop3A_732 = tpu.vector_load %arg7[%parallel_loop3A_729, %parallel_loop3A_730, %parallel_loop3A_731] {strides = array<i32>} : memref<2x64x768xf32, #tpu.memory_space<vmem>>, vector<16xf32>,
          %parallel_loop3A_733 = arith.constant 1 : i32
          %parallel_loop3A_734 = arith.constant 59 : i32
          %parallel_loop3A_735 = arith.index_cast %parallel_loop3A_733 : i32 to index
          %parallel_loop3A_736 = arith.index_cast %parallel_loop3A_734 : i32 to index
          %parallel_loop3A_737 = arith.index_cast %parallel_loop3A_209 : i32 to index
          %parallel_loop3A_738 = tpu.vector_load %arg7[%parallel_loop3A_735, %parallel_loop3A_736, %parallel_loop3A_737] {strides = array<i32>} : memref<2x64x768xf32, #tpu.memory_space<vmem>>, vector<16xf32>,
          %parallel_loop3A_739 = arith.addf %parallel_loop3A_732, %parallel_loop3A_738 : vector<16xf32>
          %parallel_loop3A_740 = arith.addf %parallel_loop3A_726, %parallel_loop3A_739 : vector<16xf32>
          %parallel_loop3A_741 = arith.constant 2.500000e-01 : f32
          %parallel_loop3A_742 = vector.broadcast %parallel_loop3A_741 : f32 to vector<16xf32>
          %parallel_loop3A_743 = arith.mulf %parallel_loop3A_740, %parallel_loop3A_742 : vector<16xf32>
          %parallel_loop3A_744 = arith.constant 1 : i32
          %parallel_loop3A_745 = arith.constant 14 : i32
          %parallel_loop3A_746 = arith.index_cast %parallel_loop3A_744 : i32 to index
          %parallel_loop3A_747 = arith.index_cast %parallel_loop3A_745 : i32 to index
          %parallel_loop3A_748 = arith.index_cast %parallel_loop3A_209 : i32 to index
          %parallel_loop3A_749 = tpu.vector_load %arg8[%parallel_loop3A_746, %parallel_loop3A_747, %parallel_loop3A_748] {strides = array<i32>} : memref<2x16x768xf32, #tpu.memory_space<vmem>>, vector<16xf32>,
          tpu.vector_store %arg8[%parallel_loop3A_746, %parallel_loop3A_747, %parallel_loop3A_748], %parallel_loop3A_743 {strides = array<i32>} : memref<2x16x768xf32, #tpu.memory_space<vmem>>, vector<16xf32>,
          %parallel_loop3A_750 = arith.constant 1 : i32
          %parallel_loop3A_751 = arith.constant 60 : i32
          %parallel_loop3A_752 = arith.index_cast %parallel_loop3A_750 : i32 to index
          %parallel_loop3A_753 = arith.index_cast %parallel_loop3A_751 : i32 to index
          %parallel_loop3A_754 = arith.index_cast %parallel_loop3A_209 : i32 to index
          %parallel_loop3A_755 = tpu.vector_load %arg7[%parallel_loop3A_752, %parallel_loop3A_753, %parallel_loop3A_754] {strides = array<i32>} : memref<2x64x768xf32, #tpu.memory_space<vmem>>, vector<16xf32>,
          %parallel_loop3A_756 = arith.constant 1 : i32
          %parallel_loop3A_757 = arith.constant 61 : i32
          %parallel_loop3A_758 = arith.index_cast %parallel_loop3A_756 : i32 to index
          %parallel_loop3A_759 = arith.index_cast %parallel_loop3A_757 : i32 to index
          %parallel_loop3A_760 = arith.index_cast %parallel_loop3A_209 : i32 to index
          %parallel_loop3A_761 = tpu.vector_load %arg7[%parallel_loop3A_758, %parallel_loop3A_759, %parallel_loop3A_760] {strides = array<i32>} : memref<2x64x768xf32, #tpu.memory_space<vmem>>, vector<16xf32>,
          %parallel_loop3A_762 = arith.addf %parallel_loop3A_755, %parallel_loop3A_761 : vector<16xf32>
          %parallel_loop3A_763 = arith.constant 1 : i32
          %parallel_loop3A_764 = arith.constant 62 : i32
          %parallel_loop3A_765 = arith.index_cast %parallel_loop3A_763 : i32 to index
          %parallel_loop3A_766 = arith.index_cast %parallel_loop3A_764 : i32 to index
          %parallel_loop3A_767 = arith.index_cast %parallel_loop3A_209 : i32 to index
          %parallel_loop3A_768 = tpu.vector_load %arg7[%parallel_loop3A_765, %parallel_loop3A_766, %parallel_loop3A_767] {strides = array<i32>} : memref<2x64x768xf32, #tpu.memory_space<vmem>>, vector<16xf32>,
          %parallel_loop3A_769 = arith.constant 1 : i32
          %parallel_loop3A_770 = arith.constant 63 : i32
          %parallel_loop3A_771 = arith.index_cast %parallel_loop3A_769 : i32 to index
          %parallel_loop3A_772 = arith.index_cast %parallel_loop3A_770 : i32 to index
          %parallel_loop3A_773 = arith.index_cast %parallel_loop3A_209 : i32 to index
          %parallel_loop3A_774 = tpu.vector_load %arg7[%parallel_loop3A_771, %parallel_loop3A_772, %parallel_loop3A_773] {strides = array<i32>} : memref<2x64x768xf32, #tpu.memory_space<vmem>>, vector<16xf32>,
          %parallel_loop3A_775 = arith.addf %parallel_loop3A_768, %parallel_loop3A_774 : vector<16xf32>
          %parallel_loop3A_776 = arith.addf %parallel_loop3A_762, %parallel_loop3A_775 : vector<16xf32>
          %parallel_loop3A_777 = arith.constant 2.500000e-01 : f32
          %parallel_loop3A_778 = vector.broadcast %parallel_loop3A_777 : f32 to vector<16xf32>
          %parallel_loop3A_779 = arith.mulf %parallel_loop3A_776, %parallel_loop3A_778 : vector<16xf32>
          %parallel_loop3A_780 = arith.constant 1 : i32
          %parallel_loop3A_781 = arith.constant 15 : i32
          %parallel_loop3A_782 = arith.index_cast %parallel_loop3A_780 : i32 to index
          %parallel_loop3A_783 = arith.index_cast %parallel_loop3A_781 : i32 to index
          %parallel_loop3A_784 = arith.index_cast %parallel_loop3A_209 : i32 to index
          %parallel_loop3A_785 = tpu.vector_load %arg8[%parallel_loop3A_782, %parallel_loop3A_783, %parallel_loop3A_784] {strides = array<i32>} : memref<2x16x768xf32, #tpu.memory_space<vmem>>, vector<16xf32>,
          tpu.vector_store %arg8[%parallel_loop3A_782, %parallel_loop3A_783, %parallel_loop3A_784], %parallel_loop3A_779 {strides = array<i32>} : memref<2x16x768xf32, #tpu.memory_space<vmem>>, vector<16xf32>,
        } {sc.loop_unroll_factor = 1 : i64, sc.parallel_access}
      } else {
      }
      %not3A_189 = arith.constant true
      %not3A_190 = arith.xori %ge3A_185, %not3A_189 : i1
      %convert_element_type3A_191 = arith.extui %not3A_190 : i1 to i32
      %cond3A_192 = arith.constant 0 : i32
      %cond3A_193 = arith.cmpi ne, %convert_element_type3A_191, %cond3A_192 : i32
      scf.if %cond3A_193 {
        %min3A_207 = arith.constant 1 : i32
        %min3A_208 = vector.broadcast %min3A_207 : i32 to vector<16xi32>
        %min3A_209 = arith.minsi %get3A_155, %min3A_208 : vector<16xi32>
        %convert_element_type3A_210 = arith.sitofp %min3A_209 : vector<16xi32> to vector<16xf32>
        %swap3A = arith.constant 0 : index
        %swap3A_211 = tpu.vector_load %arg6[%swap3A] {strides = array<i32>} : memref<64xf32, #tpu.memory_space<vmem>>, vector<16xf32>,
        tpu.vector_store %arg6[%swap3A], %convert_element_type3A_210 {strides = array<i32>} : memref<64xf32, #tpu.memory_space<vmem>>, vector<16xf32>,
        %min3A_212 = arith.constant 1 : i32
        %min3A_213 = vector.broadcast %min3A_212 : i32 to vector<16xi32>
        %min3A_214 = arith.minsi %get3A_159, %min3A_213 : vector<16xi32>
        %convert_element_type3A_215 = arith.sitofp %min3A_214 : vector<16xi32> to vector<16xf32>
        %swap3A_216 = arith.constant 16 : index
        %swap3A_217 = tpu.vector_load %arg6[%swap3A_216] {strides = array<i32>} : memref<64xf32, #tpu.memory_space<vmem>>, vector<16xf32>,
        tpu.vector_store %arg6[%swap3A_216], %convert_element_type3A_215 {strides = array<i32>} : memref<64xf32, #tpu.memory_space<vmem>>, vector<16xf32>,
        %min3A_218 = arith.constant 1 : i32
        %min3A_219 = vector.broadcast %min3A_218 : i32 to vector<16xi32>
        %min3A_220 = arith.minsi %get3A_163, %min3A_219 : vector<16xi32>
        %convert_element_type3A_221 = arith.sitofp %min3A_220 : vector<16xi32> to vector<16xf32>
        %swap3A_222 = arith.constant 32 : index
        %swap3A_223 = tpu.vector_load %arg6[%swap3A_222] {strides = array<i32>} : memref<64xf32, #tpu.memory_space<vmem>>, vector<16xf32>,
        tpu.vector_store %arg6[%swap3A_222], %convert_element_type3A_221 {strides = array<i32>} : memref<64xf32, #tpu.memory_space<vmem>>, vector<16xf32>,
        %min3A_224 = arith.constant 1 : i32
        %min3A_225 = vector.broadcast %min3A_224 : i32 to vector<16xi32>
        %min3A_226 = arith.minsi %get3A_167, %min3A_225 : vector<16xi32>
        %convert_element_type3A_227 = arith.sitofp %min3A_226 : vector<16xi32> to vector<16xf32>
        %swap3A_228 = arith.constant 48 : index
        %swap3A_229 = tpu.vector_load %arg6[%swap3A_228] {strides = array<i32>} : memref<64xf32, #tpu.memory_space<vmem>>, vector<16xf32>,
        tpu.vector_store %arg6[%swap3A_228], %convert_element_type3A_227 {strides = array<i32>} : memref<64xf32, #tpu.memory_space<vmem>>, vector<16xf32>,
        %iota3A = tpu.iota {dimensions = array<i32: 0>} : vector<16xi32>
        %mul3A_230 = arith.constant 4 : i32
        %mul3A_231 = vector.broadcast %mul3A_230 : i32 to vector<16xi32>
        %mul3A_232 = arith.muli %iota3A, %mul3A_231 : vector<16xi32>
        %add3A_233 = arith.constant 0 : i32
        %add3A_234 = vector.broadcast %add3A_233 : i32 to vector<16xi32>
        %add3A_235 = arith.addi %mul3A_232, %add3A_234 : vector<16xi32>
        %mul3A_236 = arith.constant 4 : i32
        %mul3A_237 = vector.broadcast %mul3A_236 : i32 to vector<16xi32>
        %mul3A_238 = arith.muli %iota3A, %mul3A_237 : vector<16xi32>
        %add3A_239 = arith.constant 1 : i32
        %add3A_240 = vector.broadcast %add3A_239 : i32 to vector<16xi32>
        %add3A_241 = arith.addi %mul3A_238, %add3A_240 : vector<16xi32>
        %mul3A_242 = arith.constant 4 : i32
        %mul3A_243 = vector.broadcast %mul3A_242 : i32 to vector<16xi32>
        %mul3A_244 = arith.muli %iota3A, %mul3A_243 : vector<16xi32>
        %add3A_245 = arith.constant 2 : i32
        %add3A_246 = vector.broadcast %add3A_245 : i32 to vector<16xi32>
        %add3A_247 = arith.addi %mul3A_244, %add3A_246 : vector<16xi32>
        %mul3A_248 = arith.constant 4 : i32
        %mul3A_249 = vector.broadcast %mul3A_248 : i32 to vector<16xi32>
        %mul3A_250 = arith.muli %iota3A, %mul3A_249 : vector<16xi32>
        %add3A_251 = arith.constant 3 : i32
        %add3A_252 = vector.broadcast %add3A_251 : i32 to vector<16xi32>
        %add3A_253 = arith.addi %mul3A_250, %add3A_252 : vector<16xi32>
        %gather3A = tpu.vector_load_idx %arg6[%add3A_235] : memref<64xf32, #tpu.memory_space<vmem>>[vector<16xi32>], vector<16xf32>,
        %gather3A_254 = tpu.vector_load_idx %arg6[%add3A_241] : memref<64xf32, #tpu.memory_space<vmem>>[vector<16xi32>], vector<16xf32>,
        %gather3A_255 = tpu.vector_load_idx %arg6[%add3A_247] : memref<64xf32, #tpu.memory_space<vmem>>[vector<16xi32>], vector<16xf32>,
        %gather3A_256 = tpu.vector_load_idx %arg6[%add3A_253] : memref<64xf32, #tpu.memory_space<vmem>>[vector<16xi32>], vector<16xf32>,
        %add3A_257 = arith.addf %gather3A, %gather3A_254 : vector<16xf32>
        %add3A_258 = arith.addf %add3A_257, %gather3A_255 : vector<16xf32>
        %add3A_259 = arith.addf %add3A_258, %gather3A_256 : vector<16xf32>
        %max3A = arith.constant 1.000000e+00 : f32
        %max3A_260 = vector.broadcast %max3A : f32 to vector<16xf32>
        %max3A_261 = arith.maximumf %add3A_259, %max3A_260 : vector<16xf32>
        %div3A = arith.constant 1.000000e+00 : f32
        %div3A_262 = vector.broadcast %div3A : f32 to vector<16xf32>
        %div3A_263 = arith.divf %div3A_262, %max3A_261 : vector<16xf32>
        %mul3A_264 = arith.mulf %gather3A, %div3A_263 : vector<16xf32>
        tpu.vector_store_idx %arg6[%add3A_235], %mul3A_264 : memref<64xf32, #tpu.memory_space<vmem>>[vector<16xi32>], vector<16xf32>,
        %mul3A_265 = arith.mulf %gather3A_254, %div3A_263 : vector<16xf32>
        tpu.vector_store_idx %arg6[%add3A_241], %mul3A_265 : memref<64xf32, #tpu.memory_space<vmem>>[vector<16xi32>], vector<16xf32>,
        %mul3A_266 = arith.mulf %gather3A_255, %div3A_263 : vector<16xf32>
        tpu.vector_store_idx %arg6[%add3A_247], %mul3A_266 : memref<64xf32, #tpu.memory_space<vmem>>[vector<16xi32>], vector<16xf32>,
        %mul3A_267 = arith.mulf %gather3A_256, %div3A_263 : vector<16xf32>
        tpu.vector_store_idx %arg6[%add3A_253], %mul3A_267 : memref<64xf32, #tpu.memory_space<vmem>>[vector<16xi32>], vector<16xf32>,
        %scan3A_268 = arith.constant 0 : i32
        %scan3A_269 = arith.constant 0 : i32
        %scan3A_270 = arith.constant 16 : i32
        %scan3A_271 = arith.addi %scan3A_269, %scan3A_270 : i32
        %scan3A_272 = arith.constant 1 : i32
        scf.for %scan3A_274 = %scan3A_269 to %scan3A_271 step %scan3A_272  : i32 {
          %mul3A_275 = arith.constant 4 : i32
          %mul3A_276 = arith.muli %scan3A_274, %mul3A_275 : i32
          %add3A_277 = arith.constant 0 : i32
          %add3A_278 = arith.addi %mul3A_276, %add3A_277 : i32
          %broadcast_in_dim3A = vector.broadcast %add3A_278 : i32 to vector<16xi32>
          %gather3A_279 = tpu.vector_load_idx %arg6[%broadcast_in_dim3A] : memref<64xf32, #tpu.memory_space<vmem>>[vector<16xi32>], vector<16xf32>,
          %add3A_280 = arith.constant 1 : i32
          %add3A_281 = arith.addi %mul3A_276, %add3A_280 : i32
          %broadcast_in_dim3A_282 = vector.broadcast %add3A_281 : i32 to vector<16xi32>
          %gather3A_283 = tpu.vector_load_idx %arg6[%broadcast_in_dim3A_282] : memref<64xf32, #tpu.memory_space<vmem>>[vector<16xi32>], vector<16xf32>,
          %add3A_284 = arith.constant 2 : i32
          %add3A_285 = arith.addi %mul3A_276, %add3A_284 : i32
          %broadcast_in_dim3A_286 = vector.broadcast %add3A_285 : i32 to vector<16xi32>
          %gather3A_287 = tpu.vector_load_idx %arg6[%broadcast_in_dim3A_286] : memref<64xf32, #tpu.memory_space<vmem>>[vector<16xi32>], vector<16xf32>,
          %add3A_288 = arith.constant 3 : i32
          %add3A_289 = arith.addi %mul3A_276, %add3A_288 : i32
          %broadcast_in_dim3A_290 = vector.broadcast %add3A_289 : i32 to vector<16xi32>
          %gather3A_291 = tpu.vector_load_idx %arg6[%broadcast_in_dim3A_290] : memref<64xf32, #tpu.memory_space<vmem>>[vector<16xi32>], vector<16xf32>,
          %scan3A_292 = arith.constant 0 : i32
          %scan3A_293 = arith.constant 48 : i32
          %scan3A_294 = arith.addi %scan3A_292, %scan3A_293 : i32
          %scan3A_295 = arith.constant 1 : i32
          scf.for %scan3A_297 = %scan3A_292 to %scan3A_294 step %scan3A_295  : i32 {
            %mul3A_298 = arith.constant 16 : i32
            %mul3A_299 = arith.muli %scan3A_297, %mul3A_298 : i32
            %get3A_300 = arith.constant 1 : i32
            %get3A_301 = arith.index_cast %get3A_300 : i32 to index
            %get3A_302 = arith.index_cast %mul3A_276 : i32 to index
            %get3A_303 = arith.index_cast %mul3A_299 : i32 to index
            %get3A_304 = tpu.vector_load %arg7[%get3A_301, %get3A_302, %get3A_303] {strides = array<i32>} : memref<2x64x768xf32, #tpu.memory_space<vmem>>, vector<16xf32>,
            %mul3A_305 = arith.mulf %get3A_304, %gather3A_279 : vector<16xf32>
            %add3A_306 = arith.constant 1 : i32
            %add3A_307 = arith.addi %mul3A_276, %add3A_306 : i32
            %get3A_308 = arith.constant 1 : i32
            %get3A_309 = arith.index_cast %get3A_308 : i32 to index
            %get3A_310 = arith.index_cast %add3A_307 : i32 to index
            %get3A_311 = arith.index_cast %mul3A_299 : i32 to index
            %get3A_312 = tpu.vector_load %arg7[%get3A_309, %get3A_310, %get3A_311] {strides = array<i32>} : memref<2x64x768xf32, #tpu.memory_space<vmem>>, vector<16xf32>,
            %mul3A_313 = arith.mulf %get3A_312, %gather3A_283 : vector<16xf32>
            %add3A_314 = arith.addf %mul3A_305, %mul3A_313 : vector<16xf32>
            %add3A_315 = arith.constant 2 : i32
            %add3A_316 = arith.addi %mul3A_276, %add3A_315 : i32
            %get3A_317 = arith.constant 1 : i32
            %get3A_318 = arith.index_cast %get3A_317 : i32 to index
            %get3A_319 = arith.index_cast %add3A_316 : i32 to index
            %get3A_320 = arith.index_cast %mul3A_299 : i32 to index
            %get3A_321 = tpu.vector_load %arg7[%get3A_318, %get3A_319, %get3A_320] {strides = array<i32>} : memref<2x64x768xf32, #tpu.memory_space<vmem>>, vector<16xf32>,
            %mul3A_322 = arith.mulf %get3A_321, %gather3A_287 : vector<16xf32>
            %add3A_323 = arith.addf %add3A_314, %mul3A_322 : vector<16xf32>
            %add3A_324 = arith.constant 3 : i32
            %add3A_325 = arith.addi %mul3A_276, %add3A_324 : i32
            %get3A_326 = arith.constant 1 : i32
            %get3A_327 = arith.index_cast %get3A_326 : i32 to index
            %get3A_328 = arith.index_cast %add3A_325 : i32 to index
            %get3A_329 = arith.index_cast %mul3A_299 : i32 to index
            %get3A_330 = tpu.vector_load %arg7[%get3A_327, %get3A_328, %get3A_329] {strides = array<i32>} : memref<2x64x768xf32, #tpu.memory_space<vmem>>, vector<16xf32>,
            %mul3A_331 = arith.mulf %get3A_330, %gather3A_291 : vector<16xf32>
            %add3A_332 = arith.addf %add3A_323, %mul3A_331 : vector<16xf32>
            %swap3A_333 = arith.constant 1 : i32
            %swap3A_334 = arith.index_cast %swap3A_333 : i32 to index
            %swap3A_335 = arith.index_cast %scan3A_274 : i32 to index
            %swap3A_336 = arith.index_cast %mul3A_299 : i32 to index
            %swap3A_337 = tpu.vector_load %arg8[%swap3A_334, %swap3A_335, %swap3A_336] {strides = array<i32>} : memref<2x16x768xf32, #tpu.memory_space<vmem>>, vector<16xf32>,
            tpu.vector_store %arg8[%swap3A_334, %swap3A_335, %swap3A_336], %add3A_332 {strides = array<i32>} : memref<2x16x768xf32, #tpu.memory_space<vmem>>, vector<16xf32>,
          }
          %scan3A_296 = arith.constant 48 : i32
        }
        %scan3A_273 = arith.constant 16 : i32
      } else {
      }
      %dma_start3A_194 = arith.constant 1 : i32
      %dma_start3A_195 = arith.constant 0 : i32
      %dma_start3A_196 = arith.constant 0 : i32
      %dma_start3A_197 = tpu.memref_slice %arg8[%dma_start3A_194, %dma_start3A_195, %dma_start3A_196] : memref<2x16x768xf32, #tpu.memory_space<vmem>> -> memref<1x16x768xf32, #tpu.memory_space<vmem>>
      %dma_start3A_198 = tpu.memref_squeeze %dma_start3A_197 : memref<1x16x768xf32, #tpu.memory_space<vmem>> -> memref<16x768xf32, #tpu.memory_space<vmem>>
      %dma_start3A_199 = arith.constant 0 : i32
      %dma_start3A_200 = tpu.memref_slice %arg4[%add3A_149, %dma_start3A_199] : memref<8192x768xf32, #tpu.memory_space<hbm>> -> memref<16x768xf32, #tpu.memory_space<hbm>>
      %dma_start3A_201 = arith.constant 0 : i32
      %dma_start3A_202 = tpu.memref_slice %arg4[%add3A_149, %dma_start3A_201] : memref<8192x768xf32, #tpu.memory_space<hbm>> -> memref<16x768xf32, #tpu.memory_space<hbm>>
      %dma_start3A_203 = arith.constant 0 : i32
      %dma_start3A_204 = arith.constant 0 : i32
      %dma_start3A_205 = tpu.memref_slice %arg8[%dma_start3A_194, %dma_start3A_203, %dma_start3A_204] : memref<2x16x768xf32, #tpu.memory_space<vmem>> -> memref<1x16x768xf32, #tpu.memory_space<vmem>>
      %dma_start3A_206 = tpu.memref_squeeze %dma_start3A_205 : memref<1x16x768xf32, #tpu.memory_space<vmem>> -> memref<16x768xf32, #tpu.memory_space<vmem>>
      tpu.enqueue_dma source(%dma_start3A_206 : memref<16x768xf32, #tpu.memory_space<vmem>>) target(%dma_start3A_202 : memref<16x768xf32, #tpu.memory_space<hbm>>) target_semaphore(%arg12 : memref<!tpu.dma_semaphore, #tpu.memory_space<semaphore_mem>>)
    }
    %scan3A_18 = arith.constant 8 : i32
    %add3A_19 = arith.constant 224 : i32
    %add3A_20 = arith.addi %mul3A_2, %add3A_19 : i32
    %dma_wait3A = arith.constant 0 : i32
    %dma_wait3A_21 = arith.constant 0 : i32
    %dma_wait3A_22 = arith.constant 0 : i32
    %dma_wait3A_23 = tpu.memref_slice %arg8[%dma_wait3A, %dma_wait3A_21, %dma_wait3A_22] : memref<2x16x768xf32, #tpu.memory_space<vmem>> -> memref<1x16x768xf32, #tpu.memory_space<vmem>>
    %dma_wait3A_24 = tpu.memref_squeeze %dma_wait3A_23 : memref<1x16x768xf32, #tpu.memory_space<vmem>> -> memref<16x768xf32, #tpu.memory_space<vmem>>
    %dma_wait3A_25 = arith.constant 0 : i32
    %dma_wait3A_26 = tpu.memref_slice %arg4[%add3A_20, %dma_wait3A_25] : memref<8192x768xf32, #tpu.memory_space<hbm>> -> memref<16x768xf32, #tpu.memory_space<hbm>>
    %dma_wait3A_27 = arith.constant 0 : i32
    %dma_wait3A_28 = tpu.memref_slice %arg4[%add3A_20, %dma_wait3A_27] : memref<8192x768xf32, #tpu.memory_space<hbm>> -> memref<16x768xf32, #tpu.memory_space<hbm>>
    %dma_wait3A_29 = arith.constant 0 : i32
    %dma_wait3A_30 = arith.constant 0 : i32
    %dma_wait3A_31 = tpu.memref_slice %arg8[%dma_wait3A, %dma_wait3A_29, %dma_wait3A_30] : memref<2x16x768xf32, #tpu.memory_space<vmem>> -> memref<1x16x768xf32, #tpu.memory_space<vmem>>
    %dma_wait3A_32 = tpu.memref_squeeze %dma_wait3A_31 : memref<1x16x768xf32, #tpu.memory_space<vmem>> -> memref<16x768xf32, #tpu.memory_space<vmem>>
    tpu.wait_dma2 semaphore(%arg11 : memref<!tpu.dma_semaphore, #tpu.memory_space<semaphore_mem>>) src(%dma_wait3A_32 : memref<16x768xf32, #tpu.memory_space<vmem>>) dst(%dma_wait3A_28 : memref<16x768xf32, #tpu.memory_space<hbm>>)
    %add3A_33 = arith.constant 240 : i32
    %add3A_34 = arith.addi %mul3A_2, %add3A_33 : i32
    %dma_wait3A_35 = arith.constant 1 : i32
    %dma_wait3A_36 = arith.constant 0 : i32
    %dma_wait3A_37 = arith.constant 0 : i32
    %dma_wait3A_38 = tpu.memref_slice %arg8[%dma_wait3A_35, %dma_wait3A_36, %dma_wait3A_37] : memref<2x16x768xf32, #tpu.memory_space<vmem>> -> memref<1x16x768xf32, #tpu.memory_space<vmem>>
    %dma_wait3A_39 = tpu.memref_squeeze %dma_wait3A_38 : memref<1x16x768xf32, #tpu.memory_space<vmem>> -> memref<16x768xf32, #tpu.memory_space<vmem>>
    %dma_wait3A_40 = arith.constant 0 : i32
    %dma_wait3A_41 = tpu.memref_slice %arg4[%add3A_34, %dma_wait3A_40] : memref<8192x768xf32, #tpu.memory_space<hbm>> -> memref<16x768xf32, #tpu.memory_space<hbm>>
    %dma_wait3A_42 = arith.constant 0 : i32
    %dma_wait3A_43 = tpu.memref_slice %arg4[%add3A_34, %dma_wait3A_42] : memref<8192x768xf32, #tpu.memory_space<hbm>> -> memref<16x768xf32, #tpu.memory_space<hbm>>
    %dma_wait3A_44 = arith.constant 0 : i32
    %dma_wait3A_45 = arith.constant 0 : i32
    %dma_wait3A_46 = tpu.memref_slice %arg8[%dma_wait3A_35, %dma_wait3A_44, %dma_wait3A_45] : memref<2x16x768xf32, #tpu.memory_space<vmem>> -> memref<1x16x768xf32, #tpu.memory_space<vmem>>
    %dma_wait3A_47 = tpu.memref_squeeze %dma_wait3A_46 : memref<1x16x768xf32, #tpu.memory_space<vmem>> -> memref<16x768xf32, #tpu.memory_space<vmem>>
    tpu.wait_dma2 semaphore(%arg12 : memref<!tpu.dma_semaphore, #tpu.memory_space<semaphore_mem>>) src(%dma_wait3A_47 : memref<16x768xf32, #tpu.memory_space<vmem>>) dst(%dma_wait3A_43 : memref<16x768xf32, #tpu.memory_space<hbm>>)
    return
  }
}

module attributes {stable_mosaic.version = 14 : i64} {
  func.func @body(%arg0: i32, %arg1: i32, %arg2: memref<2048x768xf32, #tpu.memory_space<vmem>>, %arg3: memref<1x1x2048xf32, #tpu.memory_space<vmem>>, %arg4: memref<2048x768xf32, #tpu.memory_space<vmem>>, %arg5: memref<2x768xf32, #tpu.memory_space<vmem>>, %arg6: memref<768xf32, #tpu.memory_space<vmem>>, %arg7: memref<768xf32, #tpu.memory_space<vmem>>, %arg8: memref<2048x768xf32, #tpu.memory_space<vmem>>) attributes {dimension_semantics = [#tpu.dimension_semantics<arbitrary>, #tpu.dimension_semantics<arbitrary>], iteration_bounds = array<i64: 1, 4>, scalar_prefetch = 0 : i64, scratch_operands = 0 : i64, tpu.core_type = #tpu.core_type<tc>, window_params = [{transform_indices = @transform_0, window_bounds = array<i64: 2048, 768>}, {transform_indices = @transform_1, window_bounds = array<i64: 1, 1, 2048>}, {transform_indices = @transform_2, window_bounds = array<i64: 2048, 768>}, {pipeline_mode = #tpu.pipeline_mode<synchronous>, transform_indices = @transform_3, window_bounds = array<i64: 2, 768>}, {pipeline_mode = #tpu.pipeline_mode<synchronous>, transform_indices = @transform_4, window_bounds = array<i64: 768>}, {pipeline_mode = #tpu.pipeline_mode<synchronous>, transform_indices = @transform_5, window_bounds = array<i64: 768>}, {transform_indices = @transform_6, window_bounds = array<i64: 2048, 768>}]} {
    %get3A = arith.constant 0 : index
    %get3A_0 = arith.constant 0 : index
    %get3A_1 = vector.load %arg2[%get3A, %get3A_0] : memref<2048x768xf32, #tpu.memory_space<vmem>>, vector<2048x768xf32>
    %get3A_2 = arith.constant 0 : index
    %get3A_3 = arith.constant 0 : index
    %get3A_4 = arith.constant 0 : index
    %get3A_5 = vector.load %arg3[%get3A_2, %get3A_3, %get3A_4] : memref<1x1x2048xf32, #tpu.memory_space<vmem>>, vector<1x1x2048xf32>
    %get3A_6 = vector.shape_cast %get3A_5 : vector<1x1x2048xf32> to vector<2048xf32>
    %get3A_7 = arith.constant 1 : index
    %get3A_8 = arith.constant 0 : index
    %get3A_9 = vector.load %arg5[%get3A_7, %get3A_8] : memref<2x768xf32, #tpu.memory_space<vmem>>, vector<1x768xf32>
    %get3A_10 = vector.shape_cast %get3A_9 : vector<1x768xf32> to vector<768xf32>
    %get3A_11 = arith.constant 0 : index
    %get3A_12 = arith.constant 0 : index
    %get3A_13 = vector.load %arg5[%get3A_11, %get3A_12] : memref<2x768xf32, #tpu.memory_space<vmem>>, vector<1x768xf32>
    %get3A_14 = vector.shape_cast %get3A_13 : vector<1x768xf32> to vector<768xf32>
    %sub3A = arith.subf %get3A_10, %get3A_14 : vector<768xf32>
    %get3A_15 = arith.constant 0 : index
    %get3A_16 = arith.constant 0 : index
    %get3A_17 = vector.load %arg5[%get3A_15, %get3A_16] : memref<2x768xf32, #tpu.memory_space<vmem>>, vector<1x768xf32>
    %get3A_18 = vector.shape_cast %get3A_17 : vector<1x768xf32> to vector<768xf32>
    %broadcast_in_dim3A = vector.shape_cast %get3A_18 : vector<768xf32> to vector<1x768xf32>
    %broadcast_in_dim3A_19 = vector.shape_cast %get3A_6 : vector<2048xf32> to vector<2048x1xf32>
    %broadcast_in_dim3A_20 = vector.shape_cast %sub3A : vector<768xf32> to vector<1x768xf32>
    %mul3A = vector.broadcast %broadcast_in_dim3A_19 : vector<2048x1xf32> to vector<2048x768xf32>
    %mul3A_21 = vector.broadcast %broadcast_in_dim3A_20 : vector<1x768xf32> to vector<2048x768xf32>
    %mul3A_22 = arith.mulf %mul3A, %mul3A_21 : vector<2048x768xf32>
    %add3A = vector.broadcast %broadcast_in_dim3A : vector<1x768xf32> to vector<2048x768xf32>
    %add3A_23 = arith.addf %add3A, %mul3A_22 : vector<2048x768xf32>
    %get3A_24 = arith.constant 0 : index
    %get3A_25 = arith.constant 0 : index
    %get3A_26 = vector.load %arg4[%get3A_24, %get3A_25] : memref<2048x768xf32, #tpu.memory_space<vmem>>, vector<2048x768xf32>
    %add3A_27 = arith.addf %get3A_1, %get3A_26 : vector<2048x768xf32>
    %add3A_28 = arith.addf %add3A_27, %add3A_23 : vector<2048x768xf32>
    %reduce_sum3A = arith.constant dense<0.000000e+00> : vector<2048xf32>
    %reduce_sum3A_29 = vector.multi_reduction <add>, %add3A_28, %reduce_sum3A [1] : vector<2048x768xf32> to vector<2048xf32>
    %broadcast_in_dim3A_30 = vector.shape_cast %reduce_sum3A_29 : vector<2048xf32> to vector<2048x1xf32>
    %div3A = arith.constant 7.680000e+02 : f32
    %div3A_31 = vector.broadcast %div3A : f32 to vector<2048x1xf32>
    %div3A_32 = arith.divf %broadcast_in_dim3A_30, %div3A_31 : vector<2048x1xf32>
    %sub3A_33 = vector.broadcast %div3A_32 : vector<2048x1xf32> to vector<2048x768xf32>
    %sub3A_34 = arith.subf %add3A_28, %sub3A_33 : vector<2048x768xf32>
    %integer_pow3A = arith.mulf %sub3A_34, %sub3A_34 : vector<2048x768xf32>
    %reduce_sum3A_35 = arith.constant dense<0.000000e+00> : vector<2048xf32>
    %reduce_sum3A_36 = vector.multi_reduction <add>, %integer_pow3A, %reduce_sum3A_35 [1] : vector<2048x768xf32> to vector<2048xf32>
    %broadcast_in_dim3A_37 = vector.shape_cast %reduce_sum3A_36 : vector<2048xf32> to vector<2048x1xf32>
    %div3A_38 = arith.constant 7.680000e+02 : f32
    %div3A_39 = vector.broadcast %div3A_38 : f32 to vector<2048x1xf32>
    %div3A_40 = arith.divf %broadcast_in_dim3A_37, %div3A_39 : vector<2048x1xf32>
    %sub3A_41 = vector.broadcast %div3A_32 : vector<2048x1xf32> to vector<2048x768xf32>
    %sub3A_42 = arith.subf %add3A_28, %sub3A_41 : vector<2048x768xf32>
    %add3A_43 = arith.constant 9.99999996E-13 : f32
    %add3A_44 = vector.broadcast %add3A_43 : f32 to vector<2048x1xf32>
    %add3A_45 = arith.addf %div3A_40, %add3A_44 : vector<2048x1xf32>
    %rsqrt3A = math.rsqrt %add3A_45 : vector<2048x1xf32>
    %mul3A_46 = vector.broadcast %rsqrt3A : vector<2048x1xf32> to vector<2048x768xf32>
    %mul3A_47 = arith.mulf %sub3A_42, %mul3A_46 : vector<2048x768xf32>
    %get3A_48 = arith.constant 0 : index
    %get3A_49 = vector.load %arg6[%get3A_48] : memref<768xf32, #tpu.memory_space<vmem>>, vector<768xf32>
    %broadcast_in_dim3A_50 = vector.shape_cast %get3A_49 : vector<768xf32> to vector<1x768xf32>
    %mul3A_51 = vector.broadcast %broadcast_in_dim3A_50 : vector<1x768xf32> to vector<2048x768xf32>
    %mul3A_52 = arith.mulf %mul3A_51, %mul3A_47 : vector<2048x768xf32>
    %get3A_53 = arith.constant 0 : index
    %get3A_54 = vector.load %arg7[%get3A_53] : memref<768xf32, #tpu.memory_space<vmem>>, vector<768xf32>
    %broadcast_in_dim3A_55 = vector.shape_cast %get3A_54 : vector<768xf32> to vector<1x768xf32>
    %add3A_56 = vector.broadcast %broadcast_in_dim3A_55 : vector<1x768xf32> to vector<2048x768xf32>
    %add3A_57 = arith.addf %mul3A_52, %add3A_56 : vector<2048x768xf32>
    %swap3A = arith.constant 0 : index
    %swap3A_58 = arith.constant 0 : index
    %swap3A_59 = vector.load %arg8[%swap3A, %swap3A_58] : memref<2048x768xf32, #tpu.memory_space<vmem>>, vector<2048x768xf32>
    tpu.vector_store %arg8[%swap3A, %swap3A_58], %add3A_57 {strides = array<i32>} : memref<2048x768xf32, #tpu.memory_space<vmem>>, vector<2048x768xf32>,
    return
  }
  func.func @transform_0(%arg0: i32, %arg1: i32) -> (i32, i32) {
    %mul3A = arith.constant 1 : i32
    %mul3A_0 = arith.muli %arg1, %mul3A : i32
    %add3A = arith.addi %mul3A_0, %arg0 : i32
    %c0_i32 = arith.constant 0 : i32
    %c0_i32_1 = arith.constant 0 : i32
    return %add3A, %c0_i32 : i32, i32
  }
  func.func @transform_1(%arg0: i32, %arg1: i32) -> (i32, i32, i32) {
    %mul3A = arith.constant 1 : i32
    %mul3A_0 = arith.muli %arg1, %mul3A : i32
    %add3A = arith.addi %mul3A_0, %arg0 : i32
    %c0_i32 = arith.constant 0 : i32
    %c0_i32_1 = arith.constant 0 : i32
    %c0_i32_2 = arith.constant 0 : i32
    return %add3A, %c0_i32, %c0_i32_1 : i32, i32, i32
  }
  func.func @transform_2(%arg0: i32, %arg1: i32) -> (i32, i32) {
    %c0_i32 = arith.constant 0 : i32
    %c0_i32_0 = arith.constant 0 : i32
    return %arg0, %c0_i32 : i32, i32
  }
  func.func @transform_3(%arg0: i32, %arg1: i32) -> (i32, i32) {
    %c0_i32 = arith.constant 0 : i32
    %c0_i32_0 = arith.constant 0 : i32
    %c0_i32_1 = arith.constant 0 : i32
    return %c0_i32, %c0_i32_0 : i32, i32
  }
  func.func @transform_4(%arg0: i32, %arg1: i32) -> i32 {
    %c0_i32 = arith.constant 0 : i32
    %c0_i32_0 = arith.constant 0 : i32
    return %c0_i32 : i32
  }
  func.func @transform_5(%arg0: i32, %arg1: i32) -> i32 {
    %c0_i32 = arith.constant 0 : i32
    %c0_i32_0 = arith.constant 0 : i32
    return %c0_i32 : i32
  }
  func.func @transform_6(%arg0: i32, %arg1: i32) -> (i32, i32) {
    %mul3A = arith.constant 1 : i32
    %mul3A_0 = arith.muli %arg1, %mul3A : i32
    %add3A = arith.addi %mul3A_0, %arg0 : i32
    %c0_i32 = arith.constant 0 : i32
    %c0_i32_1 = arith.constant 0 : i32
    return %add3A, %c0_i32 : i32, i32
  }
}

</mosaic_0001>

<sc_bundles>
// kernel: kernel.4.cloned.1.call-start
scs
__scs_entry_jumppad:
0x0: {  	(pc) =	sbr.rel $0x88, $3  }
0x1: {  	(tag) =	ssettag $0x0;
	lr =	simm.s32 $0x1  }
0x2: {  	[smem:$0x3F9A] =	sst lr;
	_ =	strace $0xD0000000  }
0x3: {  	_ = 	snop  }
0x4: {  	_ = 	snop  }
0x5: {  	_ = 	snop  }
0x6: {  	_ = 	snop  }
0x7: {  	_ = 	snop  }
__scs_overlays_trampoline_lowered:
0x8: {  	[smem:$0x3FA9] =	sst s0  }
0x9: {  	[smem:$0x3FAA] =	sst s1  }
0xa: {  	[smem:$0x3FAB] =	sst s2  }
0xb: {  	[smem:$0x3FAC] =	sst s3  }
0xc: {  	[smem:$0x3FAD] =	sst s4  }
0xd: {  	[smem:$0x3FAE] =	sst s5  }
0xe: {  	[smem:$0x3FAF] =	sst s6  }
0xf: {  	[smem:$0x3FB0] =	sst s7  }
0x10: {  	[smem:$0x3FB1] =	sst s8  }
0x11: {  	[smem:$0x3FB2] =	sst s9;
	s0 =	simm.s32 @!p0 $0x0  }
0x12: {  	s1 =	sld [smem:$0x3F98];
	s0 =	simm.s32 @p0 $0x1  }
0x13: {  	[smem:$0x3FB3] =	sst s0;
	s0 =	simm.s32 @!p1 $0x0  }
0x14: {  	s2 =	sld [smem:$0x3F97];
	s0 =	simm.s32 @p1 $0x1  }
0x15: {  	[smem:$0x3FB4] =	sst s0;
	s0 =	simm.s32 @!p2 $0x0  }
0x16: {  	s3 =	sld [smem:$0x3FDB];
	s0 =	simm.s32 @p2 $0x1  }
0x17: {  	s4 =	simm.s32 $0x1BF5;
	[smem:$0x3FB6] =	sst s0  }
0x18: {  	s0 =	sld [smem:$0x3F99];
	_ =	swait.ge [sflag:s4], $0x0  }
0x19: {  	s7 =	sld [smem:$0x3F9A]  }
0x1a: {  	s8 =	sadd.s32 $0xFFFFE003, lr  }
0x1b: {  	s9 =	sadd.s32 $0xFFFFFEF7, lr;
	s5 =	simm.s32 $0xFFFFFFFF;
	p2 =	slt.u32 s8, $0xFFFFF086  }
0x1c: {  	p1 =	slt.u32 s9, $0xF7A;
	s5 =	simm.s32 @!p2 $0x0  }
0x1d: {  	s5 =	simm.s32 @p1 $0x1;
	p0 =	seq.s32 s7, s2  }
0x1e: {  	s7 =	smul.u32 @!p0 $0xF7A, s2;
	p2 =	seq.s32 @!p0 s5, $0x0  }
0x1f: {  	s9 =	smul.u32 $0xF7A, s1;
	s8 =	simm.s32 @!p0 $0x1BF5;
	p2 =	por !p2, p0  }
0x20: {  	[sflag:s8] =	ssyncset.s32 @!p0 $0xFFFFF086;
	s6 =	sadd.s32 @!p0 s3, s7;
	s7 =	simm.s32 @!p0 $0x108  }
0x21: {  	s3 =	sadd.s32 s3, s9;
	s6 =	sadd.s32 @!p0 $0x88, s6;
	s7 =	simm.s32 @p2 $0x1082  }
0x22: {  	[simem:s7], [sflag:s8] =	dma.local @!p0 [hbm:s6], $0xF7A  }
0x23: {  	s9 =	sor.u32 $0xD0000000, s2;
	s6 =	simm.s32 $0x108;
	_ =	swait.ge @!p0 [sflag:s8], $0x0  }
0x24: {  	s3 =	sadd.s32 $0x88, s3;
	s6 =	simm.s32 @!p1 $0x1082;
	[sflag:s4] =	ssyncset.s32 $0xFFFFF086  }
0x25: {  	[simem:s6], [sflag:s4] =	dma.local [hbm:s3], $0xF7A  }
0x26: {  	[smem:$0x3F9A] =	sst s1;
	(tag) =	ssettag s2;
	_ =	strace s9  }
0x27: {  	s1 =	sld [smem:$0x3FAA]  }
0x28: {  	s2 =	sld [smem:$0x3FAB]  }
0x29: {  	s4 =	sld [smem:$0x3FAD]  }
0x2a: {  	p0 =	seq.s32 s5, $0x0;
	s5 =	sld [smem:$0x3FAE]  }
0x2b: {  	s6 =	sld [smem:$0x3FAF]  }
0x2c: {  	s7 =	sld [smem:$0x3FB0]  }
0x2d: {  	s3 =	simm.s32 $0x108;
	s8 =	sld [smem:$0x3FB1]  }
0x2e: {  	s3 =	simm.s32 @!p0 $0x1082;
	s9 =	sld [smem:$0x3FB2]  }
0x2f: {  	lr =	sadd.s32 s0, s3;
	s0 =	sld [smem:$0x3FA9]  }
0x30: {  	s3 =	sld [smem:$0x3FAC]  }
0x31: {  	[smem:$0x3FB5] =	sst s10  }
0x32: {  	s10 =	sld [smem:$0x3FB3];
	_ =	sdelay $0x3  }
0x33: {  	p0 =	seq.s32 s10, $0x1;
	s10 =	sld [smem:$0x3FB5];
	_ =	sdelay $0x3  }
0x34: {  	[smem:$0x3FB5] =	sst s10  }
0x35: {  	s10 =	sld [smem:$0x3FB4];
	_ =	sdelay $0x3  }
0x36: {  	p1 =	seq.s32 s10, $0x1;
	s10 =	sld [smem:$0x3FB5];
	_ =	sdelay $0x3  }
0x37: {  	[smem:$0x3FB5] =	sst s10  }
0x38: {  	s10 =	sld [smem:$0x3FB6]  }
0x39: {  	_ = 	snop;
	(pc) =	sbr.ind lr, $3  }
0x3a: {  	_ = 	snop  }
0x3b: {  	_ = 	snop  }
0x3c: {  	p2 =	seq.s32 s10, $0x1;
	s10 =	sld [smem:$0x3FB5]  }
0x3d: {  	_ =	shalt  }
0x3e: {  	_ =	shalt  }
0x3f: {  	_ =	shalt  }
0x40: {  	_ =	shalt  }
0x41: {  	_ =	shalt  }
0x42: {  	_ =	shalt  }
0x43: {  	_ =	shalt  }
0x44: {  	_ =	shalt  }
0x45: {  	_ =	shalt  }
0x46: {  	_ =	shalt  }
0x47: {  	_ =	shalt  }
0x48: {  	_ =	shalt  }
0x49: {  	_ =	shalt  }
0x4a: {  	_ =	shalt  }
0x4b: {  	_ =	shalt  }
0x4c: {  	_ =	shalt  }
0x4d: {  	_ =	shalt  }
0x4e: {  	_ =	shalt  }
0x4f: {  	_ =	shalt  }
0x50: {  	_ =	shalt  }
0x51: {  	_ =	shalt  }
0x52: {  	_ =	shalt  }
0x53: {  	_ =	shalt  }
0x54: {  	_ =	shalt  }
0x55: {  	_ =	shalt  }
0x56: {  	_ =	shalt  }
0x57: {  	_ =	shalt  }
0x58: {  	_ =	shalt  }
0x59: {  	_ =	shalt  }
0x5a: {  	_ =	shalt  }
0x5b: {  	_ =	shalt  }
0x5c: {  	_ =	shalt  }
0x5d: {  	_ =	shalt  }
0x5e: {  	_ =	shalt  }
0x5f: {  	_ =	shalt  }
0x60: {  	_ =	shalt  }
0x61: {  	_ =	shalt  }
0x62: {  	_ =	shalt  }
0x63: {  	_ =	shalt  }
0x64: {  	_ =	shalt  }
0x65: {  	_ =	shalt  }
0x66: {  	_ =	shalt  }
0x67: {  	_ =	shalt  }
0x68: {  	_ =	shalt  }
0x69: {  	_ =	shalt  }
0x6a: {  	_ =	shalt  }
0x6b: {  	_ =	shalt  }
0x6c: {  	_ =	shalt  }
0x6d: {  	_ =	shalt  }
0x6e: {  	_ =	shalt  }
0x6f: {  	_ =	shalt  }
0x70: {  	_ =	shalt  }
0x71: {  	_ =	shalt  }
0x72: {  	_ =	shalt  }
0x73: {  	_ =	shalt  }
0x74: {  	_ =	shalt  }
0x75: {  	_ =	shalt  }
0x76: {  	_ =	shalt  }
0x77: {  	_ =	shalt  }
0x78: {  	_ =	shalt  }
0x79: {  	_ =	shalt  }
0x7a: {  	_ =	shalt  }
0x7b: {  	_ =	shalt  }
0x7c: {  	_ =	shalt  }
0x7d: {  	_ =	shalt  }
0x7e: {  	_ =	shalt  }
0x7f: {  	_ =	shalt  }
0x80: {  	_ =	shalt  }
0x81: {  	_ =	shalt  }
0x82: {  	_ =	shalt  }
0x83: {  	_ =	shalt  }
0x84: {  	_ =	shalt  }
0x85: {  	_ =	shalt  }
0x86: {  	_ =	shalt  }
0x87: {  	_ =	shalt  }
.Lfunc_end0:
.L_simem_size_0:
called_computation_lowered:
.L_overlay_start_0:
0x88: {  	s2 =	sld [smem:$0x3FD9]  }
0x89: {  	s3 =	sld [smem:$0x3FFE];
	_ =	sdelay $0x1  }
0x8a: {  	s1 =	srdreg.scid  }
0x8b: {  	s0 =	sand.u32 $0x1, s1  }
0x8c: {  	s17 =	sshll.u32 s0, $0xA;
	s2 =	sadd.s32 s3, s2  }
0x8d: {  	s2 =	sadd.s32 s2, s17  }
0x8e: {  	[smem:$0x3FC1] =	sst s2  }
0x8f: {  	_ = 	snop  }
0x90: {  	s2 =	sld [smem:$0x3FC7]  }
0x91: {  	s18 =	sld [smem:$0x3FD0];
	(tm) =	ssettm $0x1  }
0x92: {  	s4 =	sld [smem:$0x3FFB];
	_ =	sdelay $0x3  }
0x93: {  	_ =	strace s4  }
0x94: {  	s4 =	sld [smem:$0x3FFC];
	_ =	sdelay $0x3  }
0x95: {  	_ =	strace s4  }
0x96: {  	s4 =	sld [smem:$0x3FFD];
	_ =	sdelay $0x3  }
0x97: {  	_ =	strace s4  }
0x98: {  	_ =	strace $0x8FFFFFFF  }
0x99: {  	s19 =	sld [smem:$0x3FDB];
	_ =	sdelay $0x1  }
0x9a: {  	s5 =	simm.s32 $_scs_section_size  }
0x9b: {  	s6 =	simm.s32 $_size__tile_overlayer_lowered;
	s7 =	simm.s32 $_tile_overlayer_lowered  }
0x9c: {  	s22 =	simm.s32 $0x1BFF;
	s21 =	sshll.u32 s7, $0x1;
	s4 =	sadd.s32 s5, s19  }
0x9d: {  	s8 =	simm.s32 $0x0;
	s20 =	sshll.u32 s6, $0x1;
	s6 =	sadd.s32 s21, s4  }
0x9e: {  	[timem:s8], [sflag:s22] =	dma.local [hbm:s6], s20  }
0x9f: {  	_ =	swait.ge [sflag:s22], s20  }
0xa0: {  	s5 =	ssub.s32 $0x0, s20;
	[sflag:s22] =	ssyncset.done $0x0  }
0xa1: {  	[sflag:s22] =	ssyncadd.s32 s5;
	_ =	sdelay $0x1  }
0xa2: {  	s23 =	simm.s32 $0x1B8B  }
0xa3: {  	_ =	swait.ge [sflag:s23], $0x1  }
0xa4: {  	[sflag:s23] =	ssyncset.done $0x0  }
0xa5: {  	s25 =	simm.s32 $0x1B8E;
	s24 =	sld [smem:$0x3FFE];
	[sflag:s23] =	ssyncadd.s32 $0xFFFFFFFF  }
0xa6: {  	s26 =	simm.s32 $execute0_lowered;
	[smem:$0x3FD2] =	sst s25  }
0xa7: {  	s6 =	sshll.u32 s26, $0x1;
	_ =	strace $0x80000046;
	[dreg:$0x1] =	wrdreg $0xFFFFFFFF  }
0xa8: {  	s28 =	simm.s32 $_size_execute0_lowered;
	s4 =	sadd.s32 s4, s6;
	[dreg:$0x0] =	wrdreg $0x0  }
0xa9: {  	s6 =	sshll.u32 s28, $0x1;
	[dreg:$0x2] =	wrdreg s4  }
0xaa: {  	[dreg:$0x3] =	wrdreg s6  }
0xab: {  	[dreg:$0x4] =	wrdreg $0xC0  }
0xac: {  	_ =	task [dreg:s8], $0x5FFFF  }
0xad: {  	[dreg:$0x1] =	wrdreg $0xFFFFFFFF  }
0xae: {  	[dreg:$0x0] =	wrdreg $0x60  }
0xaf: {  	[dreg:$0x2] =	wrdreg s18  }
0xb0: {  	[dreg:$0x3] =	wrdreg s2  }
0xb1: {  	[dreg:$0x4] =	wrdreg s24  }
0xb2: {  	[dreg:$0x5] =	wrdreg $0x9  }
0xb3: {  	_ =	task.clear_ibuf [dreg:s8], $0x6FFFF;
	_ =	strace $0x90000046  }
0xb4: {  	s29 =	simm.s32 $0x9;
	_ =	strace $0x80000048  }
0xb5: {  	_ =	swait.ge [sflag:s29], $0x1  }
0xb6: {  	[sflag:s29] =	ssyncadd.s32 $0xFFFFFFFF  }
0xb7: {  	_ =	strace $0x90000048  }
0xb8: {  	_ =	sfence  }
0xb9: {  	s30 =	sld [smem:$0x0];
	_ =	sdelay $0x2  }
0xba: {  	s31 =	sshll.u32 s1, $0xD;
	s1 =	sshrl.u32 s1, $0x2  }
0xbb: {  	s3 =	sand.u32 $0x4000, s31;
	s1 =	sadd.s32 s1, s30  }
0xbc: {  	s0 =	sor.u32 s3, s0;
	s1 =	sshll.u32 s1, $0x11  }
0xbd: {  	s0 =	sor.u32 s1, s0  }
0xbe: {  	s0 =	sadd.s32 $0x8F2B, s0  }
0xbf: {  	[sflag:s0] =	ssyncadd.remote.s32 $0x1  }
0xc0: {  	_ =	sfence.sel $0xFFFF  }
0xc1: {  	[dreg:$0x0] =	wrdreg $0xFFFFFFFF;
	(pc) =	sbr.abs _section_cstart, $3  }
0xc2: {  	[dreg:$0x1] =	wrdreg $0xFFFFFFFF  }
0xc3: {  	_ =	task.clear_ibuf [dreg:s8], $0x2FFFF;
	_ =	strace $0x9FFFFFFF  }
0xc4: {  	(tm) =	ssettm $0x7FFFFFFF  }
0xc5: {  	_ =	shalt  }
tec
execute0_lowered:
.L_overlay_start_1:
0x0: {  	(tag) =	ssettag $0x1  }
0x1: {  	s0 =	rddreg [dreg:$0x0]  }
0x2: {  	s1 =	rddreg [dreg:$0x1]  }
0x3: {  	s2 =	rddreg [dreg:$0x2];
	s3 =	simm.s32 $0x0;
	s4 =	srdreg.scid  }
0x4: {  	s5 =	stileid.u32;
	s9 =	simm.s32 $0x1;
	s11 =	simm.s32 $0x2  }
0x5: {  	s12 =	simm.s32 $0x1B480;
	s13 =	simm.s32 $0x400;
	[smem:$0x7FF] =	sst s3  }
0x6: {  	s4 =	sand.u32 $0x1, s4;
	s5 =	sshll.u32 s5, $0x1;
	s8 =	sadd.s32 $0x200, s1  }
.Ltmp0:
0x7: {  	s6 =	ssub.s32 $0x2, s4;
	s5 =	sor.u32 s4, s5;
	(pc) =	sbr.rel .LBB2_1-.Ltmp0, $4  }
0x8: {  	v3 =	vlaneseq.u32;
	_ =	strace $0x80000047;
	s30 =	sshrl.u32 s6, $0x1;
	s7 =	sshll.u32 s5, $0x7  }
0x9: {  	vm0 =	vmmov $0xffff;
	v2 =	vshrl.u32 v3, $0x3;
	v1 =	vmul.u32 $0x4, v3;
	s4 =	sadd.s32 $0xE00, s2;
	s2 =	ssub.s32 s6, s30;
	s0 =	sadd.s32 s0, s7  }
0xa: {  	v0 =	vand.u32 $0x7, v3;
	v3 =	vor.u32 $0x8, v3;
	v2 =	vmul.u32 $0x8, v2;
	s5 =	sshll.u32 s5, $0x8;
	[dreg:$0x4] =	wrdreg s0;
	s31 =	smax.u32 s2, $0x1  }
0xb: {  	v4 =	vor.u32 $0x1, v1;
	v5 =	vor.u32 $0x2, v1;
	v6 =	vor.u32 $0x3, v1;
	s7 =	sadd.s32 $0x100, s1;
	s6 =	simm.s32 $0x0;
	[dreg:$0x5] =	wrdreg s31  }
.LBB2_21:
0xc: {  	s0 =	simm.s32 $0x3  }
0xd: {  	_ =	swait.ge [sflag:s0], $0x3000  }
0xe: {  	[sflag:s0] =	ssyncset.done $0x0  }
0xf: {  	s2 =	simm.s32 $0x4;
	[sflag:s0] =	ssyncadd.s32 $0xFFFFD000  }
0x10: {  	_ =	swait.ge [sflag:s2], $0x3000  }
0x11: {  	s6 =	rddreg [dreg:$0x6]  }
0x12: {  	s31 =	rddreg [dreg:$0x5];
	s6 =	sadd.s32 $0x1, s6  }
0x13: {  	p0 =	sne.s32 s6, s31  }
.Ltmp1:
0x14: {  	_ = 	snop;
	(pc) =	sbr.rel @!p0 .LBB2_22-.Ltmp1, $3  }
0x15: {  	_ =	sdelay $0x1  }
0x16: {  	[sflag:s2] =	ssyncset.done $0x0  }
0x17: {  	[sflag:s2] =	ssyncadd.s32 $0xFFFFD000  }
.LBB2_1:
0x18: {  	[dreg:$0x6] =	wrdreg s6  }
0x19: {  	s0 =	rddreg [dreg:$0x4];
	s26 =	simm.s32 $0x5  }
0x1a: {  	[tilespmem:s3], [sflag:$0x5] =	stream.linear.gather [hbm4b:s0+s3], $0x400, $0x38;
	[tilespmem:$0x1E480] =	vst v63  }
0x1b: {  	_ =	swait.ge [sflag:s26], $0x400  }
0x1c: {  	[sflag:s26] =	ssyncset.done $0x0  }
0x1d: {  	[sflag:s26] =	ssyncadd.s32 $0xFFFFFC00  }
0x1e: {  	v7 =	vld [tilespmem:$0x0];
	_ =	sdelay $0x4  }
0x1f: {  	v8 =	vshrl.u32 v7, $0x3  }
0x20: {  	v8 =	vmul.u32 $0x30, v8  }
0x21: {  	v7 =	vand.u32 $0x7, v7  }
0x22: {  	v7 =	vor.u32 v7, v8  }
0x23: {  	v8 =	vperm.xlane v7, v0;
	_ =	sdelay $0x1  }
0x24: {  	v8 =	vadd.s32 v2, v8;
	_ =	sdelay $0x3  }
0x25: {  	s28 =	simm.s32 $0x480;
	v7 =	vperm.xlane v7, v3  }
0x26: {  	[tilespmem:s28], [sflag:$0x1] =	stream.indirect_vreg.gather [hbm4b:s1+s3], $0x80, v8, vm0, $0xb8;
	[tilespmem:$0x1E480] =	vst v63  }
0x27: {  	s29 =	simm.s32 $0xC80;
	v7 =	vadd.s32 v2, v7  }
0x28: {  	[tilespmem:s29], [sflag:$0x1] =	stream.indirect_vreg.gather [hbm4b:s7+s3], $0x80, v8, vm0, $0xb8;
	[tilespmem:$0x1E480] =	vst v63  }
0x29: {  	s30 =	simm.s32 $0x1480  }
0x2a: {  	[tilespmem:s30], [sflag:$0x1] =	stream.indirect_vreg.gather [hbm4b:s8+s3], $0x80, v8, vm0, $0xb8;
	[tilespmem:$0x1E480] =	vst v63  }
0x2b: {  	s31 =	simm.s32 $0x1C80  }
0x2c: {  	[tilespmem:s31], [sflag:$0x1] =	stream.indirect_vreg.gather [hbm4b:s1+s3], $0x80, v7, vm0, $0xb8;
	[tilespmem:$0x1E480] =	vst v63  }
0x2d: {  	s2 =	simm.s32 $0x2480  }
0x2e: {  	[tilespmem:s2], [sflag:$0x1] =	stream.indirect_vreg.gather [hbm4b:s7+s3], $0x80, v7, vm0, $0xb8;
	[tilespmem:$0x1E480] =	vst v63  }
0x2f: {  	s6 =	simm.s32 $0x2C80  }
0x30: {  	[tilespmem:s6], [sflag:$0x1] =	stream.indirect_vreg.gather [hbm4b:s8+s3], $0x80, v7, vm0, $0xb8;
	[tilespmem:$0x1E480] =	vst v63  }
0x31: {  	v7 =	vld [tilespmem:$0x10];
	_ =	sdelay $0x4  }
0x32: {  	v8 =	vshrl.u32 v7, $0x3  }
0x33: {  	v8 =	vmul.u32 $0x30, v8  }
0x34: {  	v7 =	vand.u32 $0x7, v7  }
0x35: {  	v7 =	vor.u32 v7, v8  }
0x36: {  	v8 =	vperm.xlane v7, v0;
	_ =	sdelay $0x1  }
0x37: {  	v8 =	vadd.s32 v2, v8;
	_ =	sdelay $0x3  }
0x38: {  	s10 =	simm.s32 $0x3480;
	v7 =	vperm.xlane v7, v3  }
0x39: {  	[tilespmem:s10], [sflag:$0x1] =	stream.indirect_vreg.gather [hbm4b:s1+s3], $0x80, v8, vm0, $0xb8;
	[tilespmem:$0x1E480] =	vst v63  }
0x3a: {  	s14 =	simm.s32 $0x3C80;
	v7 =	vadd.s32 v2, v7  }
0x3b: {  	[tilespmem:s14], [sflag:$0x1] =	stream.indirect_vreg.gather [hbm4b:s7+s3], $0x80, v8, vm0, $0xb8;
	[tilespmem:$0x1E480] =	vst v63  }
0x3c: {  	s15 =	simm.s32 $0x4480  }
0x3d: {  	[tilespmem:s15], [sflag:$0x1] =	stream.indirect_vreg.gather [hbm4b:s8+s3], $0x80, v8, vm0, $0xb8;
	[tilespmem:$0x1E480] =	vst v63  }
0x3e: {  	s16 =	simm.s32 $0x4C80  }
0x3f: {  	[tilespmem:s16], [sflag:$0x1] =	stream.indirect_vreg.gather [hbm4b:s1+s3], $0x80, v7, vm0, $0xb8;
	[tilespmem:$0x1E480] =	vst v63  }
0x40: {  	s17 =	simm.s32 $0x5480  }
0x41: {  	[tilespmem:s17], [sflag:$0x1] =	stream.indirect_vreg.gather [hbm4b:s7+s3], $0x80, v7, vm0, $0xb8;
	[tilespmem:$0x1E480] =	vst v63  }
0x42: {  	s18 =	simm.s32 $0x5C80  }
0x43: {  	[tilespmem:s18], [sflag:$0x1] =	stream.indirect_vreg.gather [hbm4b:s8+s3], $0x80, v7, vm0, $0xb8;
	[tilespmem:$0x1E480] =	vst v63  }
0x44: {  	v7 =	vld [tilespmem:$0x20];
	_ =	sdelay $0x4  }
0x45: {  	v8 =	vshrl.u32 v7, $0x3  }
0x46: {  	v8 =	vmul.u32 $0x30, v8  }
0x47: {  	v7 =	vand.u32 $0x7, v7  }
0x48: {  	v7 =	vor.u32 v7, v8  }
0x49: {  	v8 =	vperm.xlane v7, v0;
	_ =	sdelay $0x1  }
0x4a: {  	v8 =	vadd.s32 v2, v8;
	_ =	sdelay $0x3  }
0x4b: {  	s19 =	simm.s32 $0x6480;
	v7 =	vperm.xlane v7, v3  }
0x4c: {  	[tilespmem:s19], [sflag:$0x1] =	stream.indirect_vreg.gather [hbm4b:s1+s3], $0x80, v8, vm0, $0xb8;
	[tilespmem:$0x1E480] =	vst v63  }
0x4d: {  	s20 =	simm.s32 $0x6C80;
	v7 =	vadd.s32 v2, v7  }
0x4e: {  	[tilespmem:s20], [sflag:$0x1] =	stream.indirect_vreg.gather [hbm4b:s7+s3], $0x80, v8, vm0, $0xb8;
	[tilespmem:$0x1E480] =	vst v63  }
0x4f: {  	s21 =	simm.s32 $0x7480  }
0x50: {  	[tilespmem:s21], [sflag:$0x1] =	stream.indirect_vreg.gather [hbm4b:s8+s3], $0x80, v8, vm0, $0xb8;
	[tilespmem:$0x1E480] =	vst v63  }
0x51: {  	s22 =	simm.s32 $0x7C80  }
0x52: {  	[tilespmem:s22], [sflag:$0x1] =	stream.indirect_vreg.gather [hbm4b:s1+s3], $0x80, v7, vm0, $0xb8;
	[tilespmem:$0x1E480] =	vst v63  }
0x53: {  	s23 =	simm.s32 $0x8480  }
0x54: {  	[tilespmem:s23], [sflag:$0x1] =	stream.indirect_vreg.gather [hbm4b:s7+s3], $0x80, v7, vm0, $0xb8;
	[tilespmem:$0x1E480] =	vst v63  }
0x55: {  	s24 =	simm.s32 $0x8C80  }
0x56: {  	[tilespmem:s24], [sflag:$0x1] =	stream.indirect_vreg.gather [hbm4b:s8+s3], $0x80, v7, vm0, $0xb8;
	[tilespmem:$0x1E480] =	vst v63  }
0x57: {  	v7 =	vld [tilespmem:$0x30];
	_ =	sdelay $0x4  }
0x58: {  	v8 =	vshrl.u32 v7, $0x3  }
0x59: {  	v8 =	vmul.u32 $0x30, v8  }
0x5a: {  	v7 =	vand.u32 $0x7, v7  }
0x5b: {  	v7 =	vor.u32 v7, v8  }
0x5c: {  	v8 =	vperm.xlane v7, v0;
	_ =	sdelay $0x1  }
0x5d: {  	v8 =	vadd.s32 v2, v8;
	_ =	sdelay $0x3  }
0x5e: {  	s25 =	simm.s32 $0x9480;
	v7 =	vperm.xlane v7, v3  }
0x5f: {  	[tilespmem:s25], [sflag:$0x1] =	stream.indirect_vreg.gather [hbm4b:s1+s3], $0x80, v8, vm0, $0xb8;
	[tilespmem:$0x1E480] =	vst v63  }
0x60: {  	s26 =	simm.s32 $0x9C80;
	v7 =	vadd.s32 v2, v7  }
0x61: {  	[tilespmem:s26], [sflag:$0x1] =	stream.indirect_vreg.gather [hbm4b:s7+s3], $0x80, v8, vm0, $0xb8;
	[tilespmem:$0x1E480] =	vst v63  }
0x62: {  	s28 =	simm.s32 $0xA480  }
0x63: {  	[tilespmem:s28], [sflag:$0x1] =	stream.indirect_vreg.gather [hbm4b:s8+s3], $0x80, v8, vm0, $0xb8;
	[tilespmem:$0x1E480] =	vst v63  }
0x64: {  	s29 =	simm.s32 $0xAC80  }
0x65: {  	[tilespmem:s29], [sflag:$0x1] =	stream.indirect_vreg.gather [hbm4b:s1+s3], $0x80, v7, vm0, $0xb8;
	[tilespmem:$0x1E480] =	vst v63  }
.Ltmp2:
0x66: {  	_ = 	snop;
	(pc) =	sbr.rel .LBB2_2-.Ltmp2, $4  }
0x67: {  	s30 =	simm.s32 $0xB480  }
0x68: {  	[tilespmem:s30], [sflag:$0x1] =	stream.indirect_vreg.gather [hbm4b:s7+s3], $0x80, v7, vm0, $0xb8;
	[tilespmem:$0x1E480] =	vst v63  }
0x69: {  	s31 =	simm.s32 $0xBC80;
	s14 =	simm.s32 $0x0  }
0x6a: {  	[tilespmem:s31], [sflag:$0x1] =	stream.indirect_vreg.gather [hbm4b:s8+s3], $0x80, v7, vm0, $0xb8;
	[tilespmem:$0x1E480] =	vst v63  }
.LBB2_20:
0x6b: {  	s0 =	sshll.u32 s15, $0x4;
	s14 =	sadd.s32 $0x1, s14  }
0x6c: {  	s0 =	sadd.s32 s5, s0;
	p0 =	sne.s32 s14, $0x8  }
.Ltmp3:
0x6d: {  	s0 =	sshrl.u32 s0, $0x3;
	(pc) =	sbr.rel @!p0 .LBB2_21-.Ltmp3, $3  }
0x6e: {  	s0 =	smul.u32 $0x300, s0;
	_ =	sdelay $0x1  }
0x6f: {  	s0 =	sadd.s32 s4, s0  }
0x70: {  	[hbm4b:s0+s3] =	stream.linear.scatter [tilespmem:s12], [sflag:$0x4], $0x3000, $0x38;
	[tilespmem:$0x1E480] =	vst v63  }
.LBB2_2:
0x71: {  	s15 =	sshllo.u32 s14, $0x1  }
0x72: {  	s16 =	sshll.u32 s15, $0x6  }
0x73: {  	v7 =	vld [tilespmem:s16+$0x0];
	_ =	sdelay $0x4  }
0x74: {  	v8 =	vshrl.u32 v7, $0x3  }
0x75: {  	v8 =	vmul.u32 $0x30, v8  }
0x76: {  	v7 =	vand.u32 $0x7, v7  }
0x77: {  	v7 =	vor.u32 v7, v8  }
0x78: {  	v8 =	vperm.xlane v7, v0;
	_ =	sdelay $0x1  }
0x79: {  	v8 =	vadd.s32 v2, v8;
	_ =	sdelay $0x3  }
0x7a: {  	s0 =	simm.s32 $0xC480;
	v7 =	vperm.xlane v7, v3  }
0x7b: {  	[tilespmem:s0], [sflag:$0x2] =	stream.indirect_vreg.gather [hbm4b:s1+s3], $0x80, v8, vm0, $0xb8;
	[tilespmem:$0x1E480] =	vst v63  }
0x7c: {  	s24 =	simm.s32 $0xCC80;
	v7 =	vadd.s32 v2, v7  }
0x7d: {  	[tilespmem:s24], [sflag:$0x2] =	stream.indirect_vreg.gather [hbm4b:s7+s3], $0x80, v8, vm0, $0xb8;
	[tilespmem:$0x1E480] =	vst v63  }
0x7e: {  	s25 =	simm.s32 $0xD480  }
0x7f: {  	[tilespmem:s25], [sflag:$0x2] =	stream.indirect_vreg.gather [hbm4b:s8+s3], $0x80, v8, vm0, $0xb8;
	[tilespmem:$0x1E480] =	vst v63  }
0x80: {  	s26 =	simm.s32 $0xDC80  }
0x81: {  	[tilespmem:s26], [sflag:$0x2] =	stream.indirect_vreg.gather [hbm4b:s1+s3], $0x80, v7, vm0, $0xb8;
	[tilespmem:$0x1E480] =	vst v63  }
0x82: {  	s28 =	simm.s32 $0xE480  }
0x83: {  	[tilespmem:s28], [sflag:$0x2] =	stream.indirect_vreg.gather [hbm4b:s7+s3], $0x80, v7, vm0, $0xb8;
	[tilespmem:$0x1E480] =	vst v63  }
0x84: {  	s29 =	simm.s32 $0xEC80  }
0x85: {  	[tilespmem:s29], [sflag:$0x2] =	stream.indirect_vreg.gather [hbm4b:s8+s3], $0x80, v7, vm0, $0xb8;
	[tilespmem:$0x1E480] =	vst v63  }
0x86: {  	v7 =	vld [tilespmem:s16+$0x10];
	_ =	sdelay $0x4  }
0x87: {  	v8 =	vshrl.u32 v7, $0x3  }
0x88: {  	v8 =	vmul.u32 $0x30, v8  }
0x89: {  	v7 =	vand.u32 $0x7, v7  }
0x8a: {  	v7 =	vor.u32 v7, v8  }
0x8b: {  	v8 =	vperm.xlane v7, v0;
	_ =	sdelay $0x1  }
0x8c: {  	v8 =	vadd.s32 v2, v8;
	_ =	sdelay $0x3  }
0x8d: {  	s30 =	simm.s32 $0xF480;
	v7 =	vperm.xlane v7, v3  }
0x8e: {  	[tilespmem:s30], [sflag:$0x2] =	stream.indirect_vreg.gather [hbm4b:s1+s3], $0x80, v8, vm0, $0xb8;
	[tilespmem:$0x1E480] =	vst v63  }
0x8f: {  	s31 =	simm.s32 $0xFC80;
	v7 =	vadd.s32 v2, v7  }
0x90: {  	[tilespmem:s31], [sflag:$0x2] =	stream.indirect_vreg.gather [hbm4b:s7+s3], $0x80, v8, vm0, $0xb8;
	[tilespmem:$0x1E480] =	vst v63  }
0x91: {  	s2 =	simm.s32 $0x10480  }
0x92: {  	[tilespmem:s2], [sflag:$0x2] =	stream.indirect_vreg.gather [hbm4b:s8+s3], $0x80, v8, vm0, $0xb8;
	[tilespmem:$0x1E480] =	vst v63  }
0x93: {  	s6 =	simm.s32 $0x10C80  }
0x94: {  	[tilespmem:s6], [sflag:$0x2] =	stream.indirect_vreg.gather [hbm4b:s1+s3], $0x80, v7, vm0, $0xb8;
	[tilespmem:$0x1E480] =	vst v63  }
0x95: {  	s10 =	simm.s32 $0x11480  }
0x96: {  	[tilespmem:s10], [sflag:$0x2] =	stream.indirect_vreg.gather [hbm4b:s7+s3], $0x80, v7, vm0, $0xb8;
	[tilespmem:$0x1E480] =	vst v63  }
0x97: {  	s17 =	simm.s32 $0x11C80  }
0x98: {  	[tilespmem:s17], [sflag:$0x2] =	stream.indirect_vreg.gather [hbm4b:s8+s3], $0x80, v7, vm0, $0xb8;
	[tilespmem:$0x1E480] =	vst v63  }
0x99: {  	v7 =	vld [tilespmem:s16+$0x20];
	_ =	sdelay $0x4  }
0x9a: {  	v8 =	vshrl.u32 v7, $0x3  }
0x9b: {  	v8 =	vmul.u32 $0x30, v8  }
0x9c: {  	v7 =	vand.u32 $0x7, v7  }
0x9d: {  	v7 =	vor.u32 v7, v8  }
0x9e: {  	v8 =	vperm.xlane v7, v0;
	_ =	sdelay $0x1  }
0x9f: {  	v8 =	vadd.s32 v2, v8;
	_ =	sdelay $0x3  }
0xa0: {  	s18 =	simm.s32 $0x12480;
	v7 =	vperm.xlane v7, v3  }
0xa1: {  	[tilespmem:s18], [sflag:$0x2] =	stream.indirect_vreg.gather [hbm4b:s1+s3], $0x80, v8, vm0, $0xb8;
	[tilespmem:$0x1E480] =	vst v63  }
0xa2: {  	s19 =	simm.s32 $0x12C80;
	v7 =	vadd.s32 v2, v7  }
0xa3: {  	[tilespmem:s19], [sflag:$0x2] =	stream.indirect_vreg.gather [hbm4b:s7+s3], $0x80, v8, vm0, $0xb8;
	[tilespmem:$0x1E480] =	vst v63  }
0xa4: {  	s20 =	simm.s32 $0x13480  }
0xa5: {  	[tilespmem:s20], [sflag:$0x2] =	stream.indirect_vreg.gather [hbm4b:s8+s3], $0x80, v8, vm0, $0xb8;
	[tilespmem:$0x1E480] =	vst v63  }
0xa6: {  	s21 =	simm.s32 $0x13C80  }
0xa7: {  	[tilespmem:s21], [sflag:$0x2] =	stream.indirect_vreg.gather [hbm4b:s1+s3], $0x80, v7, vm0, $0xb8;
	[tilespmem:$0x1E480] =	vst v63  }
0xa8: {  	s22 =	simm.s32 $0x14480  }
0xa9: {  	[tilespmem:s22], [sflag:$0x2] =	stream.indirect_vreg.gather [hbm4b:s7+s3], $0x80, v7, vm0, $0xb8;
	[tilespmem:$0x1E480] =	vst v63  }
0xaa: {  	s23 =	simm.s32 $0x14C80  }
0xab: {  	[tilespmem:s23], [sflag:$0x2] =	stream.indirect_vreg.gather [hbm4b:s8+s3], $0x80, v7, vm0, $0xb8;
	[tilespmem:$0x1E480] =	vst v63  }
0xac: {  	v7 =	vld [tilespmem:s16+$0x30];
	_ =	sdelay $0x4  }
0xad: {  	v8 =	vshrl.u32 v7, $0x3  }
0xae: {  	v8 =	vmul.u32 $0x30, v8  }
0xaf: {  	v7 =	vand.u32 $0x7, v7  }
0xb0: {  	v7 =	vor.u32 v7, v8  }
0xb1: {  	v8 =	vperm.xlane v7, v0;
	_ =	sdelay $0x1  }
0xb2: {  	v8 =	vadd.s32 v2, v8;
	_ =	sdelay $0x3  }
0xb3: {  	s24 =	simm.s32 $0x15480;
	v7 =	vperm.xlane v7, v3  }
0xb4: {  	[tilespmem:s24], [sflag:$0x2] =	stream.indirect_vreg.gather [hbm4b:s1+s3], $0x80, v8, vm0, $0xb8;
	[tilespmem:$0x1E480] =	vst v63  }
0xb5: {  	s25 =	simm.s32 $0x15C80;
	v7 =	vadd.s32 v2, v7  }
0xb6: {  	[tilespmem:s25], [sflag:$0x2] =	stream.indirect_vreg.gather [hbm4b:s7+s3], $0x80, v8, vm0, $0xb8;
	[tilespmem:$0x1E480] =	vst v63  }
0xb7: {  	s26 =	simm.s32 $0x16480  }
0xb8: {  	[tilespmem:s26], [sflag:$0x2] =	stream.indirect_vreg.gather [hbm4b:s8+s3], $0x80, v8, vm0, $0xb8;
	[tilespmem:$0x1E480] =	vst v63  }
0xb9: {  	s28 =	simm.s32 $0x16C80  }
0xba: {  	[tilespmem:s28], [sflag:$0x2] =	stream.indirect_vreg.gather [hbm4b:s1+s3], $0x80, v7, vm0, $0xb8;
	[tilespmem:$0x1E480] =	vst v63  }
0xbb: {  	s29 =	simm.s32 $0x17480  }
0xbc: {  	[tilespmem:s29], [sflag:$0x2] =	stream.indirect_vreg.gather [hbm4b:s7+s3], $0x80, v7, vm0, $0xb8;
	[tilespmem:$0x1E480] =	vst v63  }
0xbd: {  	s30 =	simm.s32 $0x17C80  }
0xbe: {  	[tilespmem:s30], [sflag:$0x2] =	stream.indirect_vreg.gather [hbm4b:s8+s3], $0x80, v7, vm0, $0xb8;
	[tilespmem:$0x1E480] =	vst v63  }
0xbf: {  	_ =	swait.ge [sflag:s9], $0xC000  }
0xc0: {  	s31 =	sshll.u32 s14, $0x7;
	[sflag:s9] =	ssyncset.done $0x0  }
0xc1: {  	s17 =	sand.u32 $0x3FFFFF80, s31;
	[sflag:s9] =	ssyncadd.s32 $0xFFFF4000  }
0xc2: {  	v10 =	vld [tilespmem:s17+$0x0]  }
0xc3: {  	v9 =	vld [tilespmem:s17+$0x10];
	_ =	sdelay $0x1  }
0xc4: {  	v8 =	vld [tilespmem:s17+$0x20];
	_ =	sdelay $0x1  }
0xc5: {  	v7 =	vld [tilespmem:s17+$0x30]  }
0xc6: {  	vm1 =	vlt.s32 v10, v9  }
0xc7: {  	v11 =	vsel vm1, v10, v9  }
0xc8: {  	vm1 =	vlt.s32 v11, v8  }
0xc9: {  	v11 =	vsel vm1, v11, v8  }
0xca: {  	p0 =	seq.s32 s14, $0x0;
	vm1 =	vlt.s32 v11, v7  }
0xcb: {  	s0 =	simm.s32 @!p0 $0x3;
	v11 =	vsel vm1, v11, v7  }
0xcc: {  	_ =	swait.ge @!p0 [sflag:s0], $0x3000;
	v11 =	vxor.u32 $0x80000000, v11  }
0xcd: {  	(xrf0) =	vmin.scan.msk.u32 $0xffff, v11;
	_ =	sdelay $0x5  }
0xce: {  	v11, _, _ =	vpop (xrf0)  }
0xcf: {  	(v2sf) =	vpush v11, $0xF;
	_ =	sdelay $0xe  }
0xd0: {  	s2 =	spop (v2sf)  }
0xd1: {  	p1 =	slt.u32 s2, $0x80000001  }
.Ltmp4:
0xd2: {  	_ = 	snop;
	(pc) =	sbr.rel @p1 .LBB2_6-.Ltmp4, $3  }
0xd3: {  	_ =	sdelay $0x1  }
0xd4: {  	[sflag:s0] =	ssyncset.done @!p0 $0x0  }
0xd5: {  	[sflag:s0] =	ssyncadd.s32 @!p0 $0xFFFFD000  }
0xd6: {  	s19 =	simm.s32 $0x0;
	s20 =	simm.s32 $0x0  }
0xd7: {  	s0 =	sand.u32 $0x70, s20;
	s2 =	sand.u32 $0x1C00, s19  }
0xd8: {  	s18 =	sor.u32 s0, s2  }
0xd9: {  	v7 =	vld [tilespmem:s18+$0x680]  }
0xda: {  	v8 =	vld [tilespmem:s18+$0x700]  }
0xdb: {  	v9 =	vld [tilespmem:s18+$0x780]  }
0xdc: {  	v10 =	vld [tilespmem:s18+$0x1C80]  }
0xdd: {  	v11 =	vld [tilespmem:s18+$0x1D00]  }
0xde: {  	v12 =	vld [tilespmem:s18+$0x1D80]  }
0xdf: {  	v13 =	vld [tilespmem:s18+$0x1E00]  }
0xe0: {  	v14 =	vld [tilespmem:s18+$0x1E80]  }
0xe1: {  	v15 =	vld [tilespmem:s18+$0x1F00]  }
0xe2: {  	v16 =	vld [tilespmem:s18+$0x1F80]  }
0xe3: {  	v17 =	vld [tilespmem:s18+$0x2000]  }
0xe4: {  	v18 =	vld [tilespmem:s18+$0x3480]  }
0xe5: {  	v19 =	vld [tilespmem:s18+$0x3500]  }
0xe6: {  	v20 =	vld [tilespmem:s18+$0x3580]  }
0xe7: {  	v21 =	vld [tilespmem:s18+$0x3600]  }
0xe8: {  	v22 =	vld [tilespmem:s18+$0x480]  }
0xe9: {  	v23 =	vld [tilespmem:s18+$0x500]  }
0xea: {  	v24 =	vld [tilespmem:s18+$0x580]  }
0xeb: {  	v25 =	vld [tilespmem:s18+$0x600]  }
0xec: {  	v26 =	vld [tilespmem:s18+$0x3680]  }
0xed: {  	v27 =	vld [tilespmem:s18+$0x3700]  }
0xee: {  	v28 =	vld [tilespmem:s18+$0x3780]  }
0xef: {  	v29 =	vld [tilespmem:s18+$0x3800]  }
0xf0: {  	v57 =	vld [tilespmem:s18+$0x4C80];
	v22 =	vadd.f32 v23, v22;
	v56 =	vadd.f32 v25, v24  }
0xf1: {  	v58 =	vld [tilespmem:s18+$0x4D00]  }
0xf2: {  	v59 =	vld [tilespmem:s18+$0x4D80];
	v22 =	vadd.f32 v56, v22  }
0xf3: {  	v30 =	vld [tilespmem:s18+$0x4E00]  }
0xf4: {  	v31 =	vld [tilespmem:s18+$0x4E80];
	v7 =	vadd.f32 v8, v7;
	v22 =	vmul.f32 $2.500000000e-01, v22  }
0xf5: {  	s31 =	sor.u32 s19, s20;
	v62 =	vld [tilespmem:s18+$0x5000];
	v10 =	vadd.f32 v11, v10;
	v11 =	vadd.f32 v13, v12  }
0xf6: {  	s0 =	sor.u32 $0x380, s31;
	v8 =	vld [tilespmem:s18+$0x4F00];
	v12 =	vadd.f32 v15, v14;
	v13 =	vadd.f32 v17, v16;
	[tilespmem:s18+$0x18480] =	vst v22  }
0xf7: {  	v16 =	vadd.f32 v19, v18;
	v17 =	vadd.f32 v21, v20;
	v15 =	vld [tilespmem:s0+$0x480]  }
0xf8: {  	v14 =	vld [tilespmem:s18+$0x4F80];
	v10 =	vadd.f32 v11, v10;
	v11 =	vadd.f32 v58, v57  }
0xf9: {  	v12 =	vadd.f32 v13, v12;
	v13 =	vadd.f32 v30, v59  }
0xfa: {  	v60 =	vadd.f32 v27, v26;
	v16 =	vadd.f32 v17, v16;
	v10 =	vmul.f32 $2.500000000e-01, v10  }
0xfb: {  	v61 =	vadd.f32 v29, v28;
	v11 =	vadd.f32 v13, v11  }
0xfc: {  	v8 =	vadd.f32 v8, v31;
	[tilespmem:s18+$0x18580] =	vst v10;
	v10 =	vmul.f32 $2.500000000e-01, v16;
	v9 =	vadd.f32 v15, v9  }
0xfd: {  	v12 =	vmul.f32 $2.500000000e-01, v12;
	v13 =	vadd.f32 v62, v14;
	v15 =	vadd.f32 v61, v60  }
0xfe: {  	[tilespmem:s18+$0x18680] =	vst v10;
	v10 =	vmul.f32 $2.500000000e-01, v11;
	v7 =	vadd.f32 v9, v7  }
0xff: {  	[tilespmem:s18+$0x18600] =	vst v12;
	v8 =	vadd.f32 v13, v8;
	v9 =	vmul.f32 $2.500000000e-01, v15  }
0x100: {  	[tilespmem:s18+$0x18780] =	vst v10;
	v7 =	vmul.f32 $2.500000000e-01, v7  }
0x101: {  	v8 =	vmul.f32 $2.500000000e-01, v8;
	[tilespmem:s18+$0x18700] =	vst v9  }
0x102: {  	[tilespmem:s18+$0x18500] =	vst v7  }
0x103: {  	[tilespmem:s0+$0x18480] =	vst v8  }
0x104: {  	v7 =	vld [tilespmem:s18+$0xAE80]  }
0x105: {  	v8 =	vld [tilespmem:s18+$0xAF00]  }
0x106: {  	v9 =	vld [tilespmem:s18+$0xAF80]  }
0x107: {  	v10 =	vld [tilespmem:s18+$0xB000]  }
0x108: {  	v11 =	vld [tilespmem:s18+$0x6480]  }
0x109: {  	v12 =	vld [tilespmem:s18+$0x6500]  }
0x10a: {  	v13 =	vld [tilespmem:s18+$0x6580]  }
0x10b: {  	v14 =	vld [tilespmem:s18+$0x6600]  }
0x10c: {  	v15 =	vld [tilespmem:s18+$0x6680]  }
0x10d: {  	v16 =	vld [tilespmem:s18+$0x6700]  }
0x10e: {  	v17 =	vld [tilespmem:s18+$0x6780]  }
0x10f: {  	v63 =	vld [tilespmem:s18+$0x6800];
	v7 =	vadd.f32 v8, v7;
	v8 =	vadd.f32 v10, v9  }
0x110: {  	v10 =	vld [tilespmem:s18+$0x7D00];
	v11 =	vadd.f32 v12, v11;
	v12 =	vadd.f32 v14, v13  }
0x111: {  	v8 =	vadd.f32 v8, v7;
	v7 =	vld [tilespmem:s18+$0x7C80]  }
0x112: {  	v12 =	vadd.f32 v12, v11;
	v11 =	vld [tilespmem:s18+$0x7E00]  }
0x113: {  	v9 =	vmul.f32 $2.500000000e-01, v8;
	v8 =	vld [tilespmem:s18+$0x7D80]  }
0x114: {  	v13 =	vadd.f32 v16, v15;
	v14 =	vadd.f32 v63, v17;
	v15 =	vmul.f32 $2.500000000e-01, v12;
	v12 =	vld [tilespmem:s18+$0x7F00]  }
0x115: {  	[tilespmem:s18+$0x1A000] =	vst v9;
	v9 =	vld [tilespmem:s18+$0x7E80]  }
.LBB2_4:
0x116: {  	s20 =	sadd.s32 $0x10, s20;
	[tilespmem:s18+$0x19C80] =	vst v15;
	v13 =	vadd.f32 v14, v13;
	v7 =	vadd.f32 v10, v7;
	v10 =	vld [tilespmem:s18+$0x7F80];
	s19 =	sadd.s32 $0x80, s19  }
0x117: {  	s0 =	sand.u32 $0x70, s20;
	s2 =	sand.u32 $0x1C00, s19;
	p1 =	slt.u32 s20, $0x2F0;
	v14 =	vld [tilespmem:s18+$0x8000]  }
0x118: {  	s21 =	sor.u32 s0, s2;
	v13 =	vmul.f32 $2.500000000e-01, v13;
	v8 =	vadd.f32 v11, v8;
	v11 =	vld [tilespmem:s18+$0x9480]  }
0x119: {  	v15 =	vld [tilespmem:s21+$0x680]  }
0x11a: {  	v16 =	vld [tilespmem:s21+$0x700];
	[tilespmem:s18+$0x19D00] =	vst v13;
	v7 =	vadd.f32 v8, v7;
	v8 =	vadd.f32 v12, v9  }
0x11b: {  	v9 =	vld [tilespmem:s21+$0x780]  }
0x11c: {  	v12 =	vld [tilespmem:s21+$0x1C80];
	v7 =	vmul.f32 $2.500000000e-01, v7;
	v10 =	vadd.f32 v14, v10  }
0x11d: {  	v13 =	vld [tilespmem:s21+$0x1D00]  }
0x11e: {  	v14 =	vld [tilespmem:s21+$0x1D80];
	[tilespmem:s18+$0x19D80] =	vst v7;
	v7 =	vadd.f32 v10, v8  }
0x11f: {  	v8 =	vld [tilespmem:s21+$0x1E00]  }
0x120: {  	v10 =	vld [tilespmem:s21+$0x1E80];
	v7 =	vmul.f32 $2.500000000e-01, v7  }
0x121: {  	v17 =	vld [tilespmem:s21+$0x1F00]  }
0x122: {  	v18 =	vld [tilespmem:s21+$0x1F80];
	[tilespmem:s18+$0x19E00] =	vst v7  }
0x123: {  	v7 =	vld [tilespmem:s21+$0x2000]  }
0x124: {  	v19 =	vld [tilespmem:s21+$0x3480]  }
0x125: {  	v20 =	vld [tilespmem:s21+$0x3500]  }
0x126: {  	v21 =	vld [tilespmem:s21+$0x3580]  }
0x127: {  	v22 =	vld [tilespmem:s21+$0x3600]  }
0x128: {  	v23 =	vld [tilespmem:s21+$0x480]  }
0x129: {  	v24 =	vld [tilespmem:s21+$0x500]  }
0x12a: {  	v25 =	vld [tilespmem:s21+$0x580]  }
0x12b: {  	v26 =	vld [tilespmem:s21+$0x600]  }
0x12c: {  	v27 =	vld [tilespmem:s21+$0x3680]  }
0x12d: {  	v28 =	vld [tilespmem:s21+$0x3700]  }
0x12e: {  	v29 =	vld [tilespmem:s21+$0x3780]  }
0x12f: {  	v30 =	vld [tilespmem:s21+$0x3800]  }
0x130: {  	v23 =	vadd.f32 v24, v23;
	v24 =	vadd.f32 v26, v25;
	v25 =	vld [tilespmem:s21+$0x4C80]  }
0x131: {  	v26 =	vld [tilespmem:s21+$0x4D00]  }
0x132: {  	v23 =	vadd.f32 v24, v23;
	v24 =	vld [tilespmem:s21+$0x4D80]  }
0x133: {  	v31 =	vld [tilespmem:s21+$0x4E00]  }
0x134: {  	v15 =	vadd.f32 v16, v15;
	v23 =	vmul.f32 $2.500000000e-01, v23;
	v16 =	vld [tilespmem:s21+$0x4E80]  }
0x135: {  	s0 =	sor.u32 s19, s20;
	v12 =	vadd.f32 v13, v12;
	v8 =	vadd.f32 v8, v14;
	v13 =	vld [tilespmem:s21+$0x4F00]  }
0x136: {  	s0 =	sor.u32 $0x380, s0;
	v10 =	vadd.f32 v17, v10;
	v7 =	vadd.f32 v7, v18;
	[tilespmem:s21+$0x18480] =	vst v23;
	v14 =	vld [tilespmem:s21+$0x4F80]  }
0x137: {  	v18 =	vadd.f32 v20, v19;
	v19 =	vadd.f32 v22, v21;
	v17 =	vld [tilespmem:s0+$0x480]  }
0x138: {  	v20 =	vadd.f32 v28, v27;
	v21 =	vadd.f32 v30, v29;
	v22 =	vld [tilespmem:s21+$0x5000]  }
0x139: {  	v8 =	vadd.f32 v8, v12;
	v12 =	vadd.f32 v26, v25;
	v23 =	vld [tilespmem:s18+$0x9500]  }
0x13a: {  	v7 =	vadd.f32 v7, v10;
	v10 =	vadd.f32 v31, v24;
	v24 =	vld [tilespmem:s18+$0x9580]  }
0x13b: {  	v8 =	vmul.f32 $2.500000000e-01, v8;
	v18 =	vadd.f32 v19, v18;
	v13 =	vadd.f32 v13, v16;
	v16 =	vld [tilespmem:s18+$0x9600]  }
0x13c: {  	v7 =	vmul.f32 $2.500000000e-01, v7;
	v9 =	vadd.f32 v17, v9;
	v17 =	vadd.f32 v21, v20;
	v19 =	vld [tilespmem:s18+$0x9680]  }
0x13d: {  	v10 =	vadd.f32 v10, v12;
	[tilespmem:s21+$0x18580] =	vst v8;
	v8 =	vmul.f32 $2.500000000e-01, v18;
	v12 =	vadd.f32 v22, v14;
	v14 =	vld [tilespmem:s18+$0x9700]  }
0x13e: {  	v9 =	vadd.f32 v9, v15;
	[tilespmem:s21+$0x18600] =	vst v7;
	v7 =	vmul.f32 $2.500000000e-01, v17;
	v11 =	vadd.f32 v23, v11;
	v15 =	vld [tilespmem:s18+$0x9780]  }
0x13f: {  	[tilespmem:s21+$0x18680] =	vst v8;
	v8 =	vmul.f32 $2.500000000e-01, v10;
	v10 =	vadd.f32 v12, v13;
	v12 =	vld [tilespmem:s18+$0x9800]  }
0x140: {  	v9 =	vmul.f32 $2.500000000e-01, v9;
	[tilespmem:s21+$0x18700] =	vst v7;
	v7 =	vadd.f32 v16, v24;
	v13 =	vld [tilespmem:s18+$0xAC80]  }
0x141: {  	[tilespmem:s21+$0x18780] =	vst v8;
	v8 =	vmul.f32 $2.500000000e-01, v10;
	v10 =	vld [tilespmem:s18+$0xAD00]  }
0x142: {  	[tilespmem:s21+$0x18500] =	vst v9;
	v7 =	vadd.f32 v7, v11;
	v9 =	vadd.f32 v14, v19;
	v11 =	vld [tilespmem:s18+$0xAD80]  }
0x143: {  	[tilespmem:s0+$0x18480] =	vst v8;
	v8 =	vld [tilespmem:s18+$0xAE00]  }
0x144: {  	v14 =	vld [tilespmem:s21+$0xAE80];
	v7 =	vmul.f32 $2.500000000e-01, v7;
	v12 =	vadd.f32 v12, v15  }
0x145: {  	v15 =	vld [tilespmem:s21+$0xAF00]  }
0x146: {  	v16 =	vld [tilespmem:s21+$0xAF80];
	[tilespmem:s18+$0x19E80] =	vst v7;
	v7 =	vadd.f32 v12, v9;
	v9 =	vadd.f32 v10, v13  }
0x147: {  	v10 =	vld [tilespmem:s21+$0xB000]  }
0x148: {  	v12 =	vld [tilespmem:s21+$0x6480];
	v7 =	vmul.f32 $2.500000000e-01, v7;
	v8 =	vadd.f32 v8, v11  }
0x149: {  	v11 =	vld [tilespmem:s21+$0x6500]  }
0x14a: {  	v13 =	vld [tilespmem:s21+$0x6580];
	[tilespmem:s18+$0x19F00] =	vst v7;
	v7 =	vadd.f32 v8, v9  }
0x14b: {  	v8 =	vld [tilespmem:s21+$0x6600]  }
0x14c: {  	v14 =	vadd.f32 v15, v14;
	v9 =	vld [tilespmem:s21+$0x6680];
	v10 =	vadd.f32 v10, v16;
	v7 =	vmul.f32 $2.500000000e-01, v7  }
0x14d: {  	v15 =	vld [tilespmem:s21+$0x6700]  }
0x14e: {  	v11 =	vadd.f32 v11, v12;
	v12 =	vld [tilespmem:s21+$0x6780];
	v10 =	vadd.f32 v10, v14;
	[tilespmem:s18+$0x19F80] =	vst v7;
	s18 =	smov.u32 s21  }
0x14f: {  	v14 =	vld [tilespmem:s18+$0x6800]  }
0x150: {  	v8 =	vadd.f32 v8, v13;
	v7 =	vld [tilespmem:s18+$0x7C80];
	v16 =	vmul.f32 $2.500000000e-01, v10  }
.Ltmp5:
0x151: {  	v10 =	vld [tilespmem:s18+$0x7D00];
	(pc) =	sbr.rel @p1 .LBB2_4-.Ltmp5, $4  }
0x152: {  	v17 =	vadd.f32 v8, v11;
	v13 =	vadd.f32 v15, v9;
	v8 =	vld [tilespmem:s18+$0x7D80];
	[tilespmem:s18+$0x1A000] =	vst v16  }
0x153: {  	v11 =	vld [tilespmem:s18+$0x7E00]  }
0x154: {  	v15 =	vmul.f32 $2.500000000e-01, v17;
	v14 =	vadd.f32 v14, v12;
	v9 =	vld [tilespmem:s18+$0x7E80]  }
0x155: {  	v12 =	vld [tilespmem:s18+$0x7F00]  }
0x156: {  	v50 =	vld [tilespmem:s18+$0x7F80]  }
0x157: {  	v16 =	vld [tilespmem:s18+$0x8000];
	_ =	sdelay $0x2  }
0x158: {  	v13 =	vadd.f32 v14, v13;
	v52 =	vld [tilespmem:s18+$0x9480]  }
0x159: {  	v7 =	vadd.f32 v10, v7;
	v53 =	vld [tilespmem:s18+$0x9600];
	v8 =	vadd.f32 v11, v8  }
0x15a: {  	v54 =	vld [tilespmem:s18+$0x9680];
	v9 =	vadd.f32 v12, v9;
	v51 =	vadd.f32 v16, v50  }
0x15b: {  	v55 =	vld [tilespmem:s18+$0x9700];
	v7 =	vadd.f32 v8, v7  }
0x15c: {  	v56 =	vld [tilespmem:s18+$0x9780];
	v8 =	vmul.f32 $2.500000000e-01, v13;
	v9 =	vadd.f32 v51, v9  }
0x15d: {  	v57 =	vld [tilespmem:s18+$0x9800];
	v7 =	vmul.f32 $2.500000000e-01, v7  }
0x15e: {  	v58 =	vld [tilespmem:s18+$0xAC80];
	[tilespmem:s18+$0x19D00] =	vst v8;
	v8 =	vmul.f32 $2.500000000e-01, v9  }
0x15f: {  	[tilespmem:s18+$0x19D80] =	vst v7;
	v7 =	vld [tilespmem:s18+$0x9500]  }
0x160: {  	[tilespmem:s18+$0x19E00] =	vst v8;
	v8 =	vld [tilespmem:s18+$0x9580]  }
0x161: {  	v59 =	vld [tilespmem:s18+$0xAD00]  }
0x162: {  	v17 =	vld [tilespmem:s18+$0xAD80]  }
0x163: {  	v18 =	vld [tilespmem:s18+$0xAE00];
	_ =	sdelay $0x1  }
0x164: {  	v7 =	vadd.f32 v7, v52;
	v8 =	vadd.f32 v53, v8  }
0x165: {  	v60 =	vadd.f32 v57, v56  }
0x166: {  	v7 =	vadd.f32 v8, v7;
	v8 =	vadd.f32 v55, v54  }
0x167: {  	v61 =	vadd.f32 v59, v58;
	v62 =	vadd.f32 v18, v17  }
0x168: {  	v8 =	vadd.f32 v60, v8  }
.Ltmp6:
0x169: {  	v63 =	vadd.f32 v62, v61;
	v7 =	vmul.f32 $2.500000000e-01, v7;
	(pc) =	sbr.rel .LBB2_10-.Ltmp6, $4  }
0x16a: {  	[tilespmem:s18+$0x19C80] =	vst v15;
	v8 =	vmul.f32 $2.500000000e-01, v8  }
0x16b: {  	[tilespmem:s18+$0x19E80] =	vst v7;
	v7 =	vmul.f32 $2.500000000e-01, v63  }
0x16c: {  	[tilespmem:s18+$0x19F00] =	vst v8  }
0x16d: {  	[tilespmem:s18+$0x19F80] =	vst v7  }
.LBB2_6:
0x16e: {  	vm1 =	vlt.s32 v10, $0x1  }
0x16f: {  	v10 =	vnsel vm1, $0x1, v10;
	vm1 =	vlt.s32 v9, $0x1  }
0x170: {  	v10 =	vcvt.s32.f32 v10;
	v9 =	vnsel vm1, $0x1, v9;
	vm1 =	vlt.s32 v8, $0x1  }
0x171: {  	v9 =	vcvt.s32.f32 v9;
	v8 =	vnsel vm1, $0x1, v8;
	vm1 =	vlt.s32 v7, $0x1  }
0x172: {  	[tilespmem:$0x400] =	vst v10;
	v8 =	vcvt.s32.f32 v8;
	v7 =	vnsel vm1, $0x1, v7  }
0x173: {  	[tilespmem:$0x410] =	vst v9;
	v7 =	vcvt.s32.f32 v7  }
0x174: {  	[tilespmem:$0x420] =	vst v8  }
0x175: {  	[tilespmem:$0x430] =	vst v7  }
0x176: {  	v7 =	vld.idx.msk [tilespmem:v1+s13+$0x0], $0xffff  }
0x177: {  	v8 =	vld.idx.msk [tilespmem:v4+s13+$0x0], $0xffff;
	_ =	sdelay $0x1  }
0x178: {  	v9 =	vld.idx.msk [tilespmem:v5+s13+$0x0], $0xffff;
	_ =	sdelay $0x1  }
0x179: {  	v10 =	vld.idx.msk [tilespmem:v6+s13+$0x0], $0xffff  }
0x17a: {  	v11 =	vadd.f32 v8, v7;
	_ =	sdelay $0x1  }
0x17b: {  	v11 =	vadd.f32 v9, v11;
	_ =	sdelay $0x1  }
0x17c: {  	v11 =	vadd.f32 v10, v11;
	_ =	sdelay $0x1  }
0x17d: {  	v11 =	vmax.f32 v11, $1.000000000e+00  }
0x17e: {  	(erf) = vrcp.f32 v11;
	_ =	sdelay $0x8  }
0x17f: {  	v11 =	vpop (erf)  }
0x180: {  	v7 =	vmul.f32 v11, v7  }
0x181: {  	v8 =	vmul.f32 v11, v8  }
0x182: {  	[tilespmem:v1+s13+$0x0] =	vst.idx.msk $0xffff, v7;
	v7 =	vmul.f32 v11, v9  }
0x183: {  	[tilespmem:v4+s13+$0x0] =	vst.idx.msk $0xffff, v8;
	v8 =	vmul.f32 v11, v10  }
0x184: {  	[tilespmem:v5+s13+$0x0] =	vst.idx.msk $0xffff, v7  }
0x185: {  	s18 =	simm.s32 $0x0;
	s19 =	simm.s32 $0x0;
	[tilespmem:v6+s13+$0x0] =	vst.idx.msk $0xffff, v8  }
.LBB2_7:
0x186: {  	s0 =	sshll.u32 s19, $0x2  }
0x187: {  	s20 =	sshrl.u32 s19, $0x1;
	v7 =	vmov s0  }
0x188: {  	s20 =	smul.u32 $0x6000, s20;
	v7 =	vbroadcast v7, $0x0  }
0x189: {  	s2 =	sor.u32 $0x1, s0  }
0x18a: {  	s0 =	sor.u32 $0x2, s0;
	v8 =	vmov s2;
	s20 =	sshra.s32 s20, $0x2  }
0x18b: {  	s21 =	sshll.u32 s19, $0x9;
	s6 =	sand.u32 $0x1C00, s18;
	v9 =	vmov s0;
	v8 =	vbroadcast v8, $0x0;
	s20 =	sor.u32 $0x480, s20  }
0x18c: {  	s21 =	sand.u32 $0x200, s21;
	s2 =	sshll.u32 s2, $0x7;
	v9 =	vbroadcast v9, $0x0;
	s26 =	sadd.s32 s6, s20  }
0x18d: {  	s25 =	sand.u32 $0x70, s18;
	s22 =	sand.u32 $0x280, s2;
	s23 =	sadd.s32 s21, s26  }
0x18e: {  	s24 =	sshllo.u32 s19, $0x2;
	s28 =	sadd.s32 s22, s26;
	s2 =	sadd.s32 s25, s23;
	v7 =	vld.idx.msk [tilespmem:v7+s13+$0x0], $0xffff  }
0x18f: {  	v10 =	vmov s24;
	s0 =	sshll.u32 s0, $0x7;
	s10 =	sadd.s32 s25, s28;
	v11 =	vld [tilespmem:s2+$0x0]  }
0x190: {  	s23 =	sand.u32 $0x300, s0;
	v12 =	vld [tilespmem:s10+$0x0]  }
0x191: {  	s24 =	sshll.u32 s24, $0x7;
	s10 =	sadd.s32 s23, s26;
	v8 =	vld.idx.msk [tilespmem:v8+s13+$0x0], $0xffff  }
0x192: {  	s24 =	sand.u32 $0x380, s24;
	v9 =	vld.idx.msk [tilespmem:v9+s13+$0x0], $0xffff;
	s0 =	sadd.s32 s25, s10  }
0x193: {  	s2 =	sadd.s32 s24, s26;
	v13 =	vld [tilespmem:s0+$0x0]  }
0x194: {  	v10 =	vld.idx.msk [tilespmem:v10+s13+$0x0], $0xffff;
	s0 =	sadd.s32 s25, s2  }
0x195: {  	v14 =	vld [tilespmem:s0+$0x0]  }
0x196: {  	s10 =	sshrl.u32 s19, $0x3;
	v11 =	vmul.f32 v11, v7;
	v12 =	vmul.f32 v12, v8  }
0x197: {  	s0 =	smul.u32 $0x6000, s10  }
0x198: {  	s26 =	sshll.u32 s19, $0x7;
	v62 =	vmul.f32 v13, v9;
	v11 =	vadd.f32 v12, v11  }
0x199: {  	s2 =	sand.u32 $0x380, s26;
	s0 =	sshra.s32 s0, $0x2  }
0x19a: {  	s29 =	simm.s32 $0x20;
	s28 =	simm.s32 $0x80;
	s0 =	sor.u32 s2, s0;
	v63 =	vmul.f32 v14, v10;
	v11 =	vadd.f32 v62, v11  }
0x19b: {  	s31 =	sand.u32 $0x1C00, s28;
	s10 =	simm.s32 $0x10;
	s26 =	sadd.s32 $0x18480, s0  }
0x19c: {  	s30 =	sand.u32 $0x70, s10;
	s0 =	sadd.s32 s31, s20;
	s2 =	sadd.s32 s6, s26;
	v11 =	vadd.f32 v63, v11  }
.LBB2_8:
0x19d: {  	p1 =	sne.s32 s29, $0x2F0;
	s6 =	sadd.s32 s21, s0;
	s2 =	sadd.s32 s25, s2  }
0x19e: {  	s10 =	sadd.s32 s22, s0;
	s25 =	smov.u32 s30;
	s6 =	sadd.s32 s30, s6;
	[tilespmem:s2+$0x0] =	vst v11  }
0x19f: {  	s2 =	sadd.s32 s25, s10;
	v11 =	vld [tilespmem:s6+$0x0];
	s6 =	smov.u32 s31  }
0x1a0: {  	v12 =	vld [tilespmem:s2+$0x0];
	s2 =	sadd.s32 s23, s0  }
0x1a1: {  	s2 =	sadd.s32 s25, s2  }
0x1a2: {  	s0 =	sadd.s32 s24, s0;
	v13 =	vld [tilespmem:s2+$0x0]  }
0x1a3: {  	s0 =	sadd.s32 s25, s0  }
0x1a4: {  	v14 =	vld [tilespmem:s0+$0x0]  }
0x1a5: {  	v11 =	vmul.f32 v11, v7;
	v12 =	vmul.f32 v12, v8;
	_ =	sdelay $0x1  }
.Ltmp7:
0x1a6: {  	v11 =	vadd.f32 v12, v11;
	v12 =	vmul.f32 v13, v9;
	(pc) =	sbr.rel @p1 .LBB2_8-.Ltmp7, $4  }
0x1a7: {  	_ = 	snop  }
0x1a8: {  	s28 =	sadd.s32 $0x80, s28;
	v11 =	vadd.f32 v12, v11;
	v12 =	vmul.f32 v14, v10  }
0x1a9: {  	s30 =	sand.u32 $0x70, s29;
	s31 =	sand.u32 $0x1C00, s28  }
0x1aa: {  	s29 =	sadd.s32 $0x10, s29;
	s2 =	sadd.s32 s6, s26;
	s0 =	sadd.s32 s31, s20;
	v11 =	vadd.f32 v12, v11  }
0x1ab: {  	s6 =	sadd.s32 s21, s0;
	s2 =	sadd.s32 s25, s2  }
0x1ac: {  	s10 =	sadd.s32 s22, s0;
	s6 =	sadd.s32 s30, s6;
	[tilespmem:s2+$0x0] =	vst v11  }
0x1ad: {  	s25 =	sadd.s32 s30, s10;
	v11 =	vld [tilespmem:s6+$0x0]  }
0x1ae: {  	s28 =	sadd.s32 s23, s0;
	v12 =	vld [tilespmem:s25+$0x0]  }
0x1af: {  	s2 =	sadd.s32 s30, s28  }
0x1b0: {  	s29 =	sadd.s32 s24, s0;
	v13 =	vld [tilespmem:s2+$0x0]  }
0x1b1: {  	s0 =	sadd.s32 s30, s29  }
0x1b2: {  	v14 =	vld [tilespmem:s0+$0x0]  }
0x1b3: {  	v7 =	vmul.f32 v11, v7;
	v8 =	vmul.f32 v12, v8;
	_ =	sdelay $0x1  }
0x1b4: {  	s19 =	sadd.s32 $0x1, s19;
	v7 =	vadd.f32 v8, v7;
	v8 =	vmul.f32 v13, v9  }
0x1b5: {  	p1 =	sne.s32 s19, $0x10  }
.Ltmp8:
0x1b6: {  	v7 =	vadd.f32 v8, v7;
	v8 =	vmul.f32 v14, v10;
	(pc) =	sbr.rel @p1 .LBB2_7-.Ltmp8, $4  }
0x1b7: {  	_ = 	snop  }
0x1b8: {  	s31 =	sadd.s32 s31, s26;
	v7 =	vadd.f32 v8, v7  }
0x1b9: {  	s0 =	sadd.s32 s30, s31  }
0x1ba: {  	[tilespmem:s0+$0x0] =	vst v7  }
.LBB2_10:
0x1bb: {  	s0 =	sshll.u32 s14, $0x5  }
0x1bc: {  	p1 =	seq.s32 s14, $0x7;
	s0 =	sadd.s32 s5, s0  }
.Ltmp9:
0x1bd: {  	s0 =	sshrl.u32 s0, $0x3;
	(pc) =	sbr.rel @p1 .LBB2_12-.Ltmp9, $3  }
0x1be: {  	s0 =	smul.u32 $0x300, s0;
	_ =	sdelay $0x1  }
0x1bf: {  	s2 =	simm.s32 $0x18480;
	s0 =	sadd.s32 s4, s0  }
0x1c0: {  	[hbm4b:s0+s3] =	stream.linear.scatter [tilespmem:s2], [sflag:$0x3], $0x3000, $0x38;
	[tilespmem:$0x1E480] =	vst v63  }
0x1c1: {  	v7 =	vld [tilespmem:s17+$0x80];
	_ =	sdelay $0x4  }
0x1c2: {  	v8 =	vshrl.u32 v7, $0x3  }
0x1c3: {  	v8 =	vmul.u32 $0x30, v8  }
0x1c4: {  	v7 =	vand.u32 $0x7, v7  }
0x1c5: {  	v7 =	vor.u32 v7, v8  }
0x1c6: {  	v8 =	vperm.xlane v7, v0;
	_ =	sdelay $0x1  }
0x1c7: {  	v8 =	vadd.s32 v2, v8;
	_ =	sdelay $0x3  }
0x1c8: {  	s0 =	simm.s32 $0x480;
	v7 =	vperm.xlane v7, v3  }
0x1c9: {  	[tilespmem:s0], [sflag:$0x1] =	stream.indirect_vreg.gather [hbm4b:s1+s3], $0x80, v8, vm0, $0xb8;
	[tilespmem:$0x1E480] =	vst v63  }
0x1ca: {  	s24 =	simm.s32 $0xC80;
	v7 =	vadd.s32 v2, v7  }
0x1cb: {  	[tilespmem:s24], [sflag:$0x1] =	stream.indirect_vreg.gather [hbm4b:s7+s3], $0x80, v8, vm0, $0xb8;
	[tilespmem:$0x1E480] =	vst v63  }
0x1cc: {  	s25 =	simm.s32 $0x1480  }
0x1cd: {  	[tilespmem:s25], [sflag:$0x1] =	stream.indirect_vreg.gather [hbm4b:s8+s3], $0x80, v8, vm0, $0xb8;
	[tilespmem:$0x1E480] =	vst v63  }
0x1ce: {  	s26 =	simm.s32 $0x1C80  }
0x1cf: {  	[tilespmem:s26], [sflag:$0x1] =	stream.indirect_vreg.gather [hbm4b:s1+s3], $0x80, v7, vm0, $0xb8;
	[tilespmem:$0x1E480] =	vst v63  }
0x1d0: {  	s28 =	simm.s32 $0x2480  }
0x1d1: {  	[tilespmem:s28], [sflag:$0x1] =	stream.indirect_vreg.gather [hbm4b:s7+s3], $0x80, v7, vm0, $0xb8;
	[tilespmem:$0x1E480] =	vst v63  }
0x1d2: {  	s29 =	simm.s32 $0x2C80  }
0x1d3: {  	[tilespmem:s29], [sflag:$0x1] =	stream.indirect_vreg.gather [hbm4b:s8+s3], $0x80, v7, vm0, $0xb8;
	[tilespmem:$0x1E480] =	vst v63  }
0x1d4: {  	v7 =	vld [tilespmem:s17+$0x90];
	_ =	sdelay $0x4  }
0x1d5: {  	v8 =	vshrl.u32 v7, $0x3  }
0x1d6: {  	v8 =	vmul.u32 $0x30, v8  }
0x1d7: {  	v7 =	vand.u32 $0x7, v7  }
0x1d8: {  	v7 =	vor.u32 v7, v8  }
0x1d9: {  	v8 =	vperm.xlane v7, v0;
	_ =	sdelay $0x1  }
0x1da: {  	v8 =	vadd.s32 v2, v8;
	_ =	sdelay $0x3  }
0x1db: {  	s30 =	simm.s32 $0x3480;
	v7 =	vperm.xlane v7, v3  }
0x1dc: {  	[tilespmem:s30], [sflag:$0x1] =	stream.indirect_vreg.gather [hbm4b:s1+s3], $0x80, v8, vm0, $0xb8;
	[tilespmem:$0x1E480] =	vst v63  }
0x1dd: {  	s31 =	simm.s32 $0x3C80;
	v7 =	vadd.s32 v2, v7  }
0x1de: {  	[tilespmem:s31], [sflag:$0x1] =	stream.indirect_vreg.gather [hbm4b:s7+s3], $0x80, v8, vm0, $0xb8;
	[tilespmem:$0x1E480] =	vst v63  }
0x1df: {  	s2 =	simm.s32 $0x4480  }
0x1e0: {  	[tilespmem:s2], [sflag:$0x1] =	stream.indirect_vreg.gather [hbm4b:s8+s3], $0x80, v8, vm0, $0xb8;
	[tilespmem:$0x1E480] =	vst v63  }
0x1e1: {  	s6 =	simm.s32 $0x4C80  }
0x1e2: {  	[tilespmem:s6], [sflag:$0x1] =	stream.indirect_vreg.gather [hbm4b:s1+s3], $0x80, v7, vm0, $0xb8;
	[tilespmem:$0x1E480] =	vst v63  }
0x1e3: {  	s10 =	simm.s32 $0x5480  }
0x1e4: {  	[tilespmem:s10], [sflag:$0x1] =	stream.indirect_vreg.gather [hbm4b:s7+s3], $0x80, v7, vm0, $0xb8;
	[tilespmem:$0x1E480] =	vst v63  }
0x1e5: {  	s18 =	simm.s32 $0x5C80  }
0x1e6: {  	[tilespmem:s18], [sflag:$0x1] =	stream.indirect_vreg.gather [hbm4b:s8+s3], $0x80, v7, vm0, $0xb8;
	[tilespmem:$0x1E480] =	vst v63  }
0x1e7: {  	v7 =	vld [tilespmem:s17+$0xA0];
	_ =	sdelay $0x4  }
0x1e8: {  	v8 =	vshrl.u32 v7, $0x3  }
0x1e9: {  	v8 =	vmul.u32 $0x30, v8  }
0x1ea: {  	v7 =	vand.u32 $0x7, v7  }
0x1eb: {  	v7 =	vor.u32 v7, v8  }
0x1ec: {  	v8 =	vperm.xlane v7, v0;
	_ =	sdelay $0x1  }
0x1ed: {  	v8 =	vadd.s32 v2, v8;
	_ =	sdelay $0x3  }
0x1ee: {  	s19 =	simm.s32 $0x6480;
	v7 =	vperm.xlane v7, v3  }
0x1ef: {  	[tilespmem:s19], [sflag:$0x1] =	stream.indirect_vreg.gather [hbm4b:s1+s3], $0x80, v8, vm0, $0xb8;
	[tilespmem:$0x1E480] =	vst v63  }
0x1f0: {  	s20 =	simm.s32 $0x6C80;
	v7 =	vadd.s32 v2, v7  }
0x1f1: {  	[tilespmem:s20], [sflag:$0x1] =	stream.indirect_vreg.gather [hbm4b:s7+s3], $0x80, v8, vm0, $0xb8;
	[tilespmem:$0x1E480] =	vst v63  }
0x1f2: {  	s21 =	simm.s32 $0x7480  }
0x1f3: {  	[tilespmem:s21], [sflag:$0x1] =	stream.indirect_vreg.gather [hbm4b:s8+s3], $0x80, v8, vm0, $0xb8;
	[tilespmem:$0x1E480] =	vst v63  }
0x1f4: {  	s22 =	simm.s32 $0x7C80  }
0x1f5: {  	[tilespmem:s22], [sflag:$0x1] =	stream.indirect_vreg.gather [hbm4b:s1+s3], $0x80, v7, vm0, $0xb8;
	[tilespmem:$0x1E480] =	vst v63  }
0x1f6: {  	s23 =	simm.s32 $0x8480  }
0x1f7: {  	[tilespmem:s23], [sflag:$0x1] =	stream.indirect_vreg.gather [hbm4b:s7+s3], $0x80, v7, vm0, $0xb8;
	[tilespmem:$0x1E480] =	vst v63  }
0x1f8: {  	s24 =	simm.s32 $0x8C80  }
0x1f9: {  	[tilespmem:s24], [sflag:$0x1] =	stream.indirect_vreg.gather [hbm4b:s8+s3], $0x80, v7, vm0, $0xb8;
	[tilespmem:$0x1E480] =	vst v63  }
0x1fa: {  	v7 =	vld [tilespmem:s17+$0xB0];
	_ =	sdelay $0x4  }
0x1fb: {  	v8 =	vshrl.u32 v7, $0x3  }
0x1fc: {  	v8 =	vmul.u32 $0x30, v8  }
0x1fd: {  	v7 =	vand.u32 $0x7, v7  }
0x1fe: {  	v7 =	vor.u32 v7, v8  }
0x1ff: {  	v8 =	vperm.xlane v7, v0;
	_ =	sdelay $0x1  }
0x200: {  	v8 =	vadd.s32 v2, v8;
	_ =	sdelay $0x3  }
0x201: {  	s25 =	simm.s32 $0x9480;
	v7 =	vperm.xlane v7, v3  }
0x202: {  	[tilespmem:s25], [sflag:$0x1] =	stream.indirect_vreg.gather [hbm4b:s1+s3], $0x80, v8, vm0, $0xb8;
	[tilespmem:$0x1E480] =	vst v63  }
0x203: {  	s26 =	simm.s32 $0x9C80;
	v7 =	vadd.s32 v2, v7  }
0x204: {  	[tilespmem:s26], [sflag:$0x1] =	stream.indirect_vreg.gather [hbm4b:s7+s3], $0x80, v8, vm0, $0xb8;
	[tilespmem:$0x1E480] =	vst v63  }
0x205: {  	s28 =	simm.s32 $0xA480  }
0x206: {  	[tilespmem:s28], [sflag:$0x1] =	stream.indirect_vreg.gather [hbm4b:s8+s3], $0x80, v8, vm0, $0xb8;
	[tilespmem:$0x1E480] =	vst v63  }
0x207: {  	s29 =	simm.s32 $0xAC80  }
0x208: {  	[tilespmem:s29], [sflag:$0x1] =	stream.indirect_vreg.gather [hbm4b:s1+s3], $0x80, v7, vm0, $0xb8;
	[tilespmem:$0x1E480] =	vst v63  }
0x209: {  	s30 =	simm.s32 $0xB480  }
0x20a: {  	[tilespmem:s30], [sflag:$0x1] =	stream.indirect_vreg.gather [hbm4b:s7+s3], $0x80, v7, vm0, $0xb8;
	[tilespmem:$0x1E480] =	vst v63  }
0x20b: {  	s31 =	simm.s32 $0xBC80  }
0x20c: {  	[tilespmem:s31], [sflag:$0x1] =	stream.indirect_vreg.gather [hbm4b:s8+s3], $0x80, v7, vm0, $0xb8;
	[tilespmem:$0x1E480] =	vst v63  }
.LBB2_12:
0x20d: {  	_ =	swait.ge [sflag:s11], $0xC000  }
0x20e: {  	[sflag:s11] =	ssyncset.done $0x0  }
0x20f: {  	[sflag:s11] =	ssyncadd.s32 $0xFFFF4000  }
0x210: {  	s0 =	sor.u32 $0x50, s16;
	v10 =	vld [tilespmem:s16+$0x0]  }
0x211: {  	v9 =	vld [tilespmem:s0+$0x0]  }
0x212: {  	s30 =	sor.u32 $0x60, s16  }
0x213: {  	v8 =	vld [tilespmem:s30+$0x0]  }
0x214: {  	s31 =	sor.u32 $0x70, s16  }
0x215: {  	v7 =	vld [tilespmem:s31+$0x0]  }
0x216: {  	vm1 =	vlt.s32 v10, v9  }
0x217: {  	v11 =	vsel vm1, v10, v9  }
0x218: {  	vm1 =	vlt.s32 v11, v8  }
0x219: {  	v11 =	vsel vm1, v11, v8  }
0x21a: {  	vm1 =	vlt.s32 v11, v7  }
0x21b: {  	s0 =	simm.s32 @!p0 $0x4;
	v11 =	vsel vm1, v11, v7  }
0x21c: {  	_ =	swait.ge @!p0 [sflag:s0], $0x3000;
	v11 =	vxor.u32 $0x80000000, v11  }
0x21d: {  	(xrf0) =	vmin.scan.msk.u32 $0xffff, v11;
	_ =	sdelay $0x5  }
0x21e: {  	v11, _, _ =	vpop (xrf0)  }
0x21f: {  	(v2sf) =	vpush v11, $0xF;
	_ =	sdelay $0xe  }
0x220: {  	s2 =	spop (v2sf)  }
0x221: {  	p1 =	slt.u32 s2, $0x80000001  }
.Ltmp10:
0x222: {  	_ = 	snop;
	(pc) =	sbr.rel @p1 .LBB2_16-.Ltmp10, $3  }
0x223: {  	_ =	sdelay $0x1  }
0x224: {  	[sflag:s0] =	ssyncset.done @!p0 $0x0  }
0x225: {  	[sflag:s0] =	ssyncadd.s32 @!p0 $0xFFFFD000  }
0x226: {  	s17 =	simm.s32 $0x0;
	s18 =	simm.s32 $0x0  }
0x227: {  	s0 =	sand.u32 $0x70, s18;
	s2 =	sand.u32 $0x1C00, s17  }
0x228: {  	s16 =	sor.u32 s0, s2  }
0x229: {  	v7 =	vld [tilespmem:s16+$0x16E80]  }
0x22a: {  	v8 =	vld [tilespmem:s16+$0x16F00]  }
0x22b: {  	v9 =	vld [tilespmem:s16+$0x16F80]  }
0x22c: {  	v10 =	vld [tilespmem:s16+$0x17000]  }
0x22d: {  	v11 =	vld [tilespmem:s16+$0xC480]  }
0x22e: {  	v12 =	vld [tilespmem:s16+$0xC500]  }
0x22f: {  	v13 =	vld [tilespmem:s16+$0xC580]  }
0x230: {  	v14 =	vld [tilespmem:s16+$0xC600];
	_ =	sdelay $0x1  }
0x231: {  	v15 =	vld [tilespmem:s16+$0xC680]  }
0x232: {  	v7 =	vadd.f32 v8, v7;
	v8 =	vadd.f32 v10, v9;
	v9 =	vld [tilespmem:s16+$0xC700]  }
0x233: {  	v10 =	vld [tilespmem:s16+$0xC780];
	v11 =	vadd.f32 v12, v11  }
0x234: {  	v12 =	vadd.f32 v14, v13;
	v7 =	vadd.f32 v8, v7;
	v8 =	vld [tilespmem:s16+$0xC800]  }
0x235: {  	v16 =	vld [tilespmem:s16+$0xDC80]  }
0x236: {  	v13 =	vld [tilespmem:s16+$0xDD00];
	v11 =	vadd.f32 v12, v11;
	v7 =	vmul.f32 $2.500000000e-01, v7  }
0x237: {  	v14 =	vld [tilespmem:s16+$0xDD80]  }
0x238: {  	v11 =	vmul.f32 $2.500000000e-01, v11;
	[tilespmem:s16+$0x1D000] =	vst v7;
	v7 =	vld [tilespmem:s16+$0xDE00]  }
0x239: {  	v12 =	vld [tilespmem:s16+$0xDE80];
	v9 =	vadd.f32 v9, v15;
	v8 =	vadd.f32 v8, v10  }
0x23a: {  	[tilespmem:s16+$0x1B480] =	vst v11;
	v11 =	vld [tilespmem:s16+$0xE000]  }
0x23b: {  	v10 =	vld [tilespmem:s16+$0xDF00];
	v8 =	vadd.f32 v8, v9  }
0x23c: {  	v9 =	vld [tilespmem:s16+$0xDF80]  }
0x23d: {  	v15 =	vld [tilespmem:s16+$0xF480];
	v13 =	vadd.f32 v13, v16;
	v8 =	vmul.f32 $2.500000000e-01, v8;
	v7 =	vadd.f32 v7, v14  }
0x23e: {  	v14 =	vld [tilespmem:s16+$0xF500]  }
0x23f: {  	[tilespmem:s16+$0x1B500] =	vst v8;
	v7 =	vadd.f32 v7, v13;
	v8 =	vld [tilespmem:s16+$0xF580]  }
0x240: {  	v13 =	vld [tilespmem:s16+$0xF600]  }
0x241: {  	v61 =	vld [tilespmem:s16+$0xF680];
	v10 =	vadd.f32 v10, v12;
	v9 =	vadd.f32 v11, v9;
	v7 =	vmul.f32 $2.500000000e-01, v7  }
0x242: {  	v11 =	vld [tilespmem:s16+$0xF700]  }
0x243: {  	[tilespmem:s16+$0x1B580] =	vst v7;
	v7 =	vadd.f32 v9, v10;
	v9 =	vld [tilespmem:s16+$0xF780]  }
0x244: {  	v10 =	vld [tilespmem:s16+$0xF800]  }
0x245: {  	v12 =	vld [tilespmem:s16+$0x10C80];
	v14 =	vadd.f32 v14, v15;
	v8 =	vadd.f32 v13, v8;
	v7 =	vmul.f32 $2.500000000e-01, v7  }
0x246: {  	v13 =	vld [tilespmem:s16+$0x10D00]  }
0x247: {  	[tilespmem:s16+$0x1B600] =	vst v7;
	v7 =	vadd.f32 v8, v14;
	v8 =	vld [tilespmem:s16+$0x10D80]  }
0x248: {  	v14 =	vld [tilespmem:s16+$0x10E00]  }
0x249: {  	v15 =	vld [tilespmem:s16+$0x10E80];
	v11 =	vadd.f32 v11, v61;
	v9 =	vadd.f32 v10, v9;
	v7 =	vmul.f32 $2.500000000e-01, v7  }
0x24a: {  	v10 =	vld [tilespmem:s16+$0x10F00]  }
0x24b: {  	[tilespmem:s16+$0x1B680] =	vst v7;
	v7 =	vadd.f32 v9, v11;
	v9 =	vld [tilespmem:s16+$0x10F80]  }
0x24c: {  	v11 =	vld [tilespmem:s16+$0x11000]  }
0x24d: {  	v62 =	vld [tilespmem:s16+$0x12480];
	v12 =	vadd.f32 v13, v12;
	v8 =	vadd.f32 v14, v8;
	v7 =	vmul.f32 $2.500000000e-01, v7  }
0x24e: {  	v13 =	vld [tilespmem:s16+$0x12500]  }
0x24f: {  	[tilespmem:s16+$0x1B700] =	vst v7;
	v7 =	vadd.f32 v8, v12;
	v8 =	vld [tilespmem:s16+$0x12580]  }
0x250: {  	v12 =	vld [tilespmem:s16+$0x12600]  }
0x251: {  	v14 =	vld [tilespmem:s16+$0x12680];
	v10 =	vadd.f32 v10, v15;
	v9 =	vadd.f32 v11, v9;
	v7 =	vmul.f32 $2.500000000e-01, v7  }
0x252: {  	v11 =	vld [tilespmem:s16+$0x12700]  }
0x253: {  	[tilespmem:s16+$0x1B780] =	vst v7;
	v7 =	vadd.f32 v9, v10;
	v9 =	vld [tilespmem:s16+$0x12780]  }
0x254: {  	v10 =	vld [tilespmem:s16+$0x12800]  }
0x255: {  	v63 =	vld [tilespmem:s16+$0x13E80];
	v13 =	vadd.f32 v13, v62;
	v8 =	vadd.f32 v12, v8;
	v7 =	vmul.f32 $2.500000000e-01, v7  }
0x256: {  	v15 =	vld [tilespmem:s16+$0x13C80]  }
0x257: {  	v12 =	vld [tilespmem:s16+$0x13D00];
	[tilespmem:s16+$0x1B800] =	vst v7;
	v7 =	vadd.f32 v8, v13  }
0x258: {  	v8 =	vld [tilespmem:s16+$0x13D80]  }
0x259: {  	v11 =	vadd.f32 v11, v14;
	v13 =	vld [tilespmem:s16+$0x13E00];
	v9 =	vadd.f32 v10, v9;
	v7 =	vmul.f32 $2.500000000e-01, v7  }
0x25a: {  	v10 =	vld [tilespmem:s16+$0x13F00]  }
0x25b: {  	[tilespmem:s16+$0x1CC80] =	vst v7;
	v7 =	vadd.f32 v9, v11;
	v9 =	vld [tilespmem:s16+$0x13F80]  }
0x25c: {  	v11 =	vld [tilespmem:s16+$0x14000]  }
0x25d: {  	v17 =	vld [tilespmem:s16+$0x15600]  }
0x25e: {  	v14 =	vld [tilespmem:s16+$0x15480];
	v12 =	vadd.f32 v12, v15;
	v8 =	vadd.f32 v13, v8;
	v7 =	vmul.f32 $2.500000000e-01, v7  }
0x25f: {  	v15 =	vld [tilespmem:s16+$0x15580]  }
0x260: {  	v13 =	vld [tilespmem:s16+$0x15500];
	[tilespmem:s16+$0x1CD00] =	vst v7;
	v7 =	vadd.f32 v8, v12  }
0x261: {  	v10 =	vadd.f32 v10, v63;
	v11 =	vadd.f32 v11, v9;
	v9 =	vld [tilespmem:s16+$0x15700]  }
0x262: {  	v8 =	vmul.f32 $2.500000000e-01, v7;
	v7 =	vld [tilespmem:s16+$0x15680]  }
0x263: {  	v11 =	vadd.f32 v11, v10;
	v10 =	vld [tilespmem:s16+$0x15800]  }
0x264: {  	[tilespmem:s16+$0x1CD80] =	vst v8;
	v8 =	vld [tilespmem:s16+$0x15780]  }
0x265: {  	v12 =	vadd.f32 v13, v14;
	v13 =	vadd.f32 v17, v15;
	v14 =	vmul.f32 $2.500000000e-01, v11;
	v11 =	vld [tilespmem:s16+$0x16C80]  }
.LBB2_14:
0x266: {  	s18 =	sadd.s32 $0x10, s18;
	v15 =	vld [tilespmem:s16+$0x16D00];
	s17 =	sadd.s32 $0x80, s17  }
0x267: {  	s0 =	sand.u32 $0x70, s18;
	s2 =	sand.u32 $0x1C00, s17;
	[tilespmem:s16+$0x1CE00] =	vst v14;
	v12 =	vadd.f32 v13, v12;
	v7 =	vadd.f32 v9, v7;
	v9 =	vld [tilespmem:s16+$0x16D80]  }
0x268: {  	s0 =	sor.u32 s0, s2;
	v13 =	vld [tilespmem:s16+$0x16E00]  }
0x269: {  	p0 =	slt.u32 s18, $0x2F0;
	v14 =	vld [tilespmem:s0+$0x16E80];
	v12 =	vmul.f32 $2.500000000e-01, v12;
	v8 =	vadd.f32 v10, v8  }
0x26a: {  	v10 =	vld [tilespmem:s0+$0x16F00]  }
0x26b: {  	v16 =	vld [tilespmem:s0+$0x16F80];
	[tilespmem:s16+$0x1CE80] =	vst v12;
	v7 =	vadd.f32 v8, v7;
	v8 =	vadd.f32 v15, v11  }
0x26c: {  	v11 =	vld [tilespmem:s0+$0x17000]  }
0x26d: {  	v12 =	vld [tilespmem:s0+$0xC480];
	v7 =	vmul.f32 $2.500000000e-01, v7;
	v9 =	vadd.f32 v13, v9  }
0x26e: {  	v13 =	vld [tilespmem:s0+$0xC500]  }
0x26f: {  	v15 =	vld [tilespmem:s0+$0xC580];
	[tilespmem:s16+$0x1CF00] =	vst v7;
	v7 =	vadd.f32 v9, v8  }
0x270: {  	v8 =	vld [tilespmem:s0+$0xC600]  }
0x271: {  	v10 =	vadd.f32 v10, v14;
	v9 =	vld [tilespmem:s0+$0xC680];
	v11 =	vadd.f32 v11, v16;
	v7 =	vmul.f32 $2.500000000e-01, v7  }
0x272: {  	v14 =	vld [tilespmem:s0+$0xC700]  }
0x273: {  	v12 =	vadd.f32 v13, v12;
	v13 =	vld [tilespmem:s0+$0xC780];
	v10 =	vadd.f32 v11, v10;
	[tilespmem:s16+$0x1CF80] =	vst v7;
	s16 =	smov.u32 s0  }
0x274: {  	v7 =	vld [tilespmem:s16+$0xC800]  }
0x275: {  	v8 =	vadd.f32 v8, v15;
	v11 =	vld [tilespmem:s16+$0xDC80];
	v10 =	vmul.f32 $2.500000000e-01, v10  }
0x276: {  	v15 =	vld [tilespmem:s16+$0xDD00]  }
0x277: {  	v8 =	vadd.f32 v8, v12;
	v9 =	vadd.f32 v14, v9;
	v12 =	vld [tilespmem:s16+$0xDD80];
	[tilespmem:s16+$0x1D000] =	vst v10  }
0x278: {  	v10 =	vld [tilespmem:s16+$0xDE00]  }
0x279: {  	v8 =	vmul.f32 $2.500000000e-01, v8;
	v7 =	vadd.f32 v7, v13;
	v13 =	vld [tilespmem:s16+$0xDE80]  }
0x27a: {  	v14 =	vld [tilespmem:s16+$0xDF00]  }
0x27b: {  	[tilespmem:s16+$0x1B480] =	vst v8;
	v7 =	vadd.f32 v7, v9;
	v8 =	vadd.f32 v15, v11;
	v9 =	vld [tilespmem:s16+$0xDF80]  }
0x27c: {  	v11 =	vld [tilespmem:s16+$0xE000]  }
0x27d: {  	v7 =	vmul.f32 $2.500000000e-01, v7;
	v10 =	vadd.f32 v10, v12;
	v12 =	vld [tilespmem:s16+$0xF480]  }
0x27e: {  	v15 =	vld [tilespmem:s16+$0xF500]  }
0x27f: {  	[tilespmem:s16+$0x1B500] =	vst v7;
	v7 =	vadd.f32 v10, v8;
	v8 =	vadd.f32 v14, v13;
	v10 =	vld [tilespmem:s16+$0xF580]  }
0x280: {  	v13 =	vld [tilespmem:s16+$0xF600]  }
0x281: {  	v7 =	vmul.f32 $2.500000000e-01, v7;
	v9 =	vadd.f32 v11, v9;
	v11 =	vld [tilespmem:s16+$0xF680]  }
0x282: {  	v14 =	vld [tilespmem:s16+$0xF700]  }
0x283: {  	[tilespmem:s16+$0x1B580] =	vst v7;
	v7 =	vadd.f32 v9, v8;
	v8 =	vadd.f32 v15, v12;
	v9 =	vld [tilespmem:s16+$0xF780]  }
0x284: {  	v12 =	vld [tilespmem:s16+$0xF800]  }
0x285: {  	v7 =	vmul.f32 $2.500000000e-01, v7;
	v10 =	vadd.f32 v13, v10;
	v13 =	vld [tilespmem:s16+$0x10C80]  }
0x286: {  	v15 =	vld [tilespmem:s16+$0x10D00]  }
0x287: {  	[tilespmem:s16+$0x1B600] =	vst v7;
	v7 =	vadd.f32 v10, v8;
	v8 =	vadd.f32 v14, v11;
	v10 =	vld [tilespmem:s16+$0x10D80]  }
0x288: {  	v11 =	vld [tilespmem:s16+$0x10E00]  }
0x289: {  	v7 =	vmul.f32 $2.500000000e-01, v7;
	v9 =	vadd.f32 v12, v9;
	v12 =	vld [tilespmem:s16+$0x10E80]  }
0x28a: {  	v14 =	vld [tilespmem:s16+$0x10F00]  }
0x28b: {  	[tilespmem:s16+$0x1B680] =	vst v7;
	v7 =	vadd.f32 v9, v8;
	v8 =	vadd.f32 v15, v13;
	v9 =	vld [tilespmem:s16+$0x10F80]  }
0x28c: {  	v13 =	vld [tilespmem:s16+$0x11000]  }
0x28d: {  	v7 =	vmul.f32 $2.500000000e-01, v7;
	v10 =	vadd.f32 v11, v10;
	v11 =	vld [tilespmem:s16+$0x12480]  }
0x28e: {  	v15 =	vld [tilespmem:s16+$0x12500]  }
0x28f: {  	[tilespmem:s16+$0x1B700] =	vst v7;
	v7 =	vadd.f32 v10, v8;
	v8 =	vadd.f32 v14, v12;
	v10 =	vld [tilespmem:s16+$0x12580]  }
0x290: {  	v12 =	vld [tilespmem:s16+$0x12600]  }
0x291: {  	v7 =	vmul.f32 $2.500000000e-01, v7;
	v9 =	vadd.f32 v13, v9;
	v13 =	vld [tilespmem:s16+$0x12680]  }
0x292: {  	v14 =	vld [tilespmem:s16+$0x12700]  }
0x293: {  	[tilespmem:s16+$0x1B780] =	vst v7;
	v7 =	vadd.f32 v9, v8;
	v8 =	vadd.f32 v15, v11;
	v9 =	vld [tilespmem:s16+$0x12780]  }
0x294: {  	v11 =	vld [tilespmem:s16+$0x12800]  }
0x295: {  	v7 =	vmul.f32 $2.500000000e-01, v7;
	v10 =	vadd.f32 v12, v10;
	v12 =	vld [tilespmem:s16+$0x13C80]  }
0x296: {  	v15 =	vld [tilespmem:s16+$0x13D00]  }
0x297: {  	[tilespmem:s16+$0x1B800] =	vst v7;
	v7 =	vadd.f32 v10, v8;
	v8 =	vadd.f32 v14, v13;
	v10 =	vld [tilespmem:s16+$0x13D80]  }
0x298: {  	v13 =	vld [tilespmem:s16+$0x13E00]  }
0x299: {  	v7 =	vmul.f32 $2.500000000e-01, v7;
	v9 =	vadd.f32 v11, v9;
	v11 =	vld [tilespmem:s16+$0x13E80]  }
0x29a: {  	v14 =	vld [tilespmem:s16+$0x13F00]  }
0x29b: {  	[tilespmem:s16+$0x1CC80] =	vst v7;
	v7 =	vadd.f32 v9, v8;
	v8 =	vadd.f32 v15, v12;
	v9 =	vld [tilespmem:s16+$0x13F80]  }
0x29c: {  	v12 =	vld [tilespmem:s16+$0x14000]  }
0x29d: {  	v7 =	vmul.f32 $2.500000000e-01, v7;
	v10 =	vadd.f32 v13, v10;
	v13 =	vld [tilespmem:s16+$0x15480]  }
0x29e: {  	v15 =	vld [tilespmem:s16+$0x15500]  }
0x29f: {  	[tilespmem:s16+$0x1CD00] =	vst v7;
	v7 =	vadd.f32 v10, v8;
	v8 =	vadd.f32 v14, v11;
	v11 =	vld [tilespmem:s16+$0x15580]  }
0x2a0: {  	v16 =	vld [tilespmem:s16+$0x15600]  }
.Ltmp11:
0x2a1: {  	v10 =	vmul.f32 $2.500000000e-01, v7;
	v12 =	vadd.f32 v12, v9;
	v7 =	vld [tilespmem:s16+$0x15680];
	(pc) =	sbr.rel @p0 .LBB2_14-.Ltmp11, $4  }
0x2a2: {  	v9 =	vld [tilespmem:s16+$0x15700]  }
0x2a3: {  	[tilespmem:s16+$0x1CD80] =	vst v10;
	v14 =	vadd.f32 v12, v8;
	v12 =	vadd.f32 v15, v13;
	v8 =	vld [tilespmem:s16+$0x15780]  }
0x2a4: {  	v10 =	vld [tilespmem:s16+$0x15800]  }
0x2a5: {  	v14 =	vmul.f32 $2.500000000e-01, v14;
	v13 =	vadd.f32 v16, v11;
	v11 =	vld [tilespmem:s16+$0x16C80]  }
0x2a6: {  	v15 =	vld [tilespmem:s16+$0x16D00]  }
0x2a7: {  	v61 =	vld [tilespmem:s16+$0x16D80]  }
0x2a8: {  	v16 =	vld [tilespmem:s16+$0x16E00];
	_ =	sdelay $0x2  }
0x2a9: {  	v12 =	vadd.f32 v13, v12  }
0x2aa: {  	v7 =	vadd.f32 v9, v7;
	v8 =	vadd.f32 v10, v8  }
0x2ab: {  	v62 =	vadd.f32 v15, v11;
	v63 =	vadd.f32 v16, v61  }
0x2ac: {  	v7 =	vadd.f32 v8, v7  }
.Ltmp12:
0x2ad: {  	v8 =	vmul.f32 $2.500000000e-01, v12;
	v9 =	vadd.f32 v63, v62;
	(pc) =	sbr.rel .LBB2_20-.Ltmp12, $4  }
0x2ae: {  	[tilespmem:s16+$0x1CE00] =	vst v14;
	v7 =	vmul.f32 $2.500000000e-01, v7  }
0x2af: {  	[tilespmem:s16+$0x1CE80] =	vst v8;
	v8 =	vmul.f32 $2.500000000e-01, v9  }
0x2b0: {  	[tilespmem:s16+$0x1CF00] =	vst v7  }
0x2b1: {  	[tilespmem:s16+$0x1CF80] =	vst v8  }
.LBB2_16:
0x2b2: {  	vm1 =	vlt.s32 v10, $0x1  }
0x2b3: {  	v10 =	vnsel vm1, $0x1, v10;
	vm1 =	vlt.s32 v9, $0x1  }
0x2b4: {  	v10 =	vcvt.s32.f32 v10;
	v9 =	vnsel vm1, $0x1, v9;
	vm1 =	vlt.s32 v8, $0x1  }
0x2b5: {  	v9 =	vcvt.s32.f32 v9;
	v8 =	vnsel vm1, $0x1, v8;
	vm1 =	vlt.s32 v7, $0x1  }
0x2b6: {  	[tilespmem:$0x400] =	vst v10;
	v8 =	vcvt.s32.f32 v8;
	v7 =	vnsel vm1, $0x1, v7  }
0x2b7: {  	[tilespmem:$0x410] =	vst v9;
	v7 =	vcvt.s32.f32 v7  }
0x2b8: {  	[tilespmem:$0x420] =	vst v8  }
0x2b9: {  	[tilespmem:$0x430] =	vst v7  }
0x2ba: {  	v7 =	vld.idx.msk [tilespmem:v1+s13+$0x0], $0xffff  }
0x2bb: {  	v8 =	vld.idx.msk [tilespmem:v4+s13+$0x0], $0xffff;
	_ =	sdelay $0x1  }
0x2bc: {  	v9 =	vld.idx.msk [tilespmem:v5+s13+$0x0], $0xffff;
	_ =	sdelay $0x1  }
0x2bd: {  	v10 =	vld.idx.msk [tilespmem:v6+s13+$0x0], $0xffff  }
0x2be: {  	v11 =	vadd.f32 v8, v7;
	_ =	sdelay $0x1  }
0x2bf: {  	v11 =	vadd.f32 v9, v11;
	_ =	sdelay $0x1  }
0x2c0: {  	v11 =	vadd.f32 v10, v11;
	_ =	sdelay $0x1  }
0x2c1: {  	v11 =	vmax.f32 v11, $1.000000000e+00  }
0x2c2: {  	(erf) = vrcp.f32 v11;
	_ =	sdelay $0x8  }
0x2c3: {  	v11 =	vpop (erf)  }
0x2c4: {  	v7 =	vmul.f32 v11, v7  }
0x2c5: {  	v8 =	vmul.f32 v11, v8  }
0x2c6: {  	[tilespmem:v1+s13+$0x0] =	vst.idx.msk $0xffff, v7;
	v7 =	vmul.f32 v11, v9  }
0x2c7: {  	[tilespmem:v4+s13+$0x0] =	vst.idx.msk $0xffff, v8;
	v8 =	vmul.f32 v11, v10  }
0x2c8: {  	[tilespmem:v5+s13+$0x0] =	vst.idx.msk $0xffff, v7  }
0x2c9: {  	s16 =	simm.s32 $0x0;
	s17 =	simm.s32 $0x0;
	[tilespmem:v6+s13+$0x0] =	vst.idx.msk $0xffff, v8  }
.LBB2_17:
0x2ca: {  	s0 =	sshll.u32 s17, $0x2  }
0x2cb: {  	s6 =	sshrl.u32 s17, $0x1;
	v7 =	vmov s0  }
0x2cc: {  	s6 =	smul.u32 $0x6000, s6;
	v7 =	vbroadcast v7, $0x0  }
0x2cd: {  	s2 =	sor.u32 $0x1, s0  }
0x2ce: {  	s10 =	sshllo.u32 s17, $0x2;
	s19 =	sshll.u32 s17, $0x9;
	v8 =	vmov s2;
	s6 =	sshra.s32 s6, $0x2  }
0x2cf: {  	s0 =	sor.u32 $0x2, s0;
	v8 =	vbroadcast v8, $0x0;
	s18 =	sadd.s32 $0xC480, s6;
	s6 =	sand.u32 $0x1C00, s16  }
0x2d0: {  	s19 =	sand.u32 $0x200, s19;
	v9 =	vmov s0;
	s2 =	sshll.u32 s2, $0x7;
	s24 =	sadd.s32 s6, s18  }
0x2d1: {  	s23 =	sand.u32 $0x70, s16;
	v9 =	vbroadcast v9, $0x0;
	s20 =	sand.u32 $0x280, s2;
	s26 =	sadd.s32 s19, s24  }
0x2d2: {  	s0 =	sshll.u32 s0, $0x7;
	s22 =	sadd.s32 s20, s24;
	s2 =	sadd.s32 s23, s26;
	v7 =	vld.idx.msk [tilespmem:v7+s13+$0x0], $0xffff  }
0x2d3: {  	v10 =	vmov s10;
	s21 =	sand.u32 $0x300, s0;
	s30 =	sadd.s32 s23, s22;
	v11 =	vld [tilespmem:s2+$0x0]  }
0x2d4: {  	s31 =	sshll.u32 s10, $0x7;
	s10 =	sadd.s32 s21, s24;
	v12 =	vld [tilespmem:s30+$0x0]  }
0x2d5: {  	s0 =	sadd.s32 s23, s10;
	v8 =	vld.idx.msk [tilespmem:v8+s13+$0x0], $0xffff  }
0x2d6: {  	s22 =	sand.u32 $0x380, s31;
	v13 =	vld [tilespmem:s0+$0x0]  }
0x2d7: {  	s25 =	sadd.s32 s22, s24;
	v9 =	vld.idx.msk [tilespmem:v9+s13+$0x0], $0xffff  }
0x2d8: {  	v10 =	vld.idx.msk [tilespmem:v10+s13+$0x0], $0xffff;
	s0 =	sadd.s32 s23, s25  }
0x2d9: {  	v14 =	vld [tilespmem:s0+$0x0]  }
0x2da: {  	s26 =	sshrl.u32 s17, $0x3;
	v11 =	vmul.f32 v11, v7;
	v12 =	vmul.f32 v12, v8  }
0x2db: {  	s0 =	smul.u32 $0x6000, s26  }
0x2dc: {  	s30 =	sshll.u32 s17, $0x7;
	v62 =	vmul.f32 v13, v9;
	v11 =	vadd.f32 v12, v11  }
0x2dd: {  	s2 =	sand.u32 $0x380, s30;
	s0 =	sshra.s32 s0, $0x2  }
0x2de: {  	s31 =	simm.s32 $0x10;
	s25 =	simm.s32 $0x80;
	s0 =	sor.u32 s2, s0;
	v63 =	vmul.f32 v14, v10;
	v11 =	vadd.f32 v62, v11  }
0x2df: {  	s28 =	sand.u32 $0x70, s31;
	s29 =	sand.u32 $0x1C00, s25;
	s24 =	sadd.s32 $0x1B480, s0  }
0x2e0: {  	s26 =	simm.s32 $0x20;
	s0 =	sadd.s32 s29, s18;
	s2 =	sadd.s32 s6, s24;
	v11 =	vadd.f32 v63, v11  }
.LBB2_18:
0x2e1: {  	p0 =	sne.s32 s26, $0x2F0;
	s6 =	sadd.s32 s19, s0;
	s2 =	sadd.s32 s23, s2  }
0x2e2: {  	s10 =	sadd.s32 s20, s0;
	s23 =	smov.u32 s28;
	s6 =	sadd.s32 s28, s6;
	[tilespmem:s2+$0x0] =	vst v11  }
0x2e3: {  	s2 =	sadd.s32 s23, s10;
	v11 =	vld [tilespmem:s6+$0x0];
	s6 =	smov.u32 s29  }
0x2e4: {  	v12 =	vld [tilespmem:s2+$0x0];
	s2 =	sadd.s32 s21, s0  }
0x2e5: {  	s2 =	sadd.s32 s23, s2  }
0x2e6: {  	s0 =	sadd.s32 s22, s0;
	v13 =	vld [tilespmem:s2+$0x0]  }
0x2e7: {  	s0 =	sadd.s32 s23, s0  }
0x2e8: {  	v14 =	vld [tilespmem:s0+$0x0]  }
0x2e9: {  	v11 =	vmul.f32 v11, v7;
	v12 =	vmul.f32 v12, v8;
	_ =	sdelay $0x1  }
.Ltmp13:
0x2ea: {  	v11 =	vadd.f32 v12, v11;
	v12 =	vmul.f32 v13, v9;
	(pc) =	sbr.rel @p0 .LBB2_18-.Ltmp13, $4  }
0x2eb: {  	_ = 	snop  }
0x2ec: {  	s25 =	sadd.s32 $0x80, s25;
	v11 =	vadd.f32 v12, v11;
	v12 =	vmul.f32 v14, v10  }
0x2ed: {  	s28 =	sand.u32 $0x70, s26;
	s29 =	sand.u32 $0x1C00, s25  }
0x2ee: {  	s26 =	sadd.s32 $0x10, s26;
	s2 =	sadd.s32 s6, s24;
	s0 =	sadd.s32 s29, s18;
	v11 =	vadd.f32 v12, v11  }
0x2ef: {  	s6 =	sadd.s32 s19, s0;
	s2 =	sadd.s32 s23, s2  }
0x2f0: {  	s10 =	sadd.s32 s20, s0;
	s6 =	sadd.s32 s28, s6;
	[tilespmem:s2+$0x0] =	vst v11  }
0x2f1: {  	s25 =	sadd.s32 s28, s10;
	v11 =	vld [tilespmem:s6+$0x0]  }
0x2f2: {  	s26 =	sadd.s32 s21, s0;
	v12 =	vld [tilespmem:s25+$0x0]  }
0x2f3: {  	s2 =	sadd.s32 s28, s26  }
0x2f4: {  	s30 =	sadd.s32 s22, s0;
	v13 =	vld [tilespmem:s2+$0x0]  }
0x2f5: {  	s0 =	sadd.s32 s28, s30  }
0x2f6: {  	v14 =	vld [tilespmem:s0+$0x0]  }
0x2f7: {  	v7 =	vmul.f32 v11, v7;
	v8 =	vmul.f32 v12, v8;
	_ =	sdelay $0x1  }
0x2f8: {  	s17 =	sadd.s32 $0x1, s17;
	v7 =	vadd.f32 v8, v7;
	v8 =	vmul.f32 v13, v9  }
0x2f9: {  	p0 =	sne.s32 s17, $0x10  }
.Ltmp14:
0x2fa: {  	v7 =	vadd.f32 v8, v7;
	v8 =	vmul.f32 v14, v10;
	(pc) =	sbr.rel @p0 .LBB2_17-.Ltmp14, $4  }
.Ltmp15:
0x2fb: {  	_ = 	snop;
	(pc) =	sbr.rel @!p0 .LBB2_20-.Ltmp15, $4  }
0x2fc: {  	s31 =	sadd.s32 s29, s24;
	v7 =	vadd.f32 v8, v7  }
0x2fd: {  	s0 =	sadd.s32 s28, s31  }
0x2fe: {  	[tilespmem:s0+$0x0] =	vst v7  }
0x2ff: {  	_ = 	snop  }
.LBB2_22:
0x300: {  	_ =	sfence.sel $0x180000  }
0x301: {  	[bflag:$0x0] =	sbarrier.arrive $0xFFFF  }
0x302: {  	_ =	strace $0x90000047  }
0x303: {  	s0 =	stileid.u32;
	[bflag:$0x2] =	sbarrier.arrive $0xFFFF  }
0x304: {  	p0 =	sne.s32 s0, $0x0;
	s0 =	rddreg [dreg:$0x3]  }
0x305: {  	s0 =	sadd.s32 @!p0 $0x100000, s0  }
0x306: {  	[sflag:s0] =	ssyncadd.tile.s32 @!p0 $0x1;
	_ =	shalt  }
.Lfunc_end2:
_tile_overlayer_lowered:
.L_overlay_start_2:
0x307: {  	(tag) =	ssettag $0x2  }
0x308: {  	s0 =	rddreg [dreg:$0x0];
	s2 =	stileid.u32  }
0x309: {  	s1 =	rddreg [dreg:$0x1];
	p0 =	sne.s32 s2, $0x0  }
0x30a: {  	s3 =	rddreg [dreg:$0x2];
	[bflag:$0x3] =	sbarrier.arrive $0xFFFF;
	s2 =	simm.s32 @!p0 $0x1C05  }
0x30b: {  	[timem:s3], [sflag:s2] =	dma.local @!p0 [hbm:s0], s1  }
0x30c: {  	s0 =	simm.s32 @!p0 $0x5  }
0x30d: {  	_ =	swait.ge @!p0 [sflag:s0], s1  }
0x30e: {  	s1 =	ssub.s32 @!p0 $0x0, s1;
	[sflag:s0] =	ssyncset.done @!p0 $0x0  }
0x30f: {  	[sflag:s0] =	ssyncadd.s32 @!p0 s1  }
0x310: {  	[bflag:$0x3] =	sbarrier.arrive $0xFFFF  }
0x311: {  	_ =	shalt  }

</sc_bundles>
